<compile_context>
chip_gen: v7x
topology: tpu7x:2x2x1
jax: 0.10.2.dev20260603
libtpu: 0.0.44.dev20260713+nightly
codegen_flags: <defaults>
</compile_context>

<pallas_src>
import jax
import jax.numpy as jnp
from jax import lax
from jax.experimental import pallas as pl
from jax.experimental.pallas import tpu as pltpu
from jax.experimental.pallas import tpu_sc as plsc

NUM_ROWS = 1000000
EMB_D = 32
BATCH = 16384
SEQ = 50
NUM_TOKENS = BATCH * SEQ
CHUNK = 128
NUM_CHUNKS = NUM_TOKENS // CHUNK
NC, NS = 2, 16
NW = NC * NS
CH_PER_W = NUM_CHUNKS // NW
CHB_PER_S = BATCH // CHUNK

DEPTH = 8
LAG = 2
SLAB = 4
TB = 2
GROUPS = CH_PER_W // DEPTH
SLABS_PER_W = CH_PER_W // SLAB


def _iota16():
    return lax.iota(jnp.int32, 16)


def _transpose_chunk(src, dst, off):
    def body(tid, n):
        for u in range(8):
            t = tid * 8 + u
            col = jnp.full((16,), off, jnp.int32) + t
            v0 = src[t, pl.ds(0, 16)]
            plsc.store_scatter(dst, [_iota16(), col], v0)
            v1 = src[t, pl.ds(16, 16)]
            plsc.store_scatter(dst, [_iota16() + 16, col], v1)
        return n

    lax.fori_loop(0, CHUNK // 8, body, 0)


def _gather_body(idx_hbm, rows_hbm, out_hbm, idx_v, *rest):
    rows = rest[:DEPTH]
    gsem = rest[DEPTH:2 * DEPTH]
    tbuf = rest[2 * DEPTH:2 * DEPTH + TB]
    ssem = rest[2 * DEPTH + TB:2 * DEPTH + 2 * TB]
    wid = lax.axis_index("s") * NC + lax.axis_index("c")
    ch_base = wid * CH_PER_W
    pltpu.sync_copy(idx_hbm.at[pl.ds(ch_base, CH_PER_W)], idx_v)

    def gather_start(chunk, slot):
        pltpu.async_copy(rows_hbm.at[idx_v.at[chunk]], rows[slot],
                         gsem[slot])

    def gather_wait(slot):
        pltpu.make_async_copy(rows_hbm.at[pl.ds(0, CHUNK)], rows[slot],
                              gsem[slot]).wait()

    def store_start(slab, slot):
        c = ch_base + slab * SLAB
        s = c // CHB_PER_S
        b0 = (c % CHB_PER_S) * CHUNK
        pltpu.async_copy(tbuf[slot],
                         out_hbm.at[s, :, pl.ds(b0, SLAB * CHUNK)],
                         ssem[slot])

    def store_wait(slot):
        pltpu.make_async_copy(tbuf[slot],
                              out_hbm.at[0, :, pl.ds(0, SLAB * CHUNK)],
                              ssem[slot]).wait()

    for m in range(DEPTH - LAG):
        gather_start(m, m)

    def group(g, _):
        for b in range(DEPTH):
            j = g * DEPTH + b
            sl = (b - LAG) % DEPTH
            if b >= LAG:
                @pl.when(g < GROUPS - 1)
                def _():
                    gather_start(j + DEPTH - LAG, sl)
            else:
                gather_start(j + DEPTH - LAG, sl)
            gather_wait(b)
            sb = b // SLAB
            slab = g * (DEPTH // SLAB) + sb
            if b % SLAB == 0:
                @pl.when(g >= 1)
                def _():
                    store_wait(sb)
            _transpose_chunk(rows[b], tbuf[sb], (b % SLAB) * CHUNK)
            if b % SLAB == SLAB - 1:
                store_start(slab, sb)
        return 0

    lax.fori_loop(0, GROUPS, group, 0)

    for i in range(TB):
        store_wait(i)


@jax.jit
def _embed(idx2d, rows_table):
    mesh = plsc.VectorSubcoreMesh(core_axis_name="c", subcore_axis_name="s")
    gather = pl.kernel(
        _gather_body,
        out_type=jax.ShapeDtypeStruct((SEQ, EMB_D, BATCH), jnp.float32),
        mesh=mesh,
        scratch_types=(
            [pltpu.VMEM((CH_PER_W, CHUNK), jnp.int32)]
            + [pltpu.VMEM((CHUNK, EMB_D), jnp.float32) for _ in range(DEPTH)]
            + [pltpu.SemaphoreType.DMA for _ in range(DEPTH)]
            + [pltpu.VMEM((EMB_D, SLAB * CHUNK), jnp.float32)
               for _ in range(TB)]
            + [pltpu.SemaphoreType.DMA for _ in range(TB)]
        ),
        compiler_params=pltpu.CompilerParams(use_tc_tiling_on_sc=False, needs_layout_passes=False),
    )
    return gather(idx2d, rows_table)


def kernel(token_ids, embedding_matrix):
    idx2d = token_ids.T.reshape(NUM_CHUNKS, CHUNK).astype(jnp.int32)
    out = _embed(idx2d, embedding_matrix)
    return out.transpose(2, 0, 1)

# --- scband reference (transcript-rebuilt; emitter-appended) ---
"""Pipeline reference for scband-embedding-15564961480719 (READ-ONLY COPY).

The authoritative reference and input builder live on the scoring server;
editing this copy changes nothing except your own understanding.
"""

import jax, jax.numpy as jnp
import numpy as np

NUM_EMBEDDINGS = 1000000
EMBEDDING_DIM = 32

def setup_inputs(seed: int = 0) -> dict:
    key = jax.random.key(seed)
    k_idx, k_w = jax.random.split(key)
    token_ids = jax.random.randint(k_idx, (16384, 50), 0, NUM_EMBEDDINGS, dtype=jnp.int64 if jax.config.jax_enable_x64 else jnp.int32)
    # trunc_normal(0, 1, -3, 3) approximation via truncated normal
    embedding_matrix = jax.random.truncated_normal(k_w, -3.0, 3.0, (NUM_EMBEDDINGS, EMBEDDING_DIM), dtype=jnp.float32)
    return {"token_ids": token_ids, "embedding_matrix": embedding_matrix}

def reference(token_ids, embedding_matrix):
    # W[X]: gather rows of embedding table by token ids
    return jnp.take(embedding_matrix, token_ids, axis=0)

if __name__ == "__main__":
    import jax
    _d = setup_inputs()
    print(jax.jit(kernel)(*tuple(_d.values())))

</pallas_src>

<mosaic_0001>
#map = affine_map<(d0, d1) -> (0, 0)>
#map1 = affine_map<(d0, d1) -> (0, 0, 0)>
module attributes {stable_mosaic.version = 14 : i64} {
  func.func @_gather_body(%arg0: i32, %arg1: i32, %arg2: memref<6400x128xi32, #tpu.memory_space<hbm>>, %arg3: memref<1000000x32xf32, #tpu.memory_space<hbm>>, %arg4: memref<50x32x16384xf32, #tpu.memory_space<hbm>>, %arg5: memref<200x128xi32, #tpu.memory_space<vmem>>, %arg6: memref<128x32xf32, #tpu.memory_space<vmem>>, %arg7: memref<128x32xf32, #tpu.memory_space<vmem>>, %arg8: memref<128x32xf32, #tpu.memory_space<vmem>>, %arg9: memref<128x32xf32, #tpu.memory_space<vmem>>, %arg10: memref<128x32xf32, #tpu.memory_space<vmem>>, %arg11: memref<128x32xf32, #tpu.memory_space<vmem>>, %arg12: memref<128x32xf32, #tpu.memory_space<vmem>>, %arg13: memref<128x32xf32, #tpu.memory_space<vmem>>, %arg14: memref<!tpu.dma_semaphore, #tpu.memory_space<semaphore_mem>>, %arg15: memref<!tpu.dma_semaphore, #tpu.memory_space<semaphore_mem>>, %arg16: memref<!tpu.dma_semaphore, #tpu.memory_space<semaphore_mem>>, %arg17: memref<!tpu.dma_semaphore, #tpu.memory_space<semaphore_mem>>, %arg18: memref<!tpu.dma_semaphore, #tpu.memory_space<semaphore_mem>>, %arg19: memref<!tpu.dma_semaphore, #tpu.memory_space<semaphore_mem>>, %arg20: memref<!tpu.dma_semaphore, #tpu.memory_space<semaphore_mem>>, %arg21: memref<!tpu.dma_semaphore, #tpu.memory_space<semaphore_mem>>, %arg22: memref<32x512xf32, #tpu.memory_space<vmem>>, %arg23: memref<32x512xf32, #tpu.memory_space<vmem>>, %arg24: memref<!tpu.dma_semaphore, #tpu.memory_space<semaphore_mem>>, %arg25: memref<!tpu.dma_semaphore, #tpu.memory_space<semaphore_mem>>) attributes {dimension_semantics = [#tpu.dimension_semantics<core_parallel>, #tpu.dimension_semantics<subcore_parallel>], iteration_bounds = array<i64: 2, 16>, scalar_prefetch = 0 : i64, scratch_operands = 21 : i64, tpu.core_type = #tpu.core_type<sc_vector_subcore>, window_params = [{transform_indices = #map}, {transform_indices = #map}, {transform_indices = #map1}]} {
    %mul3A = arith.constant 2 : i32
    %mul3A_0 = arith.muli %arg1, %mul3A : i32
    %add3A = arith.addi %mul3A_0, %arg0 : i32
    %mul3A_1 = arith.constant 200 : i32
    %mul3A_2 = arith.muli %add3A, %mul3A_1 : i32
    "tpu.region"() ({
      %run_scoped3A = tpu.sem_alloc : memref<!tpu.dma_semaphore, #tpu.memory_space<semaphore_mem>>
      %dma_start3A_67 = arith.constant 0 : i32
      %dma_start3A_68 = tpu.memref_slice %arg2[%mul3A_2, %dma_start3A_67] : memref<6400x128xi32, #tpu.memory_space<hbm>> -> memref<200x128xi32, #tpu.memory_space<hbm>>
      %dma_start3A_69 = arith.constant 0 : i32
      %dma_start3A_70 = tpu.memref_slice %arg2[%mul3A_2, %dma_start3A_69] : memref<6400x128xi32, #tpu.memory_space<hbm>> -> memref<200x128xi32, #tpu.memory_space<hbm>>
      tpu.enqueue_dma source(%dma_start3A_70 : memref<200x128xi32, #tpu.memory_space<hbm>>) target(%arg5 : memref<200x128xi32, #tpu.memory_space<vmem>>) target_semaphore(%run_scoped3A : memref<!tpu.dma_semaphore, #tpu.memory_space<semaphore_mem>>)
      %dma_wait3A_71 = arith.constant 0 : i32
      %dma_wait3A_72 = tpu.memref_slice %arg2[%mul3A_2, %dma_wait3A_71] : memref<6400x128xi32, #tpu.memory_space<hbm>> -> memref<200x128xi32, #tpu.memory_space<hbm>>
      %dma_wait3A_73 = arith.constant 0 : i32
      %dma_wait3A_74 = tpu.memref_slice %arg2[%mul3A_2, %dma_wait3A_73] : memref<6400x128xi32, #tpu.memory_space<hbm>> -> memref<200x128xi32, #tpu.memory_space<hbm>>
      tpu.wait_dma2 semaphore(%run_scoped3A : memref<!tpu.dma_semaphore, #tpu.memory_space<semaphore_mem>>) src(%dma_wait3A_74 : memref<200x128xi32, #tpu.memory_space<hbm>>) dst(%arg5 : memref<200x128xi32, #tpu.memory_space<vmem>>)
      tpu.yield
    }) : () -> ()
    %dma_start3A = arith.constant 0 : i32
    %dma_start3A_3 = arith.constant 0 : i32
    %dma_start3A_4 = tpu.memref_slice %arg5[%dma_start3A, %dma_start3A_3] : memref<200x128xi32, #tpu.memory_space<vmem>> -> memref<1x128xi32, #tpu.memory_space<vmem>>
    %dma_start3A_5 = tpu.memref_squeeze %dma_start3A_4 : memref<1x128xi32, #tpu.memory_space<vmem>> -> memref<128xi32, #tpu.memory_space<vmem>>
    %dma_start3A_6 = arith.constant 0 : i32
    %dma_start3A_7 = arith.constant 0 : i32
    %dma_start3A_8 = tpu.memref_slice %arg3[%dma_start3A_6, %dma_start3A_7] : memref<1000000x32xf32, #tpu.memory_space<hbm>> -> memref<1000000x32xf32, #tpu.memory_space<hbm>>
    tpu.enqueue_indirect_dma source(%dma_start3A_8 : memref<1000000x32xf32, #tpu.memory_space<hbm>>) target(%arg6 : memref<128x32xf32, #tpu.memory_space<vmem>>) offsets(%dma_start3A_5 : memref<128xi32, #tpu.memory_space<vmem>>) semaphore(%arg14 : memref<!tpu.dma_semaphore, #tpu.memory_space<semaphore_mem>>)
    %dma_start3A_9 = arith.constant 1 : i32
    %dma_start3A_10 = arith.constant 0 : i32
    %dma_start3A_11 = tpu.memref_slice %arg5[%dma_start3A_9, %dma_start3A_10] : memref<200x128xi32, #tpu.memory_space<vmem>> -> memref<1x128xi32, #tpu.memory_space<vmem>>
    %dma_start3A_12 = tpu.memref_squeeze %dma_start3A_11 : memref<1x128xi32, #tpu.memory_space<vmem>> -> memref<128xi32, #tpu.memory_space<vmem>>
    %dma_start3A_13 = arith.constant 0 : i32
    %dma_start3A_14 = arith.constant 0 : i32
    %dma_start3A_15 = tpu.memref_slice %arg3[%dma_start3A_13, %dma_start3A_14] : memref<1000000x32xf32, #tpu.memory_space<hbm>> -> memref<1000000x32xf32, #tpu.memory_space<hbm>>
    tpu.enqueue_indirect_dma source(%dma_start3A_15 : memref<1000000x32xf32, #tpu.memory_space<hbm>>) target(%arg7 : memref<128x32xf32, #tpu.memory_space<vmem>>) offsets(%dma_start3A_12 : memref<128xi32, #tpu.memory_space<vmem>>) semaphore(%arg15 : memref<!tpu.dma_semaphore, #tpu.memory_space<semaphore_mem>>)
    %dma_start3A_16 = arith.constant 2 : i32
    %dma_start3A_17 = arith.constant 0 : i32
    %dma_start3A_18 = tpu.memref_slice %arg5[%dma_start3A_16, %dma_start3A_17] : memref<200x128xi32, #tpu.memory_space<vmem>> -> memref<1x128xi32, #tpu.memory_space<vmem>>
    %dma_start3A_19 = tpu.memref_squeeze %dma_start3A_18 : memref<1x128xi32, #tpu.memory_space<vmem>> -> memref<128xi32, #tpu.memory_space<vmem>>
    %dma_start3A_20 = arith.constant 0 : i32
    %dma_start3A_21 = arith.constant 0 : i32
    %dma_start3A_22 = tpu.memref_slice %arg3[%dma_start3A_20, %dma_start3A_21] : memref<1000000x32xf32, #tpu.memory_space<hbm>> -> memref<1000000x32xf32, #tpu.memory_space<hbm>>
    tpu.enqueue_indirect_dma source(%dma_start3A_22 : memref<1000000x32xf32, #tpu.memory_space<hbm>>) target(%arg8 : memref<128x32xf32, #tpu.memory_space<vmem>>) offsets(%dma_start3A_19 : memref<128xi32, #tpu.memory_space<vmem>>) semaphore(%arg16 : memref<!tpu.dma_semaphore, #tpu.memory_space<semaphore_mem>>)
    %dma_start3A_23 = arith.constant 3 : i32
    %dma_start3A_24 = arith.constant 0 : i32
    %dma_start3A_25 = tpu.memref_slice %arg5[%dma_start3A_23, %dma_start3A_24] : memref<200x128xi32, #tpu.memory_space<vmem>> -> memref<1x128xi32, #tpu.memory_space<vmem>>
    %dma_start3A_26 = tpu.memref_squeeze %dma_start3A_25 : memref<1x128xi32, #tpu.memory_space<vmem>> -> memref<128xi32, #tpu.memory_space<vmem>>
    %dma_start3A_27 = arith.constant 0 : i32
    %dma_start3A_28 = arith.constant 0 : i32
    %dma_start3A_29 = tpu.memref_slice %arg3[%dma_start3A_27, %dma_start3A_28] : memref<1000000x32xf32, #tpu.memory_space<hbm>> -> memref<1000000x32xf32, #tpu.memory_space<hbm>>
    tpu.enqueue_indirect_dma source(%dma_start3A_29 : memref<1000000x32xf32, #tpu.memory_space<hbm>>) target(%arg9 : memref<128x32xf32, #tpu.memory_space<vmem>>) offsets(%dma_start3A_26 : memref<128xi32, #tpu.memory_space<vmem>>) semaphore(%arg17 : memref<!tpu.dma_semaphore, #tpu.memory_space<semaphore_mem>>)
    %dma_start3A_30 = arith.constant 4 : i32
    %dma_start3A_31 = arith.constant 0 : i32
    %dma_start3A_32 = tpu.memref_slice %arg5[%dma_start3A_30, %dma_start3A_31] : memref<200x128xi32, #tpu.memory_space<vmem>> -> memref<1x128xi32, #tpu.memory_space<vmem>>
    %dma_start3A_33 = tpu.memref_squeeze %dma_start3A_32 : memref<1x128xi32, #tpu.memory_space<vmem>> -> memref<128xi32, #tpu.memory_space<vmem>>
    %dma_start3A_34 = arith.constant 0 : i32
    %dma_start3A_35 = arith.constant 0 : i32
    %dma_start3A_36 = tpu.memref_slice %arg3[%dma_start3A_34, %dma_start3A_35] : memref<1000000x32xf32, #tpu.memory_space<hbm>> -> memref<1000000x32xf32, #tpu.memory_space<hbm>>
    tpu.enqueue_indirect_dma source(%dma_start3A_36 : memref<1000000x32xf32, #tpu.memory_space<hbm>>) target(%arg10 : memref<128x32xf32, #tpu.memory_space<vmem>>) offsets(%dma_start3A_33 : memref<128xi32, #tpu.memory_space<vmem>>) semaphore(%arg18 : memref<!tpu.dma_semaphore, #tpu.memory_space<semaphore_mem>>)
    %dma_start3A_37 = arith.constant 5 : i32
    %dma_start3A_38 = arith.constant 0 : i32
    %dma_start3A_39 = tpu.memref_slice %arg5[%dma_start3A_37, %dma_start3A_38] : memref<200x128xi32, #tpu.memory_space<vmem>> -> memref<1x128xi32, #tpu.memory_space<vmem>>
    %dma_start3A_40 = tpu.memref_squeeze %dma_start3A_39 : memref<1x128xi32, #tpu.memory_space<vmem>> -> memref<128xi32, #tpu.memory_space<vmem>>
    %dma_start3A_41 = arith.constant 0 : i32
    %dma_start3A_42 = arith.constant 0 : i32
    %dma_start3A_43 = tpu.memref_slice %arg3[%dma_start3A_41, %dma_start3A_42] : memref<1000000x32xf32, #tpu.memory_space<hbm>> -> memref<1000000x32xf32, #tpu.memory_space<hbm>>
    tpu.enqueue_indirect_dma source(%dma_start3A_43 : memref<1000000x32xf32, #tpu.memory_space<hbm>>) target(%arg11 : memref<128x32xf32, #tpu.memory_space<vmem>>) offsets(%dma_start3A_40 : memref<128xi32, #tpu.memory_space<vmem>>) semaphore(%arg19 : memref<!tpu.dma_semaphore, #tpu.memory_space<semaphore_mem>>)
    %scan3A = arith.constant 0 : i32
    %scan3A_44 = arith.constant 0 : i32
    %scan3A_45 = arith.constant 25 : i32
    %scan3A_46 = arith.addi %scan3A_44, %scan3A_45 : i32
    %scan3A_47 = arith.constant 1 : i32
    %scan3A_48 = scf.for %scan3A_67 = %scan3A_44 to %scan3A_46 step %scan3A_47 iter_args(%scan3A_68 = %scan3A) -> (i32)  : i32 {
      %mul3A_69 = arith.constant 8 : i32
      %mul3A_70 = arith.muli %scan3A_67, %mul3A_69 : i32
      %add3A_71 = arith.constant 0 : i32
      %add3A_72 = arith.addi %mul3A_70, %add3A_71 : i32
      %add3A_73 = arith.constant 8 : i32
      %add3A_74 = arith.addi %add3A_72, %add3A_73 : i32
      %sub3A = arith.constant 2 : i32
      %sub3A_75 = arith.subi %add3A_74, %sub3A : i32
      %dma_start3A_76 = arith.constant 0 : i32
      %dma_start3A_77 = tpu.memref_slice %arg5[%sub3A_75, %dma_start3A_76] : memref<200x128xi32, #tpu.memory_space<vmem>> -> memref<1x128xi32, #tpu.memory_space<vmem>>
      %dma_start3A_78 = tpu.memref_squeeze %dma_start3A_77 : memref<1x128xi32, #tpu.memory_space<vmem>> -> memref<128xi32, #tpu.memory_space<vmem>>
      %dma_start3A_79 = arith.constant 0 : i32
      %dma_start3A_80 = arith.constant 0 : i32
      %dma_start3A_81 = tpu.memref_slice %arg3[%dma_start3A_79, %dma_start3A_80] : memref<1000000x32xf32, #tpu.memory_space<hbm>> -> memref<1000000x32xf32, #tpu.memory_space<hbm>>
      tpu.enqueue_indirect_dma source(%dma_start3A_81 : memref<1000000x32xf32, #tpu.memory_space<hbm>>) target(%arg12 : memref<128x32xf32, #tpu.memory_space<vmem>>) offsets(%dma_start3A_78 : memref<128xi32, #tpu.memory_space<vmem>>) semaphore(%arg20 : memref<!tpu.dma_semaphore, #tpu.memory_space<semaphore_mem>>)
      %dma_wait3A_82 = arith.constant 0 : i32
      %dma_wait3A_83 = arith.constant 0 : i32
      %dma_wait3A_84 = tpu.memref_slice %arg3[%dma_wait3A_82, %dma_wait3A_83] : memref<1000000x32xf32, #tpu.memory_space<hbm>> -> memref<128x32xf32, #tpu.memory_space<hbm>>
      %dma_wait3A_85 = arith.constant 0 : i32
      %dma_wait3A_86 = arith.constant 0 : i32
      %dma_wait3A_87 = tpu.memref_slice %arg3[%dma_wait3A_85, %dma_wait3A_86] : memref<1000000x32xf32, #tpu.memory_space<hbm>> -> memref<128x32xf32, #tpu.memory_space<hbm>>
      tpu.wait_dma2 semaphore(%arg14 : memref<!tpu.dma_semaphore, #tpu.memory_space<semaphore_mem>>) src(%dma_wait3A_87 : memref<128x32xf32, #tpu.memory_space<hbm>>) dst(%arg6 : memref<128x32xf32, #tpu.memory_space<vmem>>)
      %mul3A_88 = arith.constant 2 : i32
      %mul3A_89 = arith.muli %scan3A_67, %mul3A_88 : i32
      %add3A_90 = arith.constant 0 : i32
      %add3A_91 = arith.addi %mul3A_89, %add3A_90 : i32
      %ge3A = arith.constant 1 : i32
      %ge3A_92 = arith.cmpi sge, %scan3A_67, %ge3A : i32
      %convert_element_type3A = arith.extui %ge3A_92 : i1 to i32
      %cond3A = arith.constant 0 : i32
      %cond3A_93 = arith.cmpi ne, %convert_element_type3A, %cond3A : i32
      scf.if %cond3A_93 {
        %dma_wait3A_379 = arith.constant 0 : i32
        %dma_wait3A_380 = arith.constant 0 : i32
        %dma_wait3A_381 = arith.constant 0 : i32
        %dma_wait3A_382 = tpu.memref_slice %arg4[%dma_wait3A_379, %dma_wait3A_380, %dma_wait3A_381] : memref<50x32x16384xf32, #tpu.memory_space<hbm>> -> memref<1x32x512xf32, #tpu.memory_space<hbm>>
        %dma_wait3A_383 = tpu.memref_squeeze %dma_wait3A_382 : memref<1x32x512xf32, #tpu.memory_space<hbm>> -> memref<32x512xf32, #tpu.memory_space<hbm>>
        %dma_wait3A_384 = arith.constant 0 : i32
        %dma_wait3A_385 = arith.constant 0 : i32
        %dma_wait3A_386 = tpu.memref_slice %arg4[%dma_wait3A_379, %dma_wait3A_384, %dma_wait3A_385] : memref<50x32x16384xf32, #tpu.memory_space<hbm>> -> memref<1x32x512xf32, #tpu.memory_space<hbm>>
        %dma_wait3A_387 = tpu.memref_squeeze %dma_wait3A_386 : memref<1x32x512xf32, #tpu.memory_space<hbm>> -> memref<32x512xf32, #tpu.memory_space<hbm>>
        tpu.wait_dma2 semaphore(%arg24 : memref<!tpu.dma_semaphore, #tpu.memory_space<semaphore_mem>>) src(%arg22 : memref<32x512xf32, #tpu.memory_space<vmem>>) dst(%dma_wait3A_387 : memref<32x512xf32, #tpu.memory_space<hbm>>)
      } else {
      }
      %scan3A_94 = arith.constant 0 : i32
      %scan3A_95 = arith.constant 0 : i32
      %scan3A_96 = arith.constant 16 : i32
      %scan3A_97 = arith.addi %scan3A_95, %scan3A_96 : i32
      %scan3A_98 = arith.constant 1 : i32
      scf.for %scan3A_379 = %scan3A_95 to %scan3A_97 step %scan3A_98  : i32 {
        %mul3A_380 = arith.constant 8 : i32
        %mul3A_381 = arith.muli %scan3A_379, %mul3A_380 : i32
        %add3A_382 = arith.constant 0 : i32
        %add3A_383 = arith.addi %mul3A_381, %add3A_382 : i32
        %broadcast_in_dim3A = arith.constant 0 : i32
        %broadcast_in_dim3A_384 = vector.broadcast %broadcast_in_dim3A : i32 to vector<16xi32>
        %add3A_385 = vector.broadcast %add3A_383 : i32 to vector<16xi32>
        %add3A_386 = arith.addi %broadcast_in_dim3A_384, %add3A_385 : vector<16xi32>
        %get3A = arith.index_cast %add3A_383 : i32 to index
        %get3A_387 = arith.constant 0 : index
        %get3A_388 = tpu.vector_load %arg6[%get3A, %get3A_387] {strides = array<i32>} : memref<128x32xf32, #tpu.memory_space<vmem>>, vector<16xf32>,
        %iota3A = tpu.iota {dimensions = array<i32: 0>} : vector<16xi32>
        tpu.vector_store_idx %arg22[%iota3A, %add3A_386], %get3A_388 : memref<32x512xf32, #tpu.memory_space<vmem>>[vector<16xi32>, vector<16xi32>], vector<16xf32>,
        %get3A_389 = arith.index_cast %add3A_383 : i32 to index
        %get3A_390 = arith.constant 16 : index
        %get3A_391 = tpu.vector_load %arg6[%get3A_389, %get3A_390] {strides = array<i32>} : memref<128x32xf32, #tpu.memory_space<vmem>>, vector<16xf32>,
        %iota3A_392 = tpu.iota {dimensions = array<i32: 0>} : vector<16xi32>
        %add3A_393 = arith.constant 16 : i32
        %add3A_394 = vector.broadcast %add3A_393 : i32 to vector<16xi32>
        %add3A_395 = arith.addi %iota3A_392, %add3A_394 : vector<16xi32>
        tpu.vector_store_idx %arg22[%add3A_395, %add3A_386], %get3A_391 : memref<32x512xf32, #tpu.memory_space<vmem>>[vector<16xi32>, vector<16xi32>], vector<16xf32>,
        %mul3A_396 = arith.constant 8 : i32
        %mul3A_397 = arith.muli %scan3A_379, %mul3A_396 : i32
        %add3A_398 = arith.constant 1 : i32
        %add3A_399 = arith.addi %mul3A_397, %add3A_398 : i32
        %broadcast_in_dim3A_400 = arith.constant 0 : i32
        %broadcast_in_dim3A_401 = vector.broadcast %broadcast_in_dim3A_400 : i32 to vector<16xi32>
        %add3A_402 = vector.broadcast %add3A_399 : i32 to vector<16xi32>
        %add3A_403 = arith.addi %broadcast_in_dim3A_401, %add3A_402 : vector<16xi32>
        %get3A_404 = arith.index_cast %add3A_399 : i32 to index
        %get3A_405 = arith.constant 0 : index
        %get3A_406 = tpu.vector_load %arg6[%get3A_404, %get3A_405] {strides = array<i32>} : memref<128x32xf32, #tpu.memory_space<vmem>>, vector<16xf32>,
        %iota3A_407 = tpu.iota {dimensions = array<i32: 0>} : vector<16xi32>
        tpu.vector_store_idx %arg22[%iota3A_407, %add3A_403], %get3A_406 : memref<32x512xf32, #tpu.memory_space<vmem>>[vector<16xi32>, vector<16xi32>], vector<16xf32>,
        %get3A_408 = arith.index_cast %add3A_399 : i32 to index
        %get3A_409 = arith.constant 16 : index
        %get3A_410 = tpu.vector_load %arg6[%get3A_408, %get3A_409] {strides = array<i32>} : memref<128x32xf32, #tpu.memory_space<vmem>>, vector<16xf32>,
        %iota3A_411 = tpu.iota {dimensions = array<i32: 0>} : vector<16xi32>
        %add3A_412 = arith.constant 16 : i32
        %add3A_413 = vector.broadcast %add3A_412 : i32 to vector<16xi32>
        %add3A_414 = arith.addi %iota3A_411, %add3A_413 : vector<16xi32>
        tpu.vector_store_idx %arg22[%add3A_414, %add3A_403], %get3A_410 : memref<32x512xf32, #tpu.memory_space<vmem>>[vector<16xi32>, vector<16xi32>], vector<16xf32>,
        %mul3A_415 = arith.constant 8 : i32
        %mul3A_416 = arith.muli %scan3A_379, %mul3A_415 : i32
        %add3A_417 = arith.constant 2 : i32
        %add3A_418 = arith.addi %mul3A_416, %add3A_417 : i32
        %broadcast_in_dim3A_419 = arith.constant 0 : i32
        %broadcast_in_dim3A_420 = vector.broadcast %broadcast_in_dim3A_419 : i32 to vector<16xi32>
        %add3A_421 = vector.broadcast %add3A_418 : i32 to vector<16xi32>
        %add3A_422 = arith.addi %broadcast_in_dim3A_420, %add3A_421 : vector<16xi32>
        %get3A_423 = arith.index_cast %add3A_418 : i32 to index
        %get3A_424 = arith.constant 0 : index
        %get3A_425 = tpu.vector_load %arg6[%get3A_423, %get3A_424] {strides = array<i32>} : memref<128x32xf32, #tpu.memory_space<vmem>>, vector<16xf32>,
        %iota3A_426 = tpu.iota {dimensions = array<i32: 0>} : vector<16xi32>
        tpu.vector_store_idx %arg22[%iota3A_426, %add3A_422], %get3A_425 : memref<32x512xf32, #tpu.memory_space<vmem>>[vector<16xi32>, vector<16xi32>], vector<16xf32>,
        %get3A_427 = arith.index_cast %add3A_418 : i32 to index
        %get3A_428 = arith.constant 16 : index
        %get3A_429 = tpu.vector_load %arg6[%get3A_427, %get3A_428] {strides = array<i32>} : memref<128x32xf32, #tpu.memory_space<vmem>>, vector<16xf32>,
        %iota3A_430 = tpu.iota {dimensions = array<i32: 0>} : vector<16xi32>
        %add3A_431 = arith.constant 16 : i32
        %add3A_432 = vector.broadcast %add3A_431 : i32 to vector<16xi32>
        %add3A_433 = arith.addi %iota3A_430, %add3A_432 : vector<16xi32>
        tpu.vector_store_idx %arg22[%add3A_433, %add3A_422], %get3A_429 : memref<32x512xf32, #tpu.memory_space<vmem>>[vector<16xi32>, vector<16xi32>], vector<16xf32>,
        %mul3A_434 = arith.constant 8 : i32
        %mul3A_435 = arith.muli %scan3A_379, %mul3A_434 : i32
        %add3A_436 = arith.constant 3 : i32
        %add3A_437 = arith.addi %mul3A_435, %add3A_436 : i32
        %broadcast_in_dim3A_438 = arith.constant 0 : i32
        %broadcast_in_dim3A_439 = vector.broadcast %broadcast_in_dim3A_438 : i32 to vector<16xi32>
        %add3A_440 = vector.broadcast %add3A_437 : i32 to vector<16xi32>
        %add3A_441 = arith.addi %broadcast_in_dim3A_439, %add3A_440 : vector<16xi32>
        %get3A_442 = arith.index_cast %add3A_437 : i32 to index
        %get3A_443 = arith.constant 0 : index
        %get3A_444 = tpu.vector_load %arg6[%get3A_442, %get3A_443] {strides = array<i32>} : memref<128x32xf32, #tpu.memory_space<vmem>>, vector<16xf32>,
        %iota3A_445 = tpu.iota {dimensions = array<i32: 0>} : vector<16xi32>
        tpu.vector_store_idx %arg22[%iota3A_445, %add3A_441], %get3A_444 : memref<32x512xf32, #tpu.memory_space<vmem>>[vector<16xi32>, vector<16xi32>], vector<16xf32>,
        %get3A_446 = arith.index_cast %add3A_437 : i32 to index
        %get3A_447 = arith.constant 16 : index
        %get3A_448 = tpu.vector_load %arg6[%get3A_446, %get3A_447] {strides = array<i32>} : memref<128x32xf32, #tpu.memory_space<vmem>>, vector<16xf32>,
        %iota3A_449 = tpu.iota {dimensions = array<i32: 0>} : vector<16xi32>
        %add3A_450 = arith.constant 16 : i32
        %add3A_451 = vector.broadcast %add3A_450 : i32 to vector<16xi32>
        %add3A_452 = arith.addi %iota3A_449, %add3A_451 : vector<16xi32>
        tpu.vector_store_idx %arg22[%add3A_452, %add3A_441], %get3A_448 : memref<32x512xf32, #tpu.memory_space<vmem>>[vector<16xi32>, vector<16xi32>], vector<16xf32>,
        %mul3A_453 = arith.constant 8 : i32
        %mul3A_454 = arith.muli %scan3A_379, %mul3A_453 : i32
        %add3A_455 = arith.constant 4 : i32
        %add3A_456 = arith.addi %mul3A_454, %add3A_455 : i32
        %broadcast_in_dim3A_457 = arith.constant 0 : i32
        %broadcast_in_dim3A_458 = vector.broadcast %broadcast_in_dim3A_457 : i32 to vector<16xi32>
        %add3A_459 = vector.broadcast %add3A_456 : i32 to vector<16xi32>
        %add3A_460 = arith.addi %broadcast_in_dim3A_458, %add3A_459 : vector<16xi32>
        %get3A_461 = arith.index_cast %add3A_456 : i32 to index
        %get3A_462 = arith.constant 0 : index
        %get3A_463 = tpu.vector_load %arg6[%get3A_461, %get3A_462] {strides = array<i32>} : memref<128x32xf32, #tpu.memory_space<vmem>>, vector<16xf32>,
        %iota3A_464 = tpu.iota {dimensions = array<i32: 0>} : vector<16xi32>
        tpu.vector_store_idx %arg22[%iota3A_464, %add3A_460], %get3A_463 : memref<32x512xf32, #tpu.memory_space<vmem>>[vector<16xi32>, vector<16xi32>], vector<16xf32>,
        %get3A_465 = arith.index_cast %add3A_456 : i32 to index
        %get3A_466 = arith.constant 16 : index
        %get3A_467 = tpu.vector_load %arg6[%get3A_465, %get3A_466] {strides = array<i32>} : memref<128x32xf32, #tpu.memory_space<vmem>>, vector<16xf32>,
        %iota3A_468 = tpu.iota {dimensions = array<i32: 0>} : vector<16xi32>
        %add3A_469 = arith.constant 16 : i32
        %add3A_470 = vector.broadcast %add3A_469 : i32 to vector<16xi32>
        %add3A_471 = arith.addi %iota3A_468, %add3A_470 : vector<16xi32>
        tpu.vector_store_idx %arg22[%add3A_471, %add3A_460], %get3A_467 : memref<32x512xf32, #tpu.memory_space<vmem>>[vector<16xi32>, vector<16xi32>], vector<16xf32>,
        %mul3A_472 = arith.constant 8 : i32
        %mul3A_473 = arith.muli %scan3A_379, %mul3A_472 : i32
        %add3A_474 = arith.constant 5 : i32
        %add3A_475 = arith.addi %mul3A_473, %add3A_474 : i32
        %broadcast_in_dim3A_476 = arith.constant 0 : i32
        %broadcast_in_dim3A_477 = vector.broadcast %broadcast_in_dim3A_476 : i32 to vector<16xi32>
        %add3A_478 = vector.broadcast %add3A_475 : i32 to vector<16xi32>
        %add3A_479 = arith.addi %broadcast_in_dim3A_477, %add3A_478 : vector<16xi32>
        %get3A_480 = arith.index_cast %add3A_475 : i32 to index
        %get3A_481 = arith.constant 0 : index
        %get3A_482 = tpu.vector_load %arg6[%get3A_480, %get3A_481] {strides = array<i32>} : memref<128x32xf32, #tpu.memory_space<vmem>>, vector<16xf32>,
        %iota3A_483 = tpu.iota {dimensions = array<i32: 0>} : vector<16xi32>
        tpu.vector_store_idx %arg22[%iota3A_483, %add3A_479], %get3A_482 : memref<32x512xf32, #tpu.memory_space<vmem>>[vector<16xi32>, vector<16xi32>], vector<16xf32>,
        %get3A_484 = arith.index_cast %add3A_475 : i32 to index
        %get3A_485 = arith.constant 16 : index
        %get3A_486 = tpu.vector_load %arg6[%get3A_484, %get3A_485] {strides = array<i32>} : memref<128x32xf32, #tpu.memory_space<vmem>>, vector<16xf32>,
        %iota3A_487 = tpu.iota {dimensions = array<i32: 0>} : vector<16xi32>
        %add3A_488 = arith.constant 16 : i32
        %add3A_489 = vector.broadcast %add3A_488 : i32 to vector<16xi32>
        %add3A_490 = arith.addi %iota3A_487, %add3A_489 : vector<16xi32>
        tpu.vector_store_idx %arg22[%add3A_490, %add3A_479], %get3A_486 : memref<32x512xf32, #tpu.memory_space<vmem>>[vector<16xi32>, vector<16xi32>], vector<16xf32>,
        %mul3A_491 = arith.constant 8 : i32
        %mul3A_492 = arith.muli %scan3A_379, %mul3A_491 : i32
        %add3A_493 = arith.constant 6 : i32
        %add3A_494 = arith.addi %mul3A_492, %add3A_493 : i32
        %broadcast_in_dim3A_495 = arith.constant 0 : i32
        %broadcast_in_dim3A_496 = vector.broadcast %broadcast_in_dim3A_495 : i32 to vector<16xi32>
        %add3A_497 = vector.broadcast %add3A_494 : i32 to vector<16xi32>
        %add3A_498 = arith.addi %broadcast_in_dim3A_496, %add3A_497 : vector<16xi32>
        %get3A_499 = arith.index_cast %add3A_494 : i32 to index
        %get3A_500 = arith.constant 0 : index
        %get3A_501 = tpu.vector_load %arg6[%get3A_499, %get3A_500] {strides = array<i32>} : memref<128x32xf32, #tpu.memory_space<vmem>>, vector<16xf32>,
        %iota3A_502 = tpu.iota {dimensions = array<i32: 0>} : vector<16xi32>
        tpu.vector_store_idx %arg22[%iota3A_502, %add3A_498], %get3A_501 : memref<32x512xf32, #tpu.memory_space<vmem>>[vector<16xi32>, vector<16xi32>], vector<16xf32>,
        %get3A_503 = arith.index_cast %add3A_494 : i32 to index
        %get3A_504 = arith.constant 16 : index
        %get3A_505 = tpu.vector_load %arg6[%get3A_503, %get3A_504] {strides = array<i32>} : memref<128x32xf32, #tpu.memory_space<vmem>>, vector<16xf32>,
        %iota3A_506 = tpu.iota {dimensions = array<i32: 0>} : vector<16xi32>
        %add3A_507 = arith.constant 16 : i32
        %add3A_508 = vector.broadcast %add3A_507 : i32 to vector<16xi32>
        %add3A_509 = arith.addi %iota3A_506, %add3A_508 : vector<16xi32>
        tpu.vector_store_idx %arg22[%add3A_509, %add3A_498], %get3A_505 : memref<32x512xf32, #tpu.memory_space<vmem>>[vector<16xi32>, vector<16xi32>], vector<16xf32>,
        %mul3A_510 = arith.constant 8 : i32
        %mul3A_511 = arith.muli %scan3A_379, %mul3A_510 : i32
        %add3A_512 = arith.constant 7 : i32
        %add3A_513 = arith.addi %mul3A_511, %add3A_512 : i32
        %broadcast_in_dim3A_514 = arith.constant 0 : i32
        %broadcast_in_dim3A_515 = vector.broadcast %broadcast_in_dim3A_514 : i32 to vector<16xi32>
        %add3A_516 = vector.broadcast %add3A_513 : i32 to vector<16xi32>
        %add3A_517 = arith.addi %broadcast_in_dim3A_515, %add3A_516 : vector<16xi32>
        %get3A_518 = arith.index_cast %add3A_513 : i32 to index
        %get3A_519 = arith.constant 0 : index
        %get3A_520 = tpu.vector_load %arg6[%get3A_518, %get3A_519] {strides = array<i32>} : memref<128x32xf32, #tpu.memory_space<vmem>>, vector<16xf32>,
        %iota3A_521 = tpu.iota {dimensions = array<i32: 0>} : vector<16xi32>
        tpu.vector_store_idx %arg22[%iota3A_521, %add3A_517], %get3A_520 : memref<32x512xf32, #tpu.memory_space<vmem>>[vector<16xi32>, vector<16xi32>], vector<16xf32>,
        %get3A_522 = arith.index_cast %add3A_513 : i32 to index
        %get3A_523 = arith.constant 16 : index
        %get3A_524 = tpu.vector_load %arg6[%get3A_522, %get3A_523] {strides = array<i32>} : memref<128x32xf32, #tpu.memory_space<vmem>>, vector<16xf32>,
        %iota3A_525 = tpu.iota {dimensions = array<i32: 0>} : vector<16xi32>
        %add3A_526 = arith.constant 16 : i32
        %add3A_527 = vector.broadcast %add3A_526 : i32 to vector<16xi32>
        %add3A_528 = arith.addi %iota3A_525, %add3A_527 : vector<16xi32>
        tpu.vector_store_idx %arg22[%add3A_528, %add3A_517], %get3A_524 : memref<32x512xf32, #tpu.memory_space<vmem>>[vector<16xi32>, vector<16xi32>], vector<16xf32>,
      }
      %scan3A_99 = arith.constant 16 : i32
      %mul3A_100 = arith.constant 8 : i32
      %mul3A_101 = arith.muli %scan3A_67, %mul3A_100 : i32
      %add3A_102 = arith.constant 1 : i32
      %add3A_103 = arith.addi %mul3A_101, %add3A_102 : i32
      %add3A_104 = arith.constant 8 : i32
      %add3A_105 = arith.addi %add3A_103, %add3A_104 : i32
      %sub3A_106 = arith.constant 2 : i32
      %sub3A_107 = arith.subi %add3A_105, %sub3A_106 : i32
      %dma_start3A_108 = arith.constant 0 : i32
      %dma_start3A_109 = tpu.memref_slice %arg5[%sub3A_107, %dma_start3A_108] : memref<200x128xi32, #tpu.memory_space<vmem>> -> memref<1x128xi32, #tpu.memory_space<vmem>>
      %dma_start3A_110 = tpu.memref_squeeze %dma_start3A_109 : memref<1x128xi32, #tpu.memory_space<vmem>> -> memref<128xi32, #tpu.memory_space<vmem>>
      %dma_start3A_111 = arith.constant 0 : i32
      %dma_start3A_112 = arith.constant 0 : i32
      %dma_start3A_113 = tpu.memref_slice %arg3[%dma_start3A_111, %dma_start3A_112] : memref<1000000x32xf32, #tpu.memory_space<hbm>> -> memref<1000000x32xf32, #tpu.memory_space<hbm>>
      tpu.enqueue_indirect_dma source(%dma_start3A_113 : memref<1000000x32xf32, #tpu.memory_space<hbm>>) target(%arg13 : memref<128x32xf32, #tpu.memory_space<vmem>>) offsets(%dma_start3A_110 : memref<128xi32, #tpu.memory_space<vmem>>) semaphore(%arg21 : memref<!tpu.dma_semaphore, #tpu.memory_space<semaphore_mem>>)
      %dma_wait3A_114 = arith.constant 0 : i32
      %dma_wait3A_115 = arith.constant 0 : i32
      %dma_wait3A_116 = tpu.memref_slice %arg3[%dma_wait3A_114, %dma_wait3A_115] : memref<1000000x32xf32, #tpu.memory_space<hbm>> -> memref<128x32xf32, #tpu.memory_space<hbm>>
      %dma_wait3A_117 = arith.constant 0 : i32
      %dma_wait3A_118 = arith.constant 0 : i32
      %dma_wait3A_119 = tpu.memref_slice %arg3[%dma_wait3A_117, %dma_wait3A_118] : memref<1000000x32xf32, #tpu.memory_space<hbm>> -> memref<128x32xf32, #tpu.memory_space<hbm>>
      tpu.wait_dma2 semaphore(%arg15 : memref<!tpu.dma_semaphore, #tpu.memory_space<semaphore_mem>>) src(%dma_wait3A_119 : memref<128x32xf32, #tpu.memory_space<hbm>>) dst(%arg7 : memref<128x32xf32, #tpu.memory_space<vmem>>)
      %mul3A_120 = arith.constant 2 : i32
      %mul3A_121 = arith.muli %scan3A_67, %mul3A_120 : i32
      %add3A_122 = arith.constant 0 : i32
      %add3A_123 = arith.addi %mul3A_121, %add3A_122 : i32
      %scan3A_124 = arith.constant 0 : i32
      %scan3A_125 = arith.constant 0 : i32
      %scan3A_126 = arith.constant 16 : i32
      %scan3A_127 = arith.addi %scan3A_125, %scan3A_126 : i32
      %scan3A_128 = arith.constant 1 : i32
      scf.for %scan3A_379 = %scan3A_125 to %scan3A_127 step %scan3A_128  : i32 {
        %mul3A_380 = arith.constant 8 : i32
        %mul3A_381 = arith.muli %scan3A_379, %mul3A_380 : i32
        %add3A_382 = arith.constant 0 : i32
        %add3A_383 = arith.addi %mul3A_381, %add3A_382 : i32
        %broadcast_in_dim3A = arith.constant 128 : i32
        %broadcast_in_dim3A_384 = vector.broadcast %broadcast_in_dim3A : i32 to vector<16xi32>
        %add3A_385 = vector.broadcast %add3A_383 : i32 to vector<16xi32>
        %add3A_386 = arith.addi %broadcast_in_dim3A_384, %add3A_385 : vector<16xi32>
        %get3A = arith.index_cast %add3A_383 : i32 to index
        %get3A_387 = arith.constant 0 : index
        %get3A_388 = tpu.vector_load %arg7[%get3A, %get3A_387] {strides = array<i32>} : memref<128x32xf32, #tpu.memory_space<vmem>>, vector<16xf32>,
        %iota3A = tpu.iota {dimensions = array<i32: 0>} : vector<16xi32>
        tpu.vector_store_idx %arg22[%iota3A, %add3A_386], %get3A_388 : memref<32x512xf32, #tpu.memory_space<vmem>>[vector<16xi32>, vector<16xi32>], vector<16xf32>,
        %get3A_389 = arith.index_cast %add3A_383 : i32 to index
        %get3A_390 = arith.constant 16 : index
        %get3A_391 = tpu.vector_load %arg7[%get3A_389, %get3A_390] {strides = array<i32>} : memref<128x32xf32, #tpu.memory_space<vmem>>, vector<16xf32>,
        %iota3A_392 = tpu.iota {dimensions = array<i32: 0>} : vector<16xi32>
        %add3A_393 = arith.constant 16 : i32
        %add3A_394 = vector.broadcast %add3A_393 : i32 to vector<16xi32>
        %add3A_395 = arith.addi %iota3A_392, %add3A_394 : vector<16xi32>
        tpu.vector_store_idx %arg22[%add3A_395, %add3A_386], %get3A_391 : memref<32x512xf32, #tpu.memory_space<vmem>>[vector<16xi32>, vector<16xi32>], vector<16xf32>,
        %mul3A_396 = arith.constant 8 : i32
        %mul3A_397 = arith.muli %scan3A_379, %mul3A_396 : i32
        %add3A_398 = arith.constant 1 : i32
        %add3A_399 = arith.addi %mul3A_397, %add3A_398 : i32
        %broadcast_in_dim3A_400 = arith.constant 128 : i32
        %broadcast_in_dim3A_401 = vector.broadcast %broadcast_in_dim3A_400 : i32 to vector<16xi32>
        %add3A_402 = vector.broadcast %add3A_399 : i32 to vector<16xi32>
        %add3A_403 = arith.addi %broadcast_in_dim3A_401, %add3A_402 : vector<16xi32>
        %get3A_404 = arith.index_cast %add3A_399 : i32 to index
        %get3A_405 = arith.constant 0 : index
        %get3A_406 = tpu.vector_load %arg7[%get3A_404, %get3A_405] {strides = array<i32>} : memref<128x32xf32, #tpu.memory_space<vmem>>, vector<16xf32>,
        %iota3A_407 = tpu.iota {dimensions = array<i32: 0>} : vector<16xi32>
        tpu.vector_store_idx %arg22[%iota3A_407, %add3A_403], %get3A_406 : memref<32x512xf32, #tpu.memory_space<vmem>>[vector<16xi32>, vector<16xi32>], vector<16xf32>,
        %get3A_408 = arith.index_cast %add3A_399 : i32 to index
        %get3A_409 = arith.constant 16 : index
        %get3A_410 = tpu.vector_load %arg7[%get3A_408, %get3A_409] {strides = array<i32>} : memref<128x32xf32, #tpu.memory_space<vmem>>, vector<16xf32>,
        %iota3A_411 = tpu.iota {dimensions = array<i32: 0>} : vector<16xi32>
        %add3A_412 = arith.constant 16 : i32
        %add3A_413 = vector.broadcast %add3A_412 : i32 to vector<16xi32>
        %add3A_414 = arith.addi %iota3A_411, %add3A_413 : vector<16xi32>
        tpu.vector_store_idx %arg22[%add3A_414, %add3A_403], %get3A_410 : memref<32x512xf32, #tpu.memory_space<vmem>>[vector<16xi32>, vector<16xi32>], vector<16xf32>,
        %mul3A_415 = arith.constant 8 : i32
        %mul3A_416 = arith.muli %scan3A_379, %mul3A_415 : i32
        %add3A_417 = arith.constant 2 : i32
        %add3A_418 = arith.addi %mul3A_416, %add3A_417 : i32
        %broadcast_in_dim3A_419 = arith.constant 128 : i32
        %broadcast_in_dim3A_420 = vector.broadcast %broadcast_in_dim3A_419 : i32 to vector<16xi32>
        %add3A_421 = vector.broadcast %add3A_418 : i32 to vector<16xi32>
        %add3A_422 = arith.addi %broadcast_in_dim3A_420, %add3A_421 : vector<16xi32>
        %get3A_423 = arith.index_cast %add3A_418 : i32 to index
        %get3A_424 = arith.constant 0 : index
        %get3A_425 = tpu.vector_load %arg7[%get3A_423, %get3A_424] {strides = array<i32>} : memref<128x32xf32, #tpu.memory_space<vmem>>, vector<16xf32>,
        %iota3A_426 = tpu.iota {dimensions = array<i32: 0>} : vector<16xi32>
        tpu.vector_store_idx %arg22[%iota3A_426, %add3A_422], %get3A_425 : memref<32x512xf32, #tpu.memory_space<vmem>>[vector<16xi32>, vector<16xi32>], vector<16xf32>,
        %get3A_427 = arith.index_cast %add3A_418 : i32 to index
        %get3A_428 = arith.constant 16 : index
        %get3A_429 = tpu.vector_load %arg7[%get3A_427, %get3A_428] {strides = array<i32>} : memref<128x32xf32, #tpu.memory_space<vmem>>, vector<16xf32>,
        %iota3A_430 = tpu.iota {dimensions = array<i32: 0>} : vector<16xi32>
        %add3A_431 = arith.constant 16 : i32
        %add3A_432 = vector.broadcast %add3A_431 : i32 to vector<16xi32>
        %add3A_433 = arith.addi %iota3A_430, %add3A_432 : vector<16xi32>
        tpu.vector_store_idx %arg22[%add3A_433, %add3A_422], %get3A_429 : memref<32x512xf32, #tpu.memory_space<vmem>>[vector<16xi32>, vector<16xi32>], vector<16xf32>,
        %mul3A_434 = arith.constant 8 : i32
        %mul3A_435 = arith.muli %scan3A_379, %mul3A_434 : i32
        %add3A_436 = arith.constant 3 : i32
        %add3A_437 = arith.addi %mul3A_435, %add3A_436 : i32
        %broadcast_in_dim3A_438 = arith.constant 128 : i32
        %broadcast_in_dim3A_439 = vector.broadcast %broadcast_in_dim3A_438 : i32 to vector<16xi32>
        %add3A_440 = vector.broadcast %add3A_437 : i32 to vector<16xi32>
        %add3A_441 = arith.addi %broadcast_in_dim3A_439, %add3A_440 : vector<16xi32>
        %get3A_442 = arith.index_cast %add3A_437 : i32 to index
        %get3A_443 = arith.constant 0 : index
        %get3A_444 = tpu.vector_load %arg7[%get3A_442, %get3A_443] {strides = array<i32>} : memref<128x32xf32, #tpu.memory_space<vmem>>, vector<16xf32>,
        %iota3A_445 = tpu.iota {dimensions = array<i32: 0>} : vector<16xi32>
        tpu.vector_store_idx %arg22[%iota3A_445, %add3A_441], %get3A_444 : memref<32x512xf32, #tpu.memory_space<vmem>>[vector<16xi32>, vector<16xi32>], vector<16xf32>,
        %get3A_446 = arith.index_cast %add3A_437 : i32 to index
        %get3A_447 = arith.constant 16 : index
        %get3A_448 = tpu.vector_load %arg7[%get3A_446, %get3A_447] {strides = array<i32>} : memref<128x32xf32, #tpu.memory_space<vmem>>, vector<16xf32>,
        %iota3A_449 = tpu.iota {dimensions = array<i32: 0>} : vector<16xi32>
        %add3A_450 = arith.constant 16 : i32
        %add3A_451 = vector.broadcast %add3A_450 : i32 to vector<16xi32>
        %add3A_452 = arith.addi %iota3A_449, %add3A_451 : vector<16xi32>
        tpu.vector_store_idx %arg22[%add3A_452, %add3A_441], %get3A_448 : memref<32x512xf32, #tpu.memory_space<vmem>>[vector<16xi32>, vector<16xi32>], vector<16xf32>,
        %mul3A_453 = arith.constant 8 : i32
        %mul3A_454 = arith.muli %scan3A_379, %mul3A_453 : i32
        %add3A_455 = arith.constant 4 : i32
        %add3A_456 = arith.addi %mul3A_454, %add3A_455 : i32
        %broadcast_in_dim3A_457 = arith.constant 128 : i32
        %broadcast_in_dim3A_458 = vector.broadcast %broadcast_in_dim3A_457 : i32 to vector<16xi32>
        %add3A_459 = vector.broadcast %add3A_456 : i32 to vector<16xi32>
        %add3A_460 = arith.addi %broadcast_in_dim3A_458, %add3A_459 : vector<16xi32>
        %get3A_461 = arith.index_cast %add3A_456 : i32 to index
        %get3A_462 = arith.constant 0 : index
        %get3A_463 = tpu.vector_load %arg7[%get3A_461, %get3A_462] {strides = array<i32>} : memref<128x32xf32, #tpu.memory_space<vmem>>, vector<16xf32>,
        %iota3A_464 = tpu.iota {dimensions = array<i32: 0>} : vector<16xi32>
        tpu.vector_store_idx %arg22[%iota3A_464, %add3A_460], %get3A_463 : memref<32x512xf32, #tpu.memory_space<vmem>>[vector<16xi32>, vector<16xi32>], vector<16xf32>,
        %get3A_465 = arith.index_cast %add3A_456 : i32 to index
        %get3A_466 = arith.constant 16 : index
        %get3A_467 = tpu.vector_load %arg7[%get3A_465, %get3A_466] {strides = array<i32>} : memref<128x32xf32, #tpu.memory_space<vmem>>, vector<16xf32>,
        %iota3A_468 = tpu.iota {dimensions = array<i32: 0>} : vector<16xi32>
        %add3A_469 = arith.constant 16 : i32
        %add3A_470 = vector.broadcast %add3A_469 : i32 to vector<16xi32>
        %add3A_471 = arith.addi %iota3A_468, %add3A_470 : vector<16xi32>
        tpu.vector_store_idx %arg22[%add3A_471, %add3A_460], %get3A_467 : memref<32x512xf32, #tpu.memory_space<vmem>>[vector<16xi32>, vector<16xi32>], vector<16xf32>,
        %mul3A_472 = arith.constant 8 : i32
        %mul3A_473 = arith.muli %scan3A_379, %mul3A_472 : i32
        %add3A_474 = arith.constant 5 : i32
        %add3A_475 = arith.addi %mul3A_473, %add3A_474 : i32
        %broadcast_in_dim3A_476 = arith.constant 128 : i32
        %broadcast_in_dim3A_477 = vector.broadcast %broadcast_in_dim3A_476 : i32 to vector<16xi32>
        %add3A_478 = vector.broadcast %add3A_475 : i32 to vector<16xi32>
        %add3A_479 = arith.addi %broadcast_in_dim3A_477, %add3A_478 : vector<16xi32>
        %get3A_480 = arith.index_cast %add3A_475 : i32 to index
        %get3A_481 = arith.constant 0 : index
        %get3A_482 = tpu.vector_load %arg7[%get3A_480, %get3A_481] {strides = array<i32>} : memref<128x32xf32, #tpu.memory_space<vmem>>, vector<16xf32>,
        %iota3A_483 = tpu.iota {dimensions = array<i32: 0>} : vector<16xi32>
        tpu.vector_store_idx %arg22[%iota3A_483, %add3A_479], %get3A_482 : memref<32x512xf32, #tpu.memory_space<vmem>>[vector<16xi32>, vector<16xi32>], vector<16xf32>,
        %get3A_484 = arith.index_cast %add3A_475 : i32 to index
        %get3A_485 = arith.constant 16 : index
        %get3A_486 = tpu.vector_load %arg7[%get3A_484, %get3A_485] {strides = array<i32>} : memref<128x32xf32, #tpu.memory_space<vmem>>, vector<16xf32>,
        %iota3A_487 = tpu.iota {dimensions = array<i32: 0>} : vector<16xi32>
        %add3A_488 = arith.constant 16 : i32
        %add3A_489 = vector.broadcast %add3A_488 : i32 to vector<16xi32>
        %add3A_490 = arith.addi %iota3A_487, %add3A_489 : vector<16xi32>
        tpu.vector_store_idx %arg22[%add3A_490, %add3A_479], %get3A_486 : memref<32x512xf32, #tpu.memory_space<vmem>>[vector<16xi32>, vector<16xi32>], vector<16xf32>,
        %mul3A_491 = arith.constant 8 : i32
        %mul3A_492 = arith.muli %scan3A_379, %mul3A_491 : i32
        %add3A_493 = arith.constant 6 : i32
        %add3A_494 = arith.addi %mul3A_492, %add3A_493 : i32
        %broadcast_in_dim3A_495 = arith.constant 128 : i32
        %broadcast_in_dim3A_496 = vector.broadcast %broadcast_in_dim3A_495 : i32 to vector<16xi32>
        %add3A_497 = vector.broadcast %add3A_494 : i32 to vector<16xi32>
        %add3A_498 = arith.addi %broadcast_in_dim3A_496, %add3A_497 : vector<16xi32>
        %get3A_499 = arith.index_cast %add3A_494 : i32 to index
        %get3A_500 = arith.constant 0 : index
        %get3A_501 = tpu.vector_load %arg7[%get3A_499, %get3A_500] {strides = array<i32>} : memref<128x32xf32, #tpu.memory_space<vmem>>, vector<16xf32>,
        %iota3A_502 = tpu.iota {dimensions = array<i32: 0>} : vector<16xi32>
        tpu.vector_store_idx %arg22[%iota3A_502, %add3A_498], %get3A_501 : memref<32x512xf32, #tpu.memory_space<vmem>>[vector<16xi32>, vector<16xi32>], vector<16xf32>,
        %get3A_503 = arith.index_cast %add3A_494 : i32 to index
        %get3A_504 = arith.constant 16 : index
        %get3A_505 = tpu.vector_load %arg7[%get3A_503, %get3A_504] {strides = array<i32>} : memref<128x32xf32, #tpu.memory_space<vmem>>, vector<16xf32>,
        %iota3A_506 = tpu.iota {dimensions = array<i32: 0>} : vector<16xi32>
        %add3A_507 = arith.constant 16 : i32
        %add3A_508 = vector.broadcast %add3A_507 : i32 to vector<16xi32>
        %add3A_509 = arith.addi %iota3A_506, %add3A_508 : vector<16xi32>
        tpu.vector_store_idx %arg22[%add3A_509, %add3A_498], %get3A_505 : memref<32x512xf32, #tpu.memory_space<vmem>>[vector<16xi32>, vector<16xi32>], vector<16xf32>,
        %mul3A_510 = arith.constant 8 : i32
        %mul3A_511 = arith.muli %scan3A_379, %mul3A_510 : i32
        %add3A_512 = arith.constant 7 : i32
        %add3A_513 = arith.addi %mul3A_511, %add3A_512 : i32
        %broadcast_in_dim3A_514 = arith.constant 128 : i32
        %broadcast_in_dim3A_515 = vector.broadcast %broadcast_in_dim3A_514 : i32 to vector<16xi32>
        %add3A_516 = vector.broadcast %add3A_513 : i32 to vector<16xi32>
        %add3A_517 = arith.addi %broadcast_in_dim3A_515, %add3A_516 : vector<16xi32>
        %get3A_518 = arith.index_cast %add3A_513 : i32 to index
        %get3A_519 = arith.constant 0 : index
        %get3A_520 = tpu.vector_load %arg7[%get3A_518, %get3A_519] {strides = array<i32>} : memref<128x32xf32, #tpu.memory_space<vmem>>, vector<16xf32>,
        %iota3A_521 = tpu.iota {dimensions = array<i32: 0>} : vector<16xi32>
        tpu.vector_store_idx %arg22[%iota3A_521, %add3A_517], %get3A_520 : memref<32x512xf32, #tpu.memory_space<vmem>>[vector<16xi32>, vector<16xi32>], vector<16xf32>,
        %get3A_522 = arith.index_cast %add3A_513 : i32 to index
        %get3A_523 = arith.constant 16 : index
        %get3A_524 = tpu.vector_load %arg7[%get3A_522, %get3A_523] {strides = array<i32>} : memref<128x32xf32, #tpu.memory_space<vmem>>, vector<16xf32>,
        %iota3A_525 = tpu.iota {dimensions = array<i32: 0>} : vector<16xi32>
        %add3A_526 = arith.constant 16 : i32
        %add3A_527 = vector.broadcast %add3A_526 : i32 to vector<16xi32>
        %add3A_528 = arith.addi %iota3A_525, %add3A_527 : vector<16xi32>
        tpu.vector_store_idx %arg22[%add3A_528, %add3A_517], %get3A_524 : memref<32x512xf32, #tpu.memory_space<vmem>>[vector<16xi32>, vector<16xi32>], vector<16xf32>,
      }
      %scan3A_129 = arith.constant 16 : i32
      %mul3A_130 = arith.constant 8 : i32
      %mul3A_131 = arith.muli %scan3A_67, %mul3A_130 : i32
      %add3A_132 = arith.constant 2 : i32
      %add3A_133 = arith.addi %mul3A_131, %add3A_132 : i32
      %lt3A = arith.constant 24 : i32
      %lt3A_134 = arith.cmpi slt, %scan3A_67, %lt3A : i32
      %convert_element_type3A_135 = arith.extui %lt3A_134 : i1 to i32
      %cond3A_136 = arith.constant 0 : i32
      %cond3A_137 = arith.cmpi ne, %convert_element_type3A_135, %cond3A_136 : i32
      scf.if %cond3A_137 {
        %add3A_379 = arith.constant 8 : i32
        %add3A_380 = arith.addi %add3A_133, %add3A_379 : i32
        %sub3A_381 = arith.constant 2 : i32
        %sub3A_382 = arith.subi %add3A_380, %sub3A_381 : i32
        %dma_start3A_383 = arith.constant 0 : i32
        %dma_start3A_384 = tpu.memref_slice %arg5[%sub3A_382, %dma_start3A_383] : memref<200x128xi32, #tpu.memory_space<vmem>> -> memref<1x128xi32, #tpu.memory_space<vmem>>
        %dma_start3A_385 = tpu.memref_squeeze %dma_start3A_384 : memref<1x128xi32, #tpu.memory_space<vmem>> -> memref<128xi32, #tpu.memory_space<vmem>>
        %dma_start3A_386 = arith.constant 0 : i32
        %dma_start3A_387 = arith.constant 0 : i32
        %dma_start3A_388 = tpu.memref_slice %arg3[%dma_start3A_386, %dma_start3A_387] : memref<1000000x32xf32, #tpu.memory_space<hbm>> -> memref<1000000x32xf32, #tpu.memory_space<hbm>>
        tpu.enqueue_indirect_dma source(%dma_start3A_388 : memref<1000000x32xf32, #tpu.memory_space<hbm>>) target(%arg6 : memref<128x32xf32, #tpu.memory_space<vmem>>) offsets(%dma_start3A_385 : memref<128xi32, #tpu.memory_space<vmem>>) semaphore(%arg14 : memref<!tpu.dma_semaphore, #tpu.memory_space<semaphore_mem>>)
      } else {
      }
      %dma_wait3A_138 = arith.constant 0 : i32
      %dma_wait3A_139 = arith.constant 0 : i32
      %dma_wait3A_140 = tpu.memref_slice %arg3[%dma_wait3A_138, %dma_wait3A_139] : memref<1000000x32xf32, #tpu.memory_space<hbm>> -> memref<128x32xf32, #tpu.memory_space<hbm>>
      %dma_wait3A_141 = arith.constant 0 : i32
      %dma_wait3A_142 = arith.constant 0 : i32
      %dma_wait3A_143 = tpu.memref_slice %arg3[%dma_wait3A_141, %dma_wait3A_142] : memref<1000000x32xf32, #tpu.memory_space<hbm>> -> memref<128x32xf32, #tpu.memory_space<hbm>>
      tpu.wait_dma2 semaphore(%arg16 : memref<!tpu.dma_semaphore, #tpu.memory_space<semaphore_mem>>) src(%dma_wait3A_143 : memref<128x32xf32, #tpu.memory_space<hbm>>) dst(%arg8 : memref<128x32xf32, #tpu.memory_space<vmem>>)
      %mul3A_144 = arith.constant 2 : i32
      %mul3A_145 = arith.muli %scan3A_67, %mul3A_144 : i32
      %add3A_146 = arith.constant 0 : i32
      %add3A_147 = arith.addi %mul3A_145, %add3A_146 : i32
      %scan3A_148 = arith.constant 0 : i32
      %scan3A_149 = arith.constant 0 : i32
      %scan3A_150 = arith.constant 16 : i32
      %scan3A_151 = arith.addi %scan3A_149, %scan3A_150 : i32
      %scan3A_152 = arith.constant 1 : i32
      scf.for %scan3A_379 = %scan3A_149 to %scan3A_151 step %scan3A_152  : i32 {
        %mul3A_380 = arith.constant 8 : i32
        %mul3A_381 = arith.muli %scan3A_379, %mul3A_380 : i32
        %add3A_382 = arith.constant 0 : i32
        %add3A_383 = arith.addi %mul3A_381, %add3A_382 : i32
        %broadcast_in_dim3A = arith.constant 256 : i32
        %broadcast_in_dim3A_384 = vector.broadcast %broadcast_in_dim3A : i32 to vector<16xi32>
        %add3A_385 = vector.broadcast %add3A_383 : i32 to vector<16xi32>
        %add3A_386 = arith.addi %broadcast_in_dim3A_384, %add3A_385 : vector<16xi32>
        %get3A = arith.index_cast %add3A_383 : i32 to index
        %get3A_387 = arith.constant 0 : index
        %get3A_388 = tpu.vector_load %arg8[%get3A, %get3A_387] {strides = array<i32>} : memref<128x32xf32, #tpu.memory_space<vmem>>, vector<16xf32>,
        %iota3A = tpu.iota {dimensions = array<i32: 0>} : vector<16xi32>
        tpu.vector_store_idx %arg22[%iota3A, %add3A_386], %get3A_388 : memref<32x512xf32, #tpu.memory_space<vmem>>[vector<16xi32>, vector<16xi32>], vector<16xf32>,
        %get3A_389 = arith.index_cast %add3A_383 : i32 to index
        %get3A_390 = arith.constant 16 : index
        %get3A_391 = tpu.vector_load %arg8[%get3A_389, %get3A_390] {strides = array<i32>} : memref<128x32xf32, #tpu.memory_space<vmem>>, vector<16xf32>,
        %iota3A_392 = tpu.iota {dimensions = array<i32: 0>} : vector<16xi32>
        %add3A_393 = arith.constant 16 : i32
        %add3A_394 = vector.broadcast %add3A_393 : i32 to vector<16xi32>
        %add3A_395 = arith.addi %iota3A_392, %add3A_394 : vector<16xi32>
        tpu.vector_store_idx %arg22[%add3A_395, %add3A_386], %get3A_391 : memref<32x512xf32, #tpu.memory_space<vmem>>[vector<16xi32>, vector<16xi32>], vector<16xf32>,
        %mul3A_396 = arith.constant 8 : i32
        %mul3A_397 = arith.muli %scan3A_379, %mul3A_396 : i32
        %add3A_398 = arith.constant 1 : i32
        %add3A_399 = arith.addi %mul3A_397, %add3A_398 : i32
        %broadcast_in_dim3A_400 = arith.constant 256 : i32
        %broadcast_in_dim3A_401 = vector.broadcast %broadcast_in_dim3A_400 : i32 to vector<16xi32>
        %add3A_402 = vector.broadcast %add3A_399 : i32 to vector<16xi32>
        %add3A_403 = arith.addi %broadcast_in_dim3A_401, %add3A_402 : vector<16xi32>
        %get3A_404 = arith.index_cast %add3A_399 : i32 to index
        %get3A_405 = arith.constant 0 : index
        %get3A_406 = tpu.vector_load %arg8[%get3A_404, %get3A_405] {strides = array<i32>} : memref<128x32xf32, #tpu.memory_space<vmem>>, vector<16xf32>,
        %iota3A_407 = tpu.iota {dimensions = array<i32: 0>} : vector<16xi32>
        tpu.vector_store_idx %arg22[%iota3A_407, %add3A_403], %get3A_406 : memref<32x512xf32, #tpu.memory_space<vmem>>[vector<16xi32>, vector<16xi32>], vector<16xf32>,
        %get3A_408 = arith.index_cast %add3A_399 : i32 to index
        %get3A_409 = arith.constant 16 : index
        %get3A_410 = tpu.vector_load %arg8[%get3A_408, %get3A_409] {strides = array<i32>} : memref<128x32xf32, #tpu.memory_space<vmem>>, vector<16xf32>,
        %iota3A_411 = tpu.iota {dimensions = array<i32: 0>} : vector<16xi32>
        %add3A_412 = arith.constant 16 : i32
        %add3A_413 = vector.broadcast %add3A_412 : i32 to vector<16xi32>
        %add3A_414 = arith.addi %iota3A_411, %add3A_413 : vector<16xi32>
        tpu.vector_store_idx %arg22[%add3A_414, %add3A_403], %get3A_410 : memref<32x512xf32, #tpu.memory_space<vmem>>[vector<16xi32>, vector<16xi32>], vector<16xf32>,
        %mul3A_415 = arith.constant 8 : i32
        %mul3A_416 = arith.muli %scan3A_379, %mul3A_415 : i32
        %add3A_417 = arith.constant 2 : i32
        %add3A_418 = arith.addi %mul3A_416, %add3A_417 : i32
        %broadcast_in_dim3A_419 = arith.constant 256 : i32
        %broadcast_in_dim3A_420 = vector.broadcast %broadcast_in_dim3A_419 : i32 to vector<16xi32>
        %add3A_421 = vector.broadcast %add3A_418 : i32 to vector<16xi32>
        %add3A_422 = arith.addi %broadcast_in_dim3A_420, %add3A_421 : vector<16xi32>
        %get3A_423 = arith.index_cast %add3A_418 : i32 to index
        %get3A_424 = arith.constant 0 : index
        %get3A_425 = tpu.vector_load %arg8[%get3A_423, %get3A_424] {strides = array<i32>} : memref<128x32xf32, #tpu.memory_space<vmem>>, vector<16xf32>,
        %iota3A_426 = tpu.iota {dimensions = array<i32: 0>} : vector<16xi32>
        tpu.vector_store_idx %arg22[%iota3A_426, %add3A_422], %get3A_425 : memref<32x512xf32, #tpu.memory_space<vmem>>[vector<16xi32>, vector<16xi32>], vector<16xf32>,
        %get3A_427 = arith.index_cast %add3A_418 : i32 to index
        %get3A_428 = arith.constant 16 : index
        %get3A_429 = tpu.vector_load %arg8[%get3A_427, %get3A_428] {strides = array<i32>} : memref<128x32xf32, #tpu.memory_space<vmem>>, vector<16xf32>,
        %iota3A_430 = tpu.iota {dimensions = array<i32: 0>} : vector<16xi32>
        %add3A_431 = arith.constant 16 : i32
        %add3A_432 = vector.broadcast %add3A_431 : i32 to vector<16xi32>
        %add3A_433 = arith.addi %iota3A_430, %add3A_432 : vector<16xi32>
        tpu.vector_store_idx %arg22[%add3A_433, %add3A_422], %get3A_429 : memref<32x512xf32, #tpu.memory_space<vmem>>[vector<16xi32>, vector<16xi32>], vector<16xf32>,
        %mul3A_434 = arith.constant 8 : i32
        %mul3A_435 = arith.muli %scan3A_379, %mul3A_434 : i32
        %add3A_436 = arith.constant 3 : i32
        %add3A_437 = arith.addi %mul3A_435, %add3A_436 : i32
        %broadcast_in_dim3A_438 = arith.constant 256 : i32
        %broadcast_in_dim3A_439 = vector.broadcast %broadcast_in_dim3A_438 : i32 to vector<16xi32>
        %add3A_440 = vector.broadcast %add3A_437 : i32 to vector<16xi32>
        %add3A_441 = arith.addi %broadcast_in_dim3A_439, %add3A_440 : vector<16xi32>
        %get3A_442 = arith.index_cast %add3A_437 : i32 to index
        %get3A_443 = arith.constant 0 : index
        %get3A_444 = tpu.vector_load %arg8[%get3A_442, %get3A_443] {strides = array<i32>} : memref<128x32xf32, #tpu.memory_space<vmem>>, vector<16xf32>,
        %iota3A_445 = tpu.iota {dimensions = array<i32: 0>} : vector<16xi32>
        tpu.vector_store_idx %arg22[%iota3A_445, %add3A_441], %get3A_444 : memref<32x512xf32, #tpu.memory_space<vmem>>[vector<16xi32>, vector<16xi32>], vector<16xf32>,
        %get3A_446 = arith.index_cast %add3A_437 : i32 to index
        %get3A_447 = arith.constant 16 : index
        %get3A_448 = tpu.vector_load %arg8[%get3A_446, %get3A_447] {strides = array<i32>} : memref<128x32xf32, #tpu.memory_space<vmem>>, vector<16xf32>,
        %iota3A_449 = tpu.iota {dimensions = array<i32: 0>} : vector<16xi32>
        %add3A_450 = arith.constant 16 : i32
        %add3A_451 = vector.broadcast %add3A_450 : i32 to vector<16xi32>
        %add3A_452 = arith.addi %iota3A_449, %add3A_451 : vector<16xi32>
        tpu.vector_store_idx %arg22[%add3A_452, %add3A_441], %get3A_448 : memref<32x512xf32, #tpu.memory_space<vmem>>[vector<16xi32>, vector<16xi32>], vector<16xf32>,
        %mul3A_453 = arith.constant 8 : i32
        %mul3A_454 = arith.muli %scan3A_379, %mul3A_453 : i32
        %add3A_455 = arith.constant 4 : i32
        %add3A_456 = arith.addi %mul3A_454, %add3A_455 : i32
        %broadcast_in_dim3A_457 = arith.constant 256 : i32
        %broadcast_in_dim3A_458 = vector.broadcast %broadcast_in_dim3A_457 : i32 to vector<16xi32>
        %add3A_459 = vector.broadcast %add3A_456 : i32 to vector<16xi32>
        %add3A_460 = arith.addi %broadcast_in_dim3A_458, %add3A_459 : vector<16xi32>
        %get3A_461 = arith.index_cast %add3A_456 : i32 to index
        %get3A_462 = arith.constant 0 : index
        %get3A_463 = tpu.vector_load %arg8[%get3A_461, %get3A_462] {strides = array<i32>} : memref<128x32xf32, #tpu.memory_space<vmem>>, vector<16xf32>,
        %iota3A_464 = tpu.iota {dimensions = array<i32: 0>} : vector<16xi32>
        tpu.vector_store_idx %arg22[%iota3A_464, %add3A_460], %get3A_463 : memref<32x512xf32, #tpu.memory_space<vmem>>[vector<16xi32>, vector<16xi32>], vector<16xf32>,
        %get3A_465 = arith.index_cast %add3A_456 : i32 to index
        %get3A_466 = arith.constant 16 : index
        %get3A_467 = tpu.vector_load %arg8[%get3A_465, %get3A_466] {strides = array<i32>} : memref<128x32xf32, #tpu.memory_space<vmem>>, vector<16xf32>,
        %iota3A_468 = tpu.iota {dimensions = array<i32: 0>} : vector<16xi32>
        %add3A_469 = arith.constant 16 : i32
        %add3A_470 = vector.broadcast %add3A_469 : i32 to vector<16xi32>
        %add3A_471 = arith.addi %iota3A_468, %add3A_470 : vector<16xi32>
        tpu.vector_store_idx %arg22[%add3A_471, %add3A_460], %get3A_467 : memref<32x512xf32, #tpu.memory_space<vmem>>[vector<16xi32>, vector<16xi32>], vector<16xf32>,
        %mul3A_472 = arith.constant 8 : i32
        %mul3A_473 = arith.muli %scan3A_379, %mul3A_472 : i32
        %add3A_474 = arith.constant 5 : i32
        %add3A_475 = arith.addi %mul3A_473, %add3A_474 : i32
        %broadcast_in_dim3A_476 = arith.constant 256 : i32
        %broadcast_in_dim3A_477 = vector.broadcast %broadcast_in_dim3A_476 : i32 to vector<16xi32>
        %add3A_478 = vector.broadcast %add3A_475 : i32 to vector<16xi32>
        %add3A_479 = arith.addi %broadcast_in_dim3A_477, %add3A_478 : vector<16xi32>
        %get3A_480 = arith.index_cast %add3A_475 : i32 to index
        %get3A_481 = arith.constant 0 : index
        %get3A_482 = tpu.vector_load %arg8[%get3A_480, %get3A_481] {strides = array<i32>} : memref<128x32xf32, #tpu.memory_space<vmem>>, vector<16xf32>,
        %iota3A_483 = tpu.iota {dimensions = array<i32: 0>} : vector<16xi32>
        tpu.vector_store_idx %arg22[%iota3A_483, %add3A_479], %get3A_482 : memref<32x512xf32, #tpu.memory_space<vmem>>[vector<16xi32>, vector<16xi32>], vector<16xf32>,
        %get3A_484 = arith.index_cast %add3A_475 : i32 to index
        %get3A_485 = arith.constant 16 : index
        %get3A_486 = tpu.vector_load %arg8[%get3A_484, %get3A_485] {strides = array<i32>} : memref<128x32xf32, #tpu.memory_space<vmem>>, vector<16xf32>,
        %iota3A_487 = tpu.iota {dimensions = array<i32: 0>} : vector<16xi32>
        %add3A_488 = arith.constant 16 : i32
        %add3A_489 = vector.broadcast %add3A_488 : i32 to vector<16xi32>
        %add3A_490 = arith.addi %iota3A_487, %add3A_489 : vector<16xi32>
        tpu.vector_store_idx %arg22[%add3A_490, %add3A_479], %get3A_486 : memref<32x512xf32, #tpu.memory_space<vmem>>[vector<16xi32>, vector<16xi32>], vector<16xf32>,
        %mul3A_491 = arith.constant 8 : i32
        %mul3A_492 = arith.muli %scan3A_379, %mul3A_491 : i32
        %add3A_493 = arith.constant 6 : i32
        %add3A_494 = arith.addi %mul3A_492, %add3A_493 : i32
        %broadcast_in_dim3A_495 = arith.constant 256 : i32
        %broadcast_in_dim3A_496 = vector.broadcast %broadcast_in_dim3A_495 : i32 to vector<16xi32>
        %add3A_497 = vector.broadcast %add3A_494 : i32 to vector<16xi32>
        %add3A_498 = arith.addi %broadcast_in_dim3A_496, %add3A_497 : vector<16xi32>
        %get3A_499 = arith.index_cast %add3A_494 : i32 to index
        %get3A_500 = arith.constant 0 : index
        %get3A_501 = tpu.vector_load %arg8[%get3A_499, %get3A_500] {strides = array<i32>} : memref<128x32xf32, #tpu.memory_space<vmem>>, vector<16xf32>,
        %iota3A_502 = tpu.iota {dimensions = array<i32: 0>} : vector<16xi32>
        tpu.vector_store_idx %arg22[%iota3A_502, %add3A_498], %get3A_501 : memref<32x512xf32, #tpu.memory_space<vmem>>[vector<16xi32>, vector<16xi32>], vector<16xf32>,
        %get3A_503 = arith.index_cast %add3A_494 : i32 to index
        %get3A_504 = arith.constant 16 : index
        %get3A_505 = tpu.vector_load %arg8[%get3A_503, %get3A_504] {strides = array<i32>} : memref<128x32xf32, #tpu.memory_space<vmem>>, vector<16xf32>,
        %iota3A_506 = tpu.iota {dimensions = array<i32: 0>} : vector<16xi32>
        %add3A_507 = arith.constant 16 : i32
        %add3A_508 = vector.broadcast %add3A_507 : i32 to vector<16xi32>
        %add3A_509 = arith.addi %iota3A_506, %add3A_508 : vector<16xi32>
        tpu.vector_store_idx %arg22[%add3A_509, %add3A_498], %get3A_505 : memref<32x512xf32, #tpu.memory_space<vmem>>[vector<16xi32>, vector<16xi32>], vector<16xf32>,
        %mul3A_510 = arith.constant 8 : i32
        %mul3A_511 = arith.muli %scan3A_379, %mul3A_510 : i32
        %add3A_512 = arith.constant 7 : i32
        %add3A_513 = arith.addi %mul3A_511, %add3A_512 : i32
        %broadcast_in_dim3A_514 = arith.constant 256 : i32
        %broadcast_in_dim3A_515 = vector.broadcast %broadcast_in_dim3A_514 : i32 to vector<16xi32>
        %add3A_516 = vector.broadcast %add3A_513 : i32 to vector<16xi32>
        %add3A_517 = arith.addi %broadcast_in_dim3A_515, %add3A_516 : vector<16xi32>
        %get3A_518 = arith.index_cast %add3A_513 : i32 to index
        %get3A_519 = arith.constant 0 : index
        %get3A_520 = tpu.vector_load %arg8[%get3A_518, %get3A_519] {strides = array<i32>} : memref<128x32xf32, #tpu.memory_space<vmem>>, vector<16xf32>,
        %iota3A_521 = tpu.iota {dimensions = array<i32: 0>} : vector<16xi32>
        tpu.vector_store_idx %arg22[%iota3A_521, %add3A_517], %get3A_520 : memref<32x512xf32, #tpu.memory_space<vmem>>[vector<16xi32>, vector<16xi32>], vector<16xf32>,
        %get3A_522 = arith.index_cast %add3A_513 : i32 to index
        %get3A_523 = arith.constant 16 : index
        %get3A_524 = tpu.vector_load %arg8[%get3A_522, %get3A_523] {strides = array<i32>} : memref<128x32xf32, #tpu.memory_space<vmem>>, vector<16xf32>,
        %iota3A_525 = tpu.iota {dimensions = array<i32: 0>} : vector<16xi32>
        %add3A_526 = arith.constant 16 : i32
        %add3A_527 = vector.broadcast %add3A_526 : i32 to vector<16xi32>
        %add3A_528 = arith.addi %iota3A_525, %add3A_527 : vector<16xi32>
        tpu.vector_store_idx %arg22[%add3A_528, %add3A_517], %get3A_524 : memref<32x512xf32, #tpu.memory_space<vmem>>[vector<16xi32>, vector<16xi32>], vector<16xf32>,
      }
      %scan3A_153 = arith.constant 16 : i32
      %mul3A_154 = arith.constant 8 : i32
      %mul3A_155 = arith.muli %scan3A_67, %mul3A_154 : i32
      %add3A_156 = arith.constant 3 : i32
      %add3A_157 = arith.addi %mul3A_155, %add3A_156 : i32
      %lt3A_158 = arith.constant 24 : i32
      %lt3A_159 = arith.cmpi slt, %scan3A_67, %lt3A_158 : i32
      %convert_element_type3A_160 = arith.extui %lt3A_159 : i1 to i32
      %cond3A_161 = arith.constant 0 : i32
      %cond3A_162 = arith.cmpi ne, %convert_element_type3A_160, %cond3A_161 : i32
      scf.if %cond3A_162 {
        %add3A_379 = arith.constant 8 : i32
        %add3A_380 = arith.addi %add3A_157, %add3A_379 : i32
        %sub3A_381 = arith.constant 2 : i32
        %sub3A_382 = arith.subi %add3A_380, %sub3A_381 : i32
        %dma_start3A_383 = arith.constant 0 : i32
        %dma_start3A_384 = tpu.memref_slice %arg5[%sub3A_382, %dma_start3A_383] : memref<200x128xi32, #tpu.memory_space<vmem>> -> memref<1x128xi32, #tpu.memory_space<vmem>>
        %dma_start3A_385 = tpu.memref_squeeze %dma_start3A_384 : memref<1x128xi32, #tpu.memory_space<vmem>> -> memref<128xi32, #tpu.memory_space<vmem>>
        %dma_start3A_386 = arith.constant 0 : i32
        %dma_start3A_387 = arith.constant 0 : i32
        %dma_start3A_388 = tpu.memref_slice %arg3[%dma_start3A_386, %dma_start3A_387] : memref<1000000x32xf32, #tpu.memory_space<hbm>> -> memref<1000000x32xf32, #tpu.memory_space<hbm>>
        tpu.enqueue_indirect_dma source(%dma_start3A_388 : memref<1000000x32xf32, #tpu.memory_space<hbm>>) target(%arg7 : memref<128x32xf32, #tpu.memory_space<vmem>>) offsets(%dma_start3A_385 : memref<128xi32, #tpu.memory_space<vmem>>) semaphore(%arg15 : memref<!tpu.dma_semaphore, #tpu.memory_space<semaphore_mem>>)
      } else {
      }
      %dma_wait3A_163 = arith.constant 0 : i32
      %dma_wait3A_164 = arith.constant 0 : i32
      %dma_wait3A_165 = tpu.memref_slice %arg3[%dma_wait3A_163, %dma_wait3A_164] : memref<1000000x32xf32, #tpu.memory_space<hbm>> -> memref<128x32xf32, #tpu.memory_space<hbm>>
      %dma_wait3A_166 = arith.constant 0 : i32
      %dma_wait3A_167 = arith.constant 0 : i32
      %dma_wait3A_168 = tpu.memref_slice %arg3[%dma_wait3A_166, %dma_wait3A_167] : memref<1000000x32xf32, #tpu.memory_space<hbm>> -> memref<128x32xf32, #tpu.memory_space<hbm>>
      tpu.wait_dma2 semaphore(%arg17 : memref<!tpu.dma_semaphore, #tpu.memory_space<semaphore_mem>>) src(%dma_wait3A_168 : memref<128x32xf32, #tpu.memory_space<hbm>>) dst(%arg9 : memref<128x32xf32, #tpu.memory_space<vmem>>)
      %mul3A_169 = arith.constant 2 : i32
      %mul3A_170 = arith.muli %scan3A_67, %mul3A_169 : i32
      %add3A_171 = arith.constant 0 : i32
      %add3A_172 = arith.addi %mul3A_170, %add3A_171 : i32
      %scan3A_173 = arith.constant 0 : i32
      %scan3A_174 = arith.constant 0 : i32
      %scan3A_175 = arith.constant 16 : i32
      %scan3A_176 = arith.addi %scan3A_174, %scan3A_175 : i32
      %scan3A_177 = arith.constant 1 : i32
      scf.for %scan3A_379 = %scan3A_174 to %scan3A_176 step %scan3A_177  : i32 {
        %mul3A_380 = arith.constant 8 : i32
        %mul3A_381 = arith.muli %scan3A_379, %mul3A_380 : i32
        %add3A_382 = arith.constant 0 : i32
        %add3A_383 = arith.addi %mul3A_381, %add3A_382 : i32
        %broadcast_in_dim3A = arith.constant 384 : i32
        %broadcast_in_dim3A_384 = vector.broadcast %broadcast_in_dim3A : i32 to vector<16xi32>
        %add3A_385 = vector.broadcast %add3A_383 : i32 to vector<16xi32>
        %add3A_386 = arith.addi %broadcast_in_dim3A_384, %add3A_385 : vector<16xi32>
        %get3A = arith.index_cast %add3A_383 : i32 to index
        %get3A_387 = arith.constant 0 : index
        %get3A_388 = tpu.vector_load %arg9[%get3A, %get3A_387] {strides = array<i32>} : memref<128x32xf32, #tpu.memory_space<vmem>>, vector<16xf32>,
        %iota3A = tpu.iota {dimensions = array<i32: 0>} : vector<16xi32>
        tpu.vector_store_idx %arg22[%iota3A, %add3A_386], %get3A_388 : memref<32x512xf32, #tpu.memory_space<vmem>>[vector<16xi32>, vector<16xi32>], vector<16xf32>,
        %get3A_389 = arith.index_cast %add3A_383 : i32 to index
        %get3A_390 = arith.constant 16 : index
        %get3A_391 = tpu.vector_load %arg9[%get3A_389, %get3A_390] {strides = array<i32>} : memref<128x32xf32, #tpu.memory_space<vmem>>, vector<16xf32>,
        %iota3A_392 = tpu.iota {dimensions = array<i32: 0>} : vector<16xi32>
        %add3A_393 = arith.constant 16 : i32
        %add3A_394 = vector.broadcast %add3A_393 : i32 to vector<16xi32>
        %add3A_395 = arith.addi %iota3A_392, %add3A_394 : vector<16xi32>
        tpu.vector_store_idx %arg22[%add3A_395, %add3A_386], %get3A_391 : memref<32x512xf32, #tpu.memory_space<vmem>>[vector<16xi32>, vector<16xi32>], vector<16xf32>,
        %mul3A_396 = arith.constant 8 : i32
        %mul3A_397 = arith.muli %scan3A_379, %mul3A_396 : i32
        %add3A_398 = arith.constant 1 : i32
        %add3A_399 = arith.addi %mul3A_397, %add3A_398 : i32
        %broadcast_in_dim3A_400 = arith.constant 384 : i32
        %broadcast_in_dim3A_401 = vector.broadcast %broadcast_in_dim3A_400 : i32 to vector<16xi32>
        %add3A_402 = vector.broadcast %add3A_399 : i32 to vector<16xi32>
        %add3A_403 = arith.addi %broadcast_in_dim3A_401, %add3A_402 : vector<16xi32>
        %get3A_404 = arith.index_cast %add3A_399 : i32 to index
        %get3A_405 = arith.constant 0 : index
        %get3A_406 = tpu.vector_load %arg9[%get3A_404, %get3A_405] {strides = array<i32>} : memref<128x32xf32, #tpu.memory_space<vmem>>, vector<16xf32>,
        %iota3A_407 = tpu.iota {dimensions = array<i32: 0>} : vector<16xi32>
        tpu.vector_store_idx %arg22[%iota3A_407, %add3A_403], %get3A_406 : memref<32x512xf32, #tpu.memory_space<vmem>>[vector<16xi32>, vector<16xi32>], vector<16xf32>,
        %get3A_408 = arith.index_cast %add3A_399 : i32 to index
        %get3A_409 = arith.constant 16 : index
        %get3A_410 = tpu.vector_load %arg9[%get3A_408, %get3A_409] {strides = array<i32>} : memref<128x32xf32, #tpu.memory_space<vmem>>, vector<16xf32>,
        %iota3A_411 = tpu.iota {dimensions = array<i32: 0>} : vector<16xi32>
        %add3A_412 = arith.constant 16 : i32
        %add3A_413 = vector.broadcast %add3A_412 : i32 to vector<16xi32>
        %add3A_414 = arith.addi %iota3A_411, %add3A_413 : vector<16xi32>
        tpu.vector_store_idx %arg22[%add3A_414, %add3A_403], %get3A_410 : memref<32x512xf32, #tpu.memory_space<vmem>>[vector<16xi32>, vector<16xi32>], vector<16xf32>,
        %mul3A_415 = arith.constant 8 : i32
        %mul3A_416 = arith.muli %scan3A_379, %mul3A_415 : i32
        %add3A_417 = arith.constant 2 : i32
        %add3A_418 = arith.addi %mul3A_416, %add3A_417 : i32
        %broadcast_in_dim3A_419 = arith.constant 384 : i32
        %broadcast_in_dim3A_420 = vector.broadcast %broadcast_in_dim3A_419 : i32 to vector<16xi32>
        %add3A_421 = vector.broadcast %add3A_418 : i32 to vector<16xi32>
        %add3A_422 = arith.addi %broadcast_in_dim3A_420, %add3A_421 : vector<16xi32>
        %get3A_423 = arith.index_cast %add3A_418 : i32 to index
        %get3A_424 = arith.constant 0 : index
        %get3A_425 = tpu.vector_load %arg9[%get3A_423, %get3A_424] {strides = array<i32>} : memref<128x32xf32, #tpu.memory_space<vmem>>, vector<16xf32>,
        %iota3A_426 = tpu.iota {dimensions = array<i32: 0>} : vector<16xi32>
        tpu.vector_store_idx %arg22[%iota3A_426, %add3A_422], %get3A_425 : memref<32x512xf32, #tpu.memory_space<vmem>>[vector<16xi32>, vector<16xi32>], vector<16xf32>,
        %get3A_427 = arith.index_cast %add3A_418 : i32 to index
        %get3A_428 = arith.constant 16 : index
        %get3A_429 = tpu.vector_load %arg9[%get3A_427, %get3A_428] {strides = array<i32>} : memref<128x32xf32, #tpu.memory_space<vmem>>, vector<16xf32>,
        %iota3A_430 = tpu.iota {dimensions = array<i32: 0>} : vector<16xi32>
        %add3A_431 = arith.constant 16 : i32
        %add3A_432 = vector.broadcast %add3A_431 : i32 to vector<16xi32>
        %add3A_433 = arith.addi %iota3A_430, %add3A_432 : vector<16xi32>
        tpu.vector_store_idx %arg22[%add3A_433, %add3A_422], %get3A_429 : memref<32x512xf32, #tpu.memory_space<vmem>>[vector<16xi32>, vector<16xi32>], vector<16xf32>,
        %mul3A_434 = arith.constant 8 : i32
        %mul3A_435 = arith.muli %scan3A_379, %mul3A_434 : i32
        %add3A_436 = arith.constant 3 : i32
        %add3A_437 = arith.addi %mul3A_435, %add3A_436 : i32
        %broadcast_in_dim3A_438 = arith.constant 384 : i32
        %broadcast_in_dim3A_439 = vector.broadcast %broadcast_in_dim3A_438 : i32 to vector<16xi32>
        %add3A_440 = vector.broadcast %add3A_437 : i32 to vector<16xi32>
        %add3A_441 = arith.addi %broadcast_in_dim3A_439, %add3A_440 : vector<16xi32>
        %get3A_442 = arith.index_cast %add3A_437 : i32 to index
        %get3A_443 = arith.constant 0 : index
        %get3A_444 = tpu.vector_load %arg9[%get3A_442, %get3A_443] {strides = array<i32>} : memref<128x32xf32, #tpu.memory_space<vmem>>, vector<16xf32>,
        %iota3A_445 = tpu.iota {dimensions = array<i32: 0>} : vector<16xi32>
        tpu.vector_store_idx %arg22[%iota3A_445, %add3A_441], %get3A_444 : memref<32x512xf32, #tpu.memory_space<vmem>>[vector<16xi32>, vector<16xi32>], vector<16xf32>,
        %get3A_446 = arith.index_cast %add3A_437 : i32 to index
        %get3A_447 = arith.constant 16 : index
        %get3A_448 = tpu.vector_load %arg9[%get3A_446, %get3A_447] {strides = array<i32>} : memref<128x32xf32, #tpu.memory_space<vmem>>, vector<16xf32>,
        %iota3A_449 = tpu.iota {dimensions = array<i32: 0>} : vector<16xi32>
        %add3A_450 = arith.constant 16 : i32
        %add3A_451 = vector.broadcast %add3A_450 : i32 to vector<16xi32>
        %add3A_452 = arith.addi %iota3A_449, %add3A_451 : vector<16xi32>
        tpu.vector_store_idx %arg22[%add3A_452, %add3A_441], %get3A_448 : memref<32x512xf32, #tpu.memory_space<vmem>>[vector<16xi32>, vector<16xi32>], vector<16xf32>,
        %mul3A_453 = arith.constant 8 : i32
        %mul3A_454 = arith.muli %scan3A_379, %mul3A_453 : i32
        %add3A_455 = arith.constant 4 : i32
        %add3A_456 = arith.addi %mul3A_454, %add3A_455 : i32
        %broadcast_in_dim3A_457 = arith.constant 384 : i32
        %broadcast_in_dim3A_458 = vector.broadcast %broadcast_in_dim3A_457 : i32 to vector<16xi32>
        %add3A_459 = vector.broadcast %add3A_456 : i32 to vector<16xi32>
        %add3A_460 = arith.addi %broadcast_in_dim3A_458, %add3A_459 : vector<16xi32>
        %get3A_461 = arith.index_cast %add3A_456 : i32 to index
        %get3A_462 = arith.constant 0 : index
        %get3A_463 = tpu.vector_load %arg9[%get3A_461, %get3A_462] {strides = array<i32>} : memref<128x32xf32, #tpu.memory_space<vmem>>, vector<16xf32>,
        %iota3A_464 = tpu.iota {dimensions = array<i32: 0>} : vector<16xi32>
        tpu.vector_store_idx %arg22[%iota3A_464, %add3A_460], %get3A_463 : memref<32x512xf32, #tpu.memory_space<vmem>>[vector<16xi32>, vector<16xi32>], vector<16xf32>,
        %get3A_465 = arith.index_cast %add3A_456 : i32 to index
        %get3A_466 = arith.constant 16 : index
        %get3A_467 = tpu.vector_load %arg9[%get3A_465, %get3A_466] {strides = array<i32>} : memref<128x32xf32, #tpu.memory_space<vmem>>, vector<16xf32>,
        %iota3A_468 = tpu.iota {dimensions = array<i32: 0>} : vector<16xi32>
        %add3A_469 = arith.constant 16 : i32
        %add3A_470 = vector.broadcast %add3A_469 : i32 to vector<16xi32>
        %add3A_471 = arith.addi %iota3A_468, %add3A_470 : vector<16xi32>
        tpu.vector_store_idx %arg22[%add3A_471, %add3A_460], %get3A_467 : memref<32x512xf32, #tpu.memory_space<vmem>>[vector<16xi32>, vector<16xi32>], vector<16xf32>,
        %mul3A_472 = arith.constant 8 : i32
        %mul3A_473 = arith.muli %scan3A_379, %mul3A_472 : i32
        %add3A_474 = arith.constant 5 : i32
        %add3A_475 = arith.addi %mul3A_473, %add3A_474 : i32
        %broadcast_in_dim3A_476 = arith.constant 384 : i32
        %broadcast_in_dim3A_477 = vector.broadcast %broadcast_in_dim3A_476 : i32 to vector<16xi32>
        %add3A_478 = vector.broadcast %add3A_475 : i32 to vector<16xi32>
        %add3A_479 = arith.addi %broadcast_in_dim3A_477, %add3A_478 : vector<16xi32>
        %get3A_480 = arith.index_cast %add3A_475 : i32 to index
        %get3A_481 = arith.constant 0 : index
        %get3A_482 = tpu.vector_load %arg9[%get3A_480, %get3A_481] {strides = array<i32>} : memref<128x32xf32, #tpu.memory_space<vmem>>, vector<16xf32>,
        %iota3A_483 = tpu.iota {dimensions = array<i32: 0>} : vector<16xi32>
        tpu.vector_store_idx %arg22[%iota3A_483, %add3A_479], %get3A_482 : memref<32x512xf32, #tpu.memory_space<vmem>>[vector<16xi32>, vector<16xi32>], vector<16xf32>,
        %get3A_484 = arith.index_cast %add3A_475 : i32 to index
        %get3A_485 = arith.constant 16 : index
        %get3A_486 = tpu.vector_load %arg9[%get3A_484, %get3A_485] {strides = array<i32>} : memref<128x32xf32, #tpu.memory_space<vmem>>, vector<16xf32>,
        %iota3A_487 = tpu.iota {dimensions = array<i32: 0>} : vector<16xi32>
        %add3A_488 = arith.constant 16 : i32
        %add3A_489 = vector.broadcast %add3A_488 : i32 to vector<16xi32>
        %add3A_490 = arith.addi %iota3A_487, %add3A_489 : vector<16xi32>
        tpu.vector_store_idx %arg22[%add3A_490, %add3A_479], %get3A_486 : memref<32x512xf32, #tpu.memory_space<vmem>>[vector<16xi32>, vector<16xi32>], vector<16xf32>,
        %mul3A_491 = arith.constant 8 : i32
        %mul3A_492 = arith.muli %scan3A_379, %mul3A_491 : i32
        %add3A_493 = arith.constant 6 : i32
        %add3A_494 = arith.addi %mul3A_492, %add3A_493 : i32
        %broadcast_in_dim3A_495 = arith.constant 384 : i32
        %broadcast_in_dim3A_496 = vector.broadcast %broadcast_in_dim3A_495 : i32 to vector<16xi32>
        %add3A_497 = vector.broadcast %add3A_494 : i32 to vector<16xi32>
        %add3A_498 = arith.addi %broadcast_in_dim3A_496, %add3A_497 : vector<16xi32>
        %get3A_499 = arith.index_cast %add3A_494 : i32 to index
        %get3A_500 = arith.constant 0 : index
        %get3A_501 = tpu.vector_load %arg9[%get3A_499, %get3A_500] {strides = array<i32>} : memref<128x32xf32, #tpu.memory_space<vmem>>, vector<16xf32>,
        %iota3A_502 = tpu.iota {dimensions = array<i32: 0>} : vector<16xi32>
        tpu.vector_store_idx %arg22[%iota3A_502, %add3A_498], %get3A_501 : memref<32x512xf32, #tpu.memory_space<vmem>>[vector<16xi32>, vector<16xi32>], vector<16xf32>,
        %get3A_503 = arith.index_cast %add3A_494 : i32 to index
        %get3A_504 = arith.constant 16 : index
        %get3A_505 = tpu.vector_load %arg9[%get3A_503, %get3A_504] {strides = array<i32>} : memref<128x32xf32, #tpu.memory_space<vmem>>, vector<16xf32>,
        %iota3A_506 = tpu.iota {dimensions = array<i32: 0>} : vector<16xi32>
        %add3A_507 = arith.constant 16 : i32
        %add3A_508 = vector.broadcast %add3A_507 : i32 to vector<16xi32>
        %add3A_509 = arith.addi %iota3A_506, %add3A_508 : vector<16xi32>
        tpu.vector_store_idx %arg22[%add3A_509, %add3A_498], %get3A_505 : memref<32x512xf32, #tpu.memory_space<vmem>>[vector<16xi32>, vector<16xi32>], vector<16xf32>,
        %mul3A_510 = arith.constant 8 : i32
        %mul3A_511 = arith.muli %scan3A_379, %mul3A_510 : i32
        %add3A_512 = arith.constant 7 : i32
        %add3A_513 = arith.addi %mul3A_511, %add3A_512 : i32
        %broadcast_in_dim3A_514 = arith.constant 384 : i32
        %broadcast_in_dim3A_515 = vector.broadcast %broadcast_in_dim3A_514 : i32 to vector<16xi32>
        %add3A_516 = vector.broadcast %add3A_513 : i32 to vector<16xi32>
        %add3A_517 = arith.addi %broadcast_in_dim3A_515, %add3A_516 : vector<16xi32>
        %get3A_518 = arith.index_cast %add3A_513 : i32 to index
        %get3A_519 = arith.constant 0 : index
        %get3A_520 = tpu.vector_load %arg9[%get3A_518, %get3A_519] {strides = array<i32>} : memref<128x32xf32, #tpu.memory_space<vmem>>, vector<16xf32>,
        %iota3A_521 = tpu.iota {dimensions = array<i32: 0>} : vector<16xi32>
        tpu.vector_store_idx %arg22[%iota3A_521, %add3A_517], %get3A_520 : memref<32x512xf32, #tpu.memory_space<vmem>>[vector<16xi32>, vector<16xi32>], vector<16xf32>,
        %get3A_522 = arith.index_cast %add3A_513 : i32 to index
        %get3A_523 = arith.constant 16 : index
        %get3A_524 = tpu.vector_load %arg9[%get3A_522, %get3A_523] {strides = array<i32>} : memref<128x32xf32, #tpu.memory_space<vmem>>, vector<16xf32>,
        %iota3A_525 = tpu.iota {dimensions = array<i32: 0>} : vector<16xi32>
        %add3A_526 = arith.constant 16 : i32
        %add3A_527 = vector.broadcast %add3A_526 : i32 to vector<16xi32>
        %add3A_528 = arith.addi %iota3A_525, %add3A_527 : vector<16xi32>
        tpu.vector_store_idx %arg22[%add3A_528, %add3A_517], %get3A_524 : memref<32x512xf32, #tpu.memory_space<vmem>>[vector<16xi32>, vector<16xi32>], vector<16xf32>,
      }
      %scan3A_178 = arith.constant 16 : i32
      %mul3A_179 = arith.constant 4 : i32
      %mul3A_180 = arith.muli %add3A_172, %mul3A_179 : i32
      %add3A_181 = arith.addi %mul3A_2, %mul3A_180 : i32
      %jit3A = arith.constant 128 : i32
      %div3A = arith.divsi %add3A_181, %jit3A : i32
      %sign3A = arith.constant 0 : i32
      %sign3A_182 = arith.cmpi sgt, %add3A_181, %sign3A : i32
      %sign3A_183 = arith.extui %sign3A_182 : i1 to i32
      %sign3A_184 = arith.constant 0 : i32
      %sign3A_185 = arith.cmpi slt, %add3A_181, %sign3A_184 : i32
      %sign3A_186 = arith.extui %sign3A_185 : i1 to i32
      %sign3A_187 = arith.subi %sign3A_183, %sign3A_186 : i32
      %sign3A_188 = arith.constant 0 : i32
      %sign3A_189 = arith.cmpi sgt, %jit3A, %sign3A_188 : i32
      %sign3A_190 = arith.extui %sign3A_189 : i1 to i32
      %sign3A_191 = arith.constant 0 : i32
      %sign3A_192 = arith.cmpi slt, %jit3A, %sign3A_191 : i32
      %sign3A_193 = arith.extui %sign3A_192 : i1 to i32
      %sign3A_194 = arith.subi %sign3A_190, %sign3A_193 : i32
      %ne3A = arith.cmpi ne, %sign3A_187, %sign3A_194 : i32
      %rem3A = arith.remsi %add3A_181, %jit3A : i32
      %ne3A_195 = arith.constant 0 : i32
      %ne3A_196 = arith.cmpi ne, %rem3A, %ne3A_195 : i32
      %and3A = arith.andi %ne3A, %ne3A_196 : i1
      %sub3A_197 = arith.constant 1 : i32
      %sub3A_198 = arith.subi %div3A, %sub3A_197 : i32
      %select_n3A = arith.select %and3A, %sub3A_198, %div3A : i32
      %jit3A_199 = arith.constant 128 : i32
      %eq3A = arith.constant 0 : i32
      %eq3A_200 = arith.cmpi eq, %jit3A_199, %eq3A : i32
      %jit3A_201 = arith.constant 1 : i32
      %select_n3A_202 = arith.select %eq3A_200, %jit3A_201, %jit3A_199 : i32
      %rem3A_203 = arith.remsi %add3A_181, %select_n3A_202 : i32
      %ne3A_204 = arith.constant 0 : i32
      %ne3A_205 = arith.cmpi ne, %rem3A_203, %ne3A_204 : i32
      %lt3A_206 = arith.constant 0 : i32
      %lt3A_207 = arith.cmpi slt, %rem3A_203, %lt3A_206 : i32
      %lt3A_208 = arith.constant 0 : i32
      %lt3A_209 = arith.cmpi slt, %select_n3A_202, %lt3A_208 : i32
      %ne3A_210 = arith.xori %lt3A_207, %lt3A_209 : i1
      %and3A_211 = arith.andi %ne3A_210, %ne3A_205 : i1
      %add3A_212 = arith.addi %rem3A_203, %select_n3A_202 : i32
      %select_n3A_213 = arith.select %and3A_211, %add3A_212, %rem3A_203 : i32
      %mul3A_214 = arith.constant 128 : i32
      %mul3A_215 = arith.muli %select_n3A_213, %mul3A_214 : i32
      %dma_start3A_216 = arith.constant 0 : i32
      %dma_start3A_217 = tpu.memref_slice %arg4[%select_n3A, %dma_start3A_216, %mul3A_215] : memref<50x32x16384xf32, #tpu.memory_space<hbm>> -> memref<1x32x512xf32, #tpu.memory_space<hbm>>
      %dma_start3A_218 = tpu.memref_squeeze %dma_start3A_217 : memref<1x32x512xf32, #tpu.memory_space<hbm>> -> memref<32x512xf32, #tpu.memory_space<hbm>>
      %dma_start3A_219 = arith.constant 0 : i32
      %dma_start3A_220 = tpu.memref_slice %arg4[%select_n3A, %dma_start3A_219, %mul3A_215] : memref<50x32x16384xf32, #tpu.memory_space<hbm>> -> memref<1x32x512xf32, #tpu.memory_space<hbm>>
      %dma_start3A_221 = tpu.memref_squeeze %dma_start3A_220 : memref<1x32x512xf32, #tpu.memory_space<hbm>> -> memref<32x512xf32, #tpu.memory_space<hbm>>
      tpu.enqueue_dma source(%arg22 : memref<32x512xf32, #tpu.memory_space<vmem>>) target(%dma_start3A_221 : memref<32x512xf32, #tpu.memory_space<hbm>>) target_semaphore(%arg24 : memref<!tpu.dma_semaphore, #tpu.memory_space<semaphore_mem>>)
      %mul3A_222 = arith.constant 8 : i32
      %mul3A_223 = arith.muli %scan3A_67, %mul3A_222 : i32
      %add3A_224 = arith.constant 4 : i32
      %add3A_225 = arith.addi %mul3A_223, %add3A_224 : i32
      %lt3A_226 = arith.constant 24 : i32
      %lt3A_227 = arith.cmpi slt, %scan3A_67, %lt3A_226 : i32
      %convert_element_type3A_228 = arith.extui %lt3A_227 : i1 to i32
      %cond3A_229 = arith.constant 0 : i32
      %cond3A_230 = arith.cmpi ne, %convert_element_type3A_228, %cond3A_229 : i32
      scf.if %cond3A_230 {
        %add3A_379 = arith.constant 8 : i32
        %add3A_380 = arith.addi %add3A_225, %add3A_379 : i32
        %sub3A_381 = arith.constant 2 : i32
        %sub3A_382 = arith.subi %add3A_380, %sub3A_381 : i32
        %dma_start3A_383 = arith.constant 0 : i32
        %dma_start3A_384 = tpu.memref_slice %arg5[%sub3A_382, %dma_start3A_383] : memref<200x128xi32, #tpu.memory_space<vmem>> -> memref<1x128xi32, #tpu.memory_space<vmem>>
        %dma_start3A_385 = tpu.memref_squeeze %dma_start3A_384 : memref<1x128xi32, #tpu.memory_space<vmem>> -> memref<128xi32, #tpu.memory_space<vmem>>
        %dma_start3A_386 = arith.constant 0 : i32
        %dma_start3A_387 = arith.constant 0 : i32
        %dma_start3A_388 = tpu.memref_slice %arg3[%dma_start3A_386, %dma_start3A_387] : memref<1000000x32xf32, #tpu.memory_space<hbm>> -> memref<1000000x32xf32, #tpu.memory_space<hbm>>
        tpu.enqueue_indirect_dma source(%dma_start3A_388 : memref<1000000x32xf32, #tpu.memory_space<hbm>>) target(%arg8 : memref<128x32xf32, #tpu.memory_space<vmem>>) offsets(%dma_start3A_385 : memref<128xi32, #tpu.memory_space<vmem>>) semaphore(%arg16 : memref<!tpu.dma_semaphore, #tpu.memory_space<semaphore_mem>>)
      } else {
      }
      %dma_wait3A_231 = arith.constant 0 : i32
      %dma_wait3A_232 = arith.constant 0 : i32
      %dma_wait3A_233 = tpu.memref_slice %arg3[%dma_wait3A_231, %dma_wait3A_232] : memref<1000000x32xf32, #tpu.memory_space<hbm>> -> memref<128x32xf32, #tpu.memory_space<hbm>>
      %dma_wait3A_234 = arith.constant 0 : i32
      %dma_wait3A_235 = arith.constant 0 : i32
      %dma_wait3A_236 = tpu.memref_slice %arg3[%dma_wait3A_234, %dma_wait3A_235] : memref<1000000x32xf32, #tpu.memory_space<hbm>> -> memref<128x32xf32, #tpu.memory_space<hbm>>
      tpu.wait_dma2 semaphore(%arg18 : memref<!tpu.dma_semaphore, #tpu.memory_space<semaphore_mem>>) src(%dma_wait3A_236 : memref<128x32xf32, #tpu.memory_space<hbm>>) dst(%arg10 : memref<128x32xf32, #tpu.memory_space<vmem>>)
      %mul3A_237 = arith.constant 2 : i32
      %mul3A_238 = arith.muli %scan3A_67, %mul3A_237 : i32
      %add3A_239 = arith.constant 1 : i32
      %add3A_240 = arith.addi %mul3A_238, %add3A_239 : i32
      %ge3A_241 = arith.constant 1 : i32
      %ge3A_242 = arith.cmpi sge, %scan3A_67, %ge3A_241 : i32
      %convert_element_type3A_243 = arith.extui %ge3A_242 : i1 to i32
      %cond3A_244 = arith.constant 0 : i32
      %cond3A_245 = arith.cmpi ne, %convert_element_type3A_243, %cond3A_244 : i32
      scf.if %cond3A_245 {
        %dma_wait3A_379 = arith.constant 0 : i32
        %dma_wait3A_380 = arith.constant 0 : i32
        %dma_wait3A_381 = arith.constant 0 : i32
        %dma_wait3A_382 = tpu.memref_slice %arg4[%dma_wait3A_379, %dma_wait3A_380, %dma_wait3A_381] : memref<50x32x16384xf32, #tpu.memory_space<hbm>> -> memref<1x32x512xf32, #tpu.memory_space<hbm>>
        %dma_wait3A_383 = tpu.memref_squeeze %dma_wait3A_382 : memref<1x32x512xf32, #tpu.memory_space<hbm>> -> memref<32x512xf32, #tpu.memory_space<hbm>>
        %dma_wait3A_384 = arith.constant 0 : i32
        %dma_wait3A_385 = arith.constant 0 : i32
        %dma_wait3A_386 = tpu.memref_slice %arg4[%dma_wait3A_379, %dma_wait3A_384, %dma_wait3A_385] : memref<50x32x16384xf32, #tpu.memory_space<hbm>> -> memref<1x32x512xf32, #tpu.memory_space<hbm>>
        %dma_wait3A_387 = tpu.memref_squeeze %dma_wait3A_386 : memref<1x32x512xf32, #tpu.memory_space<hbm>> -> memref<32x512xf32, #tpu.memory_space<hbm>>
        tpu.wait_dma2 semaphore(%arg25 : memref<!tpu.dma_semaphore, #tpu.memory_space<semaphore_mem>>) src(%arg23 : memref<32x512xf32, #tpu.memory_space<vmem>>) dst(%dma_wait3A_387 : memref<32x512xf32, #tpu.memory_space<hbm>>)
      } else {
      }
      %scan3A_246 = arith.constant 0 : i32
      %scan3A_247 = arith.constant 0 : i32
      %scan3A_248 = arith.constant 16 : i32
      %scan3A_249 = arith.addi %scan3A_247, %scan3A_248 : i32
      %scan3A_250 = arith.constant 1 : i32
      scf.for %scan3A_379 = %scan3A_247 to %scan3A_249 step %scan3A_250  : i32 {
        %mul3A_380 = arith.constant 8 : i32
        %mul3A_381 = arith.muli %scan3A_379, %mul3A_380 : i32
        %add3A_382 = arith.constant 0 : i32
        %add3A_383 = arith.addi %mul3A_381, %add3A_382 : i32
        %broadcast_in_dim3A = arith.constant 0 : i32
        %broadcast_in_dim3A_384 = vector.broadcast %broadcast_in_dim3A : i32 to vector<16xi32>
        %add3A_385 = vector.broadcast %add3A_383 : i32 to vector<16xi32>
        %add3A_386 = arith.addi %broadcast_in_dim3A_384, %add3A_385 : vector<16xi32>
        %get3A = arith.index_cast %add3A_383 : i32 to index
        %get3A_387 = arith.constant 0 : index
        %get3A_388 = tpu.vector_load %arg10[%get3A, %get3A_387] {strides = array<i32>} : memref<128x32xf32, #tpu.memory_space<vmem>>, vector<16xf32>,
        %iota3A = tpu.iota {dimensions = array<i32: 0>} : vector<16xi32>
        tpu.vector_store_idx %arg23[%iota3A, %add3A_386], %get3A_388 : memref<32x512xf32, #tpu.memory_space<vmem>>[vector<16xi32>, vector<16xi32>], vector<16xf32>,
        %get3A_389 = arith.index_cast %add3A_383 : i32 to index
        %get3A_390 = arith.constant 16 : index
        %get3A_391 = tpu.vector_load %arg10[%get3A_389, %get3A_390] {strides = array<i32>} : memref<128x32xf32, #tpu.memory_space<vmem>>, vector<16xf32>,
        %iota3A_392 = tpu.iota {dimensions = array<i32: 0>} : vector<16xi32>
        %add3A_393 = arith.constant 16 : i32
        %add3A_394 = vector.broadcast %add3A_393 : i32 to vector<16xi32>
        %add3A_395 = arith.addi %iota3A_392, %add3A_394 : vector<16xi32>
        tpu.vector_store_idx %arg23[%add3A_395, %add3A_386], %get3A_391 : memref<32x512xf32, #tpu.memory_space<vmem>>[vector<16xi32>, vector<16xi32>], vector<16xf32>,
        %mul3A_396 = arith.constant 8 : i32
        %mul3A_397 = arith.muli %scan3A_379, %mul3A_396 : i32
        %add3A_398 = arith.constant 1 : i32
        %add3A_399 = arith.addi %mul3A_397, %add3A_398 : i32
        %broadcast_in_dim3A_400 = arith.constant 0 : i32
        %broadcast_in_dim3A_401 = vector.broadcast %broadcast_in_dim3A_400 : i32 to vector<16xi32>
        %add3A_402 = vector.broadcast %add3A_399 : i32 to vector<16xi32>
        %add3A_403 = arith.addi %broadcast_in_dim3A_401, %add3A_402 : vector<16xi32>
        %get3A_404 = arith.index_cast %add3A_399 : i32 to index
        %get3A_405 = arith.constant 0 : index
        %get3A_406 = tpu.vector_load %arg10[%get3A_404, %get3A_405] {strides = array<i32>} : memref<128x32xf32, #tpu.memory_space<vmem>>, vector<16xf32>,
        %iota3A_407 = tpu.iota {dimensions = array<i32: 0>} : vector<16xi32>
        tpu.vector_store_idx %arg23[%iota3A_407, %add3A_403], %get3A_406 : memref<32x512xf32, #tpu.memory_space<vmem>>[vector<16xi32>, vector<16xi32>], vector<16xf32>,
        %get3A_408 = arith.index_cast %add3A_399 : i32 to index
        %get3A_409 = arith.constant 16 : index
        %get3A_410 = tpu.vector_load %arg10[%get3A_408, %get3A_409] {strides = array<i32>} : memref<128x32xf32, #tpu.memory_space<vmem>>, vector<16xf32>,
        %iota3A_411 = tpu.iota {dimensions = array<i32: 0>} : vector<16xi32>
        %add3A_412 = arith.constant 16 : i32
        %add3A_413 = vector.broadcast %add3A_412 : i32 to vector<16xi32>
        %add3A_414 = arith.addi %iota3A_411, %add3A_413 : vector<16xi32>
        tpu.vector_store_idx %arg23[%add3A_414, %add3A_403], %get3A_410 : memref<32x512xf32, #tpu.memory_space<vmem>>[vector<16xi32>, vector<16xi32>], vector<16xf32>,
        %mul3A_415 = arith.constant 8 : i32
        %mul3A_416 = arith.muli %scan3A_379, %mul3A_415 : i32
        %add3A_417 = arith.constant 2 : i32
        %add3A_418 = arith.addi %mul3A_416, %add3A_417 : i32
        %broadcast_in_dim3A_419 = arith.constant 0 : i32
        %broadcast_in_dim3A_420 = vector.broadcast %broadcast_in_dim3A_419 : i32 to vector<16xi32>
        %add3A_421 = vector.broadcast %add3A_418 : i32 to vector<16xi32>
        %add3A_422 = arith.addi %broadcast_in_dim3A_420, %add3A_421 : vector<16xi32>
        %get3A_423 = arith.index_cast %add3A_418 : i32 to index
        %get3A_424 = arith.constant 0 : index
        %get3A_425 = tpu.vector_load %arg10[%get3A_423, %get3A_424] {strides = array<i32>} : memref<128x32xf32, #tpu.memory_space<vmem>>, vector<16xf32>,
        %iota3A_426 = tpu.iota {dimensions = array<i32: 0>} : vector<16xi32>
        tpu.vector_store_idx %arg23[%iota3A_426, %add3A_422], %get3A_425 : memref<32x512xf32, #tpu.memory_space<vmem>>[vector<16xi32>, vector<16xi32>], vector<16xf32>,
        %get3A_427 = arith.index_cast %add3A_418 : i32 to index
        %get3A_428 = arith.constant 16 : index
        %get3A_429 = tpu.vector_load %arg10[%get3A_427, %get3A_428] {strides = array<i32>} : memref<128x32xf32, #tpu.memory_space<vmem>>, vector<16xf32>,
        %iota3A_430 = tpu.iota {dimensions = array<i32: 0>} : vector<16xi32>
        %add3A_431 = arith.constant 16 : i32
        %add3A_432 = vector.broadcast %add3A_431 : i32 to vector<16xi32>
        %add3A_433 = arith.addi %iota3A_430, %add3A_432 : vector<16xi32>
        tpu.vector_store_idx %arg23[%add3A_433, %add3A_422], %get3A_429 : memref<32x512xf32, #tpu.memory_space<vmem>>[vector<16xi32>, vector<16xi32>], vector<16xf32>,
        %mul3A_434 = arith.constant 8 : i32
        %mul3A_435 = arith.muli %scan3A_379, %mul3A_434 : i32
        %add3A_436 = arith.constant 3 : i32
        %add3A_437 = arith.addi %mul3A_435, %add3A_436 : i32
        %broadcast_in_dim3A_438 = arith.constant 0 : i32
        %broadcast_in_dim3A_439 = vector.broadcast %broadcast_in_dim3A_438 : i32 to vector<16xi32>
        %add3A_440 = vector.broadcast %add3A_437 : i32 to vector<16xi32>
        %add3A_441 = arith.addi %broadcast_in_dim3A_439, %add3A_440 : vector<16xi32>
        %get3A_442 = arith.index_cast %add3A_437 : i32 to index
        %get3A_443 = arith.constant 0 : index
        %get3A_444 = tpu.vector_load %arg10[%get3A_442, %get3A_443] {strides = array<i32>} : memref<128x32xf32, #tpu.memory_space<vmem>>, vector<16xf32>,
        %iota3A_445 = tpu.iota {dimensions = array<i32: 0>} : vector<16xi32>
        tpu.vector_store_idx %arg23[%iota3A_445, %add3A_441], %get3A_444 : memref<32x512xf32, #tpu.memory_space<vmem>>[vector<16xi32>, vector<16xi32>], vector<16xf32>,
        %get3A_446 = arith.index_cast %add3A_437 : i32 to index
        %get3A_447 = arith.constant 16 : index
        %get3A_448 = tpu.vector_load %arg10[%get3A_446, %get3A_447] {strides = array<i32>} : memref<128x32xf32, #tpu.memory_space<vmem>>, vector<16xf32>,
        %iota3A_449 = tpu.iota {dimensions = array<i32: 0>} : vector<16xi32>
        %add3A_450 = arith.constant 16 : i32
        %add3A_451 = vector.broadcast %add3A_450 : i32 to vector<16xi32>
        %add3A_452 = arith.addi %iota3A_449, %add3A_451 : vector<16xi32>
        tpu.vector_store_idx %arg23[%add3A_452, %add3A_441], %get3A_448 : memref<32x512xf32, #tpu.memory_space<vmem>>[vector<16xi32>, vector<16xi32>], vector<16xf32>,
        %mul3A_453 = arith.constant 8 : i32
        %mul3A_454 = arith.muli %scan3A_379, %mul3A_453 : i32
        %add3A_455 = arith.constant 4 : i32
        %add3A_456 = arith.addi %mul3A_454, %add3A_455 : i32
        %broadcast_in_dim3A_457 = arith.constant 0 : i32
        %broadcast_in_dim3A_458 = vector.broadcast %broadcast_in_dim3A_457 : i32 to vector<16xi32>
        %add3A_459 = vector.broadcast %add3A_456 : i32 to vector<16xi32>
        %add3A_460 = arith.addi %broadcast_in_dim3A_458, %add3A_459 : vector<16xi32>
        %get3A_461 = arith.index_cast %add3A_456 : i32 to index
        %get3A_462 = arith.constant 0 : index
        %get3A_463 = tpu.vector_load %arg10[%get3A_461, %get3A_462] {strides = array<i32>} : memref<128x32xf32, #tpu.memory_space<vmem>>, vector<16xf32>,
        %iota3A_464 = tpu.iota {dimensions = array<i32: 0>} : vector<16xi32>
        tpu.vector_store_idx %arg23[%iota3A_464, %add3A_460], %get3A_463 : memref<32x512xf32, #tpu.memory_space<vmem>>[vector<16xi32>, vector<16xi32>], vector<16xf32>,
        %get3A_465 = arith.index_cast %add3A_456 : i32 to index
        %get3A_466 = arith.constant 16 : index
        %get3A_467 = tpu.vector_load %arg10[%get3A_465, %get3A_466] {strides = array<i32>} : memref<128x32xf32, #tpu.memory_space<vmem>>, vector<16xf32>,
        %iota3A_468 = tpu.iota {dimensions = array<i32: 0>} : vector<16xi32>
        %add3A_469 = arith.constant 16 : i32
        %add3A_470 = vector.broadcast %add3A_469 : i32 to vector<16xi32>
        %add3A_471 = arith.addi %iota3A_468, %add3A_470 : vector<16xi32>
        tpu.vector_store_idx %arg23[%add3A_471, %add3A_460], %get3A_467 : memref<32x512xf32, #tpu.memory_space<vmem>>[vector<16xi32>, vector<16xi32>], vector<16xf32>,
        %mul3A_472 = arith.constant 8 : i32
        %mul3A_473 = arith.muli %scan3A_379, %mul3A_472 : i32
        %add3A_474 = arith.constant 5 : i32
        %add3A_475 = arith.addi %mul3A_473, %add3A_474 : i32
        %broadcast_in_dim3A_476 = arith.constant 0 : i32
        %broadcast_in_dim3A_477 = vector.broadcast %broadcast_in_dim3A_476 : i32 to vector<16xi32>
        %add3A_478 = vector.broadcast %add3A_475 : i32 to vector<16xi32>
        %add3A_479 = arith.addi %broadcast_in_dim3A_477, %add3A_478 : vector<16xi32>
        %get3A_480 = arith.index_cast %add3A_475 : i32 to index
        %get3A_481 = arith.constant 0 : index
        %get3A_482 = tpu.vector_load %arg10[%get3A_480, %get3A_481] {strides = array<i32>} : memref<128x32xf32, #tpu.memory_space<vmem>>, vector<16xf32>,
        %iota3A_483 = tpu.iota {dimensions = array<i32: 0>} : vector<16xi32>
        tpu.vector_store_idx %arg23[%iota3A_483, %add3A_479], %get3A_482 : memref<32x512xf32, #tpu.memory_space<vmem>>[vector<16xi32>, vector<16xi32>], vector<16xf32>,
        %get3A_484 = arith.index_cast %add3A_475 : i32 to index
        %get3A_485 = arith.constant 16 : index
        %get3A_486 = tpu.vector_load %arg10[%get3A_484, %get3A_485] {strides = array<i32>} : memref<128x32xf32, #tpu.memory_space<vmem>>, vector<16xf32>,
        %iota3A_487 = tpu.iota {dimensions = array<i32: 0>} : vector<16xi32>
        %add3A_488 = arith.constant 16 : i32
        %add3A_489 = vector.broadcast %add3A_488 : i32 to vector<16xi32>
        %add3A_490 = arith.addi %iota3A_487, %add3A_489 : vector<16xi32>
        tpu.vector_store_idx %arg23[%add3A_490, %add3A_479], %get3A_486 : memref<32x512xf32, #tpu.memory_space<vmem>>[vector<16xi32>, vector<16xi32>], vector<16xf32>,
        %mul3A_491 = arith.constant 8 : i32
        %mul3A_492 = arith.muli %scan3A_379, %mul3A_491 : i32
        %add3A_493 = arith.constant 6 : i32
        %add3A_494 = arith.addi %mul3A_492, %add3A_493 : i32
        %broadcast_in_dim3A_495 = arith.constant 0 : i32
        %broadcast_in_dim3A_496 = vector.broadcast %broadcast_in_dim3A_495 : i32 to vector<16xi32>
        %add3A_497 = vector.broadcast %add3A_494 : i32 to vector<16xi32>
        %add3A_498 = arith.addi %broadcast_in_dim3A_496, %add3A_497 : vector<16xi32>
        %get3A_499 = arith.index_cast %add3A_494 : i32 to index
        %get3A_500 = arith.constant 0 : index
        %get3A_501 = tpu.vector_load %arg10[%get3A_499, %get3A_500] {strides = array<i32>} : memref<128x32xf32, #tpu.memory_space<vmem>>, vector<16xf32>,
        %iota3A_502 = tpu.iota {dimensions = array<i32: 0>} : vector<16xi32>
        tpu.vector_store_idx %arg23[%iota3A_502, %add3A_498], %get3A_501 : memref<32x512xf32, #tpu.memory_space<vmem>>[vector<16xi32>, vector<16xi32>], vector<16xf32>,
        %get3A_503 = arith.index_cast %add3A_494 : i32 to index
        %get3A_504 = arith.constant 16 : index
        %get3A_505 = tpu.vector_load %arg10[%get3A_503, %get3A_504] {strides = array<i32>} : memref<128x32xf32, #tpu.memory_space<vmem>>, vector<16xf32>,
        %iota3A_506 = tpu.iota {dimensions = array<i32: 0>} : vector<16xi32>
        %add3A_507 = arith.constant 16 : i32
        %add3A_508 = vector.broadcast %add3A_507 : i32 to vector<16xi32>
        %add3A_509 = arith.addi %iota3A_506, %add3A_508 : vector<16xi32>
        tpu.vector_store_idx %arg23[%add3A_509, %add3A_498], %get3A_505 : memref<32x512xf32, #tpu.memory_space<vmem>>[vector<16xi32>, vector<16xi32>], vector<16xf32>,
        %mul3A_510 = arith.constant 8 : i32
        %mul3A_511 = arith.muli %scan3A_379, %mul3A_510 : i32
        %add3A_512 = arith.constant 7 : i32
        %add3A_513 = arith.addi %mul3A_511, %add3A_512 : i32
        %broadcast_in_dim3A_514 = arith.constant 0 : i32
        %broadcast_in_dim3A_515 = vector.broadcast %broadcast_in_dim3A_514 : i32 to vector<16xi32>
        %add3A_516 = vector.broadcast %add3A_513 : i32 to vector<16xi32>
        %add3A_517 = arith.addi %broadcast_in_dim3A_515, %add3A_516 : vector<16xi32>
        %get3A_518 = arith.index_cast %add3A_513 : i32 to index
        %get3A_519 = arith.constant 0 : index
        %get3A_520 = tpu.vector_load %arg10[%get3A_518, %get3A_519] {strides = array<i32>} : memref<128x32xf32, #tpu.memory_space<vmem>>, vector<16xf32>,
        %iota3A_521 = tpu.iota {dimensions = array<i32: 0>} : vector<16xi32>
        tpu.vector_store_idx %arg23[%iota3A_521, %add3A_517], %get3A_520 : memref<32x512xf32, #tpu.memory_space<vmem>>[vector<16xi32>, vector<16xi32>], vector<16xf32>,
        %get3A_522 = arith.index_cast %add3A_513 : i32 to index
        %get3A_523 = arith.constant 16 : index
        %get3A_524 = tpu.vector_load %arg10[%get3A_522, %get3A_523] {strides = array<i32>} : memref<128x32xf32, #tpu.memory_space<vmem>>, vector<16xf32>,
        %iota3A_525 = tpu.iota {dimensions = array<i32: 0>} : vector<16xi32>
        %add3A_526 = arith.constant 16 : i32
        %add3A_527 = vector.broadcast %add3A_526 : i32 to vector<16xi32>
        %add3A_528 = arith.addi %iota3A_525, %add3A_527 : vector<16xi32>
        tpu.vector_store_idx %arg23[%add3A_528, %add3A_517], %get3A_524 : memref<32x512xf32, #tpu.memory_space<vmem>>[vector<16xi32>, vector<16xi32>], vector<16xf32>,
      }
      %scan3A_251 = arith.constant 16 : i32
      %mul3A_252 = arith.constant 8 : i32
      %mul3A_253 = arith.muli %scan3A_67, %mul3A_252 : i32
      %add3A_254 = arith.constant 5 : i32
      %add3A_255 = arith.addi %mul3A_253, %add3A_254 : i32
      %lt3A_256 = arith.constant 24 : i32
      %lt3A_257 = arith.cmpi slt, %scan3A_67, %lt3A_256 : i32
      %convert_element_type3A_258 = arith.extui %lt3A_257 : i1 to i32
      %cond3A_259 = arith.constant 0 : i32
      %cond3A_260 = arith.cmpi ne, %convert_element_type3A_258, %cond3A_259 : i32
      scf.if %cond3A_260 {
        %add3A_379 = arith.constant 8 : i32
        %add3A_380 = arith.addi %add3A_255, %add3A_379 : i32
        %sub3A_381 = arith.constant 2 : i32
        %sub3A_382 = arith.subi %add3A_380, %sub3A_381 : i32
        %dma_start3A_383 = arith.constant 0 : i32
        %dma_start3A_384 = tpu.memref_slice %arg5[%sub3A_382, %dma_start3A_383] : memref<200x128xi32, #tpu.memory_space<vmem>> -> memref<1x128xi32, #tpu.memory_space<vmem>>
        %dma_start3A_385 = tpu.memref_squeeze %dma_start3A_384 : memref<1x128xi32, #tpu.memory_space<vmem>> -> memref<128xi32, #tpu.memory_space<vmem>>
        %dma_start3A_386 = arith.constant 0 : i32
        %dma_start3A_387 = arith.constant 0 : i32
        %dma_start3A_388 = tpu.memref_slice %arg3[%dma_start3A_386, %dma_start3A_387] : memref<1000000x32xf32, #tpu.memory_space<hbm>> -> memref<1000000x32xf32, #tpu.memory_space<hbm>>
        tpu.enqueue_indirect_dma source(%dma_start3A_388 : memref<1000000x32xf32, #tpu.memory_space<hbm>>) target(%arg9 : memref<128x32xf32, #tpu.memory_space<vmem>>) offsets(%dma_start3A_385 : memref<128xi32, #tpu.memory_space<vmem>>) semaphore(%arg17 : memref<!tpu.dma_semaphore, #tpu.memory_space<semaphore_mem>>)
      } else {
      }
      %dma_wait3A_261 = arith.constant 0 : i32
      %dma_wait3A_262 = arith.constant 0 : i32
      %dma_wait3A_263 = tpu.memref_slice %arg3[%dma_wait3A_261, %dma_wait3A_262] : memref<1000000x32xf32, #tpu.memory_space<hbm>> -> memref<128x32xf32, #tpu.memory_space<hbm>>
      %dma_wait3A_264 = arith.constant 0 : i32
      %dma_wait3A_265 = arith.constant 0 : i32
      %dma_wait3A_266 = tpu.memref_slice %arg3[%dma_wait3A_264, %dma_wait3A_265] : memref<1000000x32xf32, #tpu.memory_space<hbm>> -> memref<128x32xf32, #tpu.memory_space<hbm>>
      tpu.wait_dma2 semaphore(%arg19 : memref<!tpu.dma_semaphore, #tpu.memory_space<semaphore_mem>>) src(%dma_wait3A_266 : memref<128x32xf32, #tpu.memory_space<hbm>>) dst(%arg11 : memref<128x32xf32, #tpu.memory_space<vmem>>)
      %mul3A_267 = arith.constant 2 : i32
      %mul3A_268 = arith.muli %scan3A_67, %mul3A_267 : i32
      %add3A_269 = arith.constant 1 : i32
      %add3A_270 = arith.addi %mul3A_268, %add3A_269 : i32
      %scan3A_271 = arith.constant 0 : i32
      %scan3A_272 = arith.constant 0 : i32
      %scan3A_273 = arith.constant 16 : i32
      %scan3A_274 = arith.addi %scan3A_272, %scan3A_273 : i32
      %scan3A_275 = arith.constant 1 : i32
      scf.for %scan3A_379 = %scan3A_272 to %scan3A_274 step %scan3A_275  : i32 {
        %mul3A_380 = arith.constant 8 : i32
        %mul3A_381 = arith.muli %scan3A_379, %mul3A_380 : i32
        %add3A_382 = arith.constant 0 : i32
        %add3A_383 = arith.addi %mul3A_381, %add3A_382 : i32
        %broadcast_in_dim3A = arith.constant 128 : i32
        %broadcast_in_dim3A_384 = vector.broadcast %broadcast_in_dim3A : i32 to vector<16xi32>
        %add3A_385 = vector.broadcast %add3A_383 : i32 to vector<16xi32>
        %add3A_386 = arith.addi %broadcast_in_dim3A_384, %add3A_385 : vector<16xi32>
        %get3A = arith.index_cast %add3A_383 : i32 to index
        %get3A_387 = arith.constant 0 : index
        %get3A_388 = tpu.vector_load %arg11[%get3A, %get3A_387] {strides = array<i32>} : memref<128x32xf32, #tpu.memory_space<vmem>>, vector<16xf32>,
        %iota3A = tpu.iota {dimensions = array<i32: 0>} : vector<16xi32>
        tpu.vector_store_idx %arg23[%iota3A, %add3A_386], %get3A_388 : memref<32x512xf32, #tpu.memory_space<vmem>>[vector<16xi32>, vector<16xi32>], vector<16xf32>,
        %get3A_389 = arith.index_cast %add3A_383 : i32 to index
        %get3A_390 = arith.constant 16 : index
        %get3A_391 = tpu.vector_load %arg11[%get3A_389, %get3A_390] {strides = array<i32>} : memref<128x32xf32, #tpu.memory_space<vmem>>, vector<16xf32>,
        %iota3A_392 = tpu.iota {dimensions = array<i32: 0>} : vector<16xi32>
        %add3A_393 = arith.constant 16 : i32
        %add3A_394 = vector.broadcast %add3A_393 : i32 to vector<16xi32>
        %add3A_395 = arith.addi %iota3A_392, %add3A_394 : vector<16xi32>
        tpu.vector_store_idx %arg23[%add3A_395, %add3A_386], %get3A_391 : memref<32x512xf32, #tpu.memory_space<vmem>>[vector<16xi32>, vector<16xi32>], vector<16xf32>,
        %mul3A_396 = arith.constant 8 : i32
        %mul3A_397 = arith.muli %scan3A_379, %mul3A_396 : i32
        %add3A_398 = arith.constant 1 : i32
        %add3A_399 = arith.addi %mul3A_397, %add3A_398 : i32
        %broadcast_in_dim3A_400 = arith.constant 128 : i32
        %broadcast_in_dim3A_401 = vector.broadcast %broadcast_in_dim3A_400 : i32 to vector<16xi32>
        %add3A_402 = vector.broadcast %add3A_399 : i32 to vector<16xi32>
        %add3A_403 = arith.addi %broadcast_in_dim3A_401, %add3A_402 : vector<16xi32>
        %get3A_404 = arith.index_cast %add3A_399 : i32 to index
        %get3A_405 = arith.constant 0 : index
        %get3A_406 = tpu.vector_load %arg11[%get3A_404, %get3A_405] {strides = array<i32>} : memref<128x32xf32, #tpu.memory_space<vmem>>, vector<16xf32>,
        %iota3A_407 = tpu.iota {dimensions = array<i32: 0>} : vector<16xi32>
        tpu.vector_store_idx %arg23[%iota3A_407, %add3A_403], %get3A_406 : memref<32x512xf32, #tpu.memory_space<vmem>>[vector<16xi32>, vector<16xi32>], vector<16xf32>,
        %get3A_408 = arith.index_cast %add3A_399 : i32 to index
        %get3A_409 = arith.constant 16 : index
        %get3A_410 = tpu.vector_load %arg11[%get3A_408, %get3A_409] {strides = array<i32>} : memref<128x32xf32, #tpu.memory_space<vmem>>, vector<16xf32>,
        %iota3A_411 = tpu.iota {dimensions = array<i32: 0>} : vector<16xi32>
        %add3A_412 = arith.constant 16 : i32
        %add3A_413 = vector.broadcast %add3A_412 : i32 to vector<16xi32>
        %add3A_414 = arith.addi %iota3A_411, %add3A_413 : vector<16xi32>
        tpu.vector_store_idx %arg23[%add3A_414, %add3A_403], %get3A_410 : memref<32x512xf32, #tpu.memory_space<vmem>>[vector<16xi32>, vector<16xi32>], vector<16xf32>,
        %mul3A_415 = arith.constant 8 : i32
        %mul3A_416 = arith.muli %scan3A_379, %mul3A_415 : i32
        %add3A_417 = arith.constant 2 : i32
        %add3A_418 = arith.addi %mul3A_416, %add3A_417 : i32
        %broadcast_in_dim3A_419 = arith.constant 128 : i32
        %broadcast_in_dim3A_420 = vector.broadcast %broadcast_in_dim3A_419 : i32 to vector<16xi32>
        %add3A_421 = vector.broadcast %add3A_418 : i32 to vector<16xi32>
        %add3A_422 = arith.addi %broadcast_in_dim3A_420, %add3A_421 : vector<16xi32>
        %get3A_423 = arith.index_cast %add3A_418 : i32 to index
        %get3A_424 = arith.constant 0 : index
        %get3A_425 = tpu.vector_load %arg11[%get3A_423, %get3A_424] {strides = array<i32>} : memref<128x32xf32, #tpu.memory_space<vmem>>, vector<16xf32>,
        %iota3A_426 = tpu.iota {dimensions = array<i32: 0>} : vector<16xi32>
        tpu.vector_store_idx %arg23[%iota3A_426, %add3A_422], %get3A_425 : memref<32x512xf32, #tpu.memory_space<vmem>>[vector<16xi32>, vector<16xi32>], vector<16xf32>,
        %get3A_427 = arith.index_cast %add3A_418 : i32 to index
        %get3A_428 = arith.constant 16 : index
        %get3A_429 = tpu.vector_load %arg11[%get3A_427, %get3A_428] {strides = array<i32>} : memref<128x32xf32, #tpu.memory_space<vmem>>, vector<16xf32>,
        %iota3A_430 = tpu.iota {dimensions = array<i32: 0>} : vector<16xi32>
        %add3A_431 = arith.constant 16 : i32
        %add3A_432 = vector.broadcast %add3A_431 : i32 to vector<16xi32>
        %add3A_433 = arith.addi %iota3A_430, %add3A_432 : vector<16xi32>
        tpu.vector_store_idx %arg23[%add3A_433, %add3A_422], %get3A_429 : memref<32x512xf32, #tpu.memory_space<vmem>>[vector<16xi32>, vector<16xi32>], vector<16xf32>,
        %mul3A_434 = arith.constant 8 : i32
        %mul3A_435 = arith.muli %scan3A_379, %mul3A_434 : i32
        %add3A_436 = arith.constant 3 : i32
        %add3A_437 = arith.addi %mul3A_435, %add3A_436 : i32
        %broadcast_in_dim3A_438 = arith.constant 128 : i32
        %broadcast_in_dim3A_439 = vector.broadcast %broadcast_in_dim3A_438 : i32 to vector<16xi32>
        %add3A_440 = vector.broadcast %add3A_437 : i32 to vector<16xi32>
        %add3A_441 = arith.addi %broadcast_in_dim3A_439, %add3A_440 : vector<16xi32>
        %get3A_442 = arith.index_cast %add3A_437 : i32 to index
        %get3A_443 = arith.constant 0 : index
        %get3A_444 = tpu.vector_load %arg11[%get3A_442, %get3A_443] {strides = array<i32>} : memref<128x32xf32, #tpu.memory_space<vmem>>, vector<16xf32>,
        %iota3A_445 = tpu.iota {dimensions = array<i32: 0>} : vector<16xi32>
        tpu.vector_store_idx %arg23[%iota3A_445, %add3A_441], %get3A_444 : memref<32x512xf32, #tpu.memory_space<vmem>>[vector<16xi32>, vector<16xi32>], vector<16xf32>,
        %get3A_446 = arith.index_cast %add3A_437 : i32 to index
        %get3A_447 = arith.constant 16 : index
        %get3A_448 = tpu.vector_load %arg11[%get3A_446, %get3A_447] {strides = array<i32>} : memref<128x32xf32, #tpu.memory_space<vmem>>, vector<16xf32>,
        %iota3A_449 = tpu.iota {dimensions = array<i32: 0>} : vector<16xi32>
        %add3A_450 = arith.constant 16 : i32
        %add3A_451 = vector.broadcast %add3A_450 : i32 to vector<16xi32>
        %add3A_452 = arith.addi %iota3A_449, %add3A_451 : vector<16xi32>
        tpu.vector_store_idx %arg23[%add3A_452, %add3A_441], %get3A_448 : memref<32x512xf32, #tpu.memory_space<vmem>>[vector<16xi32>, vector<16xi32>], vector<16xf32>,
        %mul3A_453 = arith.constant 8 : i32
        %mul3A_454 = arith.muli %scan3A_379, %mul3A_453 : i32
        %add3A_455 = arith.constant 4 : i32
        %add3A_456 = arith.addi %mul3A_454, %add3A_455 : i32
        %broadcast_in_dim3A_457 = arith.constant 128 : i32
        %broadcast_in_dim3A_458 = vector.broadcast %broadcast_in_dim3A_457 : i32 to vector<16xi32>
        %add3A_459 = vector.broadcast %add3A_456 : i32 to vector<16xi32>
        %add3A_460 = arith.addi %broadcast_in_dim3A_458, %add3A_459 : vector<16xi32>
        %get3A_461 = arith.index_cast %add3A_456 : i32 to index
        %get3A_462 = arith.constant 0 : index
        %get3A_463 = tpu.vector_load %arg11[%get3A_461, %get3A_462] {strides = array<i32>} : memref<128x32xf32, #tpu.memory_space<vmem>>, vector<16xf32>,
        %iota3A_464 = tpu.iota {dimensions = array<i32: 0>} : vector<16xi32>
        tpu.vector_store_idx %arg23[%iota3A_464, %add3A_460], %get3A_463 : memref<32x512xf32, #tpu.memory_space<vmem>>[vector<16xi32>, vector<16xi32>], vector<16xf32>,
        %get3A_465 = arith.index_cast %add3A_456 : i32 to index
        %get3A_466 = arith.constant 16 : index
        %get3A_467 = tpu.vector_load %arg11[%get3A_465, %get3A_466] {strides = array<i32>} : memref<128x32xf32, #tpu.memory_space<vmem>>, vector<16xf32>,
        %iota3A_468 = tpu.iota {dimensions = array<i32: 0>} : vector<16xi32>
        %add3A_469 = arith.constant 16 : i32
        %add3A_470 = vector.broadcast %add3A_469 : i32 to vector<16xi32>
        %add3A_471 = arith.addi %iota3A_468, %add3A_470 : vector<16xi32>
        tpu.vector_store_idx %arg23[%add3A_471, %add3A_460], %get3A_467 : memref<32x512xf32, #tpu.memory_space<vmem>>[vector<16xi32>, vector<16xi32>], vector<16xf32>,
        %mul3A_472 = arith.constant 8 : i32
        %mul3A_473 = arith.muli %scan3A_379, %mul3A_472 : i32
        %add3A_474 = arith.constant 5 : i32
        %add3A_475 = arith.addi %mul3A_473, %add3A_474 : i32
        %broadcast_in_dim3A_476 = arith.constant 128 : i32
        %broadcast_in_dim3A_477 = vector.broadcast %broadcast_in_dim3A_476 : i32 to vector<16xi32>
        %add3A_478 = vector.broadcast %add3A_475 : i32 to vector<16xi32>
        %add3A_479 = arith.addi %broadcast_in_dim3A_477, %add3A_478 : vector<16xi32>
        %get3A_480 = arith.index_cast %add3A_475 : i32 to index
        %get3A_481 = arith.constant 0 : index
        %get3A_482 = tpu.vector_load %arg11[%get3A_480, %get3A_481] {strides = array<i32>} : memref<128x32xf32, #tpu.memory_space<vmem>>, vector<16xf32>,
        %iota3A_483 = tpu.iota {dimensions = array<i32: 0>} : vector<16xi32>
        tpu.vector_store_idx %arg23[%iota3A_483, %add3A_479], %get3A_482 : memref<32x512xf32, #tpu.memory_space<vmem>>[vector<16xi32>, vector<16xi32>], vector<16xf32>,
        %get3A_484 = arith.index_cast %add3A_475 : i32 to index
        %get3A_485 = arith.constant 16 : index
        %get3A_486 = tpu.vector_load %arg11[%get3A_484, %get3A_485] {strides = array<i32>} : memref<128x32xf32, #tpu.memory_space<vmem>>, vector<16xf32>,
        %iota3A_487 = tpu.iota {dimensions = array<i32: 0>} : vector<16xi32>
        %add3A_488 = arith.constant 16 : i32
        %add3A_489 = vector.broadcast %add3A_488 : i32 to vector<16xi32>
        %add3A_490 = arith.addi %iota3A_487, %add3A_489 : vector<16xi32>
        tpu.vector_store_idx %arg23[%add3A_490, %add3A_479], %get3A_486 : memref<32x512xf32, #tpu.memory_space<vmem>>[vector<16xi32>, vector<16xi32>], vector<16xf32>,
        %mul3A_491 = arith.constant 8 : i32
        %mul3A_492 = arith.muli %scan3A_379, %mul3A_491 : i32
        %add3A_493 = arith.constant 6 : i32
        %add3A_494 = arith.addi %mul3A_492, %add3A_493 : i32
        %broadcast_in_dim3A_495 = arith.constant 128 : i32
        %broadcast_in_dim3A_496 = vector.broadcast %broadcast_in_dim3A_495 : i32 to vector<16xi32>
        %add3A_497 = vector.broadcast %add3A_494 : i32 to vector<16xi32>
        %add3A_498 = arith.addi %broadcast_in_dim3A_496, %add3A_497 : vector<16xi32>
        %get3A_499 = arith.index_cast %add3A_494 : i32 to index
        %get3A_500 = arith.constant 0 : index
        %get3A_501 = tpu.vector_load %arg11[%get3A_499, %get3A_500] {strides = array<i32>} : memref<128x32xf32, #tpu.memory_space<vmem>>, vector<16xf32>,
        %iota3A_502 = tpu.iota {dimensions = array<i32: 0>} : vector<16xi32>
        tpu.vector_store_idx %arg23[%iota3A_502, %add3A_498], %get3A_501 : memref<32x512xf32, #tpu.memory_space<vmem>>[vector<16xi32>, vector<16xi32>], vector<16xf32>,
        %get3A_503 = arith.index_cast %add3A_494 : i32 to index
        %get3A_504 = arith.constant 16 : index
        %get3A_505 = tpu.vector_load %arg11[%get3A_503, %get3A_504] {strides = array<i32>} : memref<128x32xf32, #tpu.memory_space<vmem>>, vector<16xf32>,
        %iota3A_506 = tpu.iota {dimensions = array<i32: 0>} : vector<16xi32>
        %add3A_507 = arith.constant 16 : i32
        %add3A_508 = vector.broadcast %add3A_507 : i32 to vector<16xi32>
        %add3A_509 = arith.addi %iota3A_506, %add3A_508 : vector<16xi32>
        tpu.vector_store_idx %arg23[%add3A_509, %add3A_498], %get3A_505 : memref<32x512xf32, #tpu.memory_space<vmem>>[vector<16xi32>, vector<16xi32>], vector<16xf32>,
        %mul3A_510 = arith.constant 8 : i32
        %mul3A_511 = arith.muli %scan3A_379, %mul3A_510 : i32
        %add3A_512 = arith.constant 7 : i32
        %add3A_513 = arith.addi %mul3A_511, %add3A_512 : i32
        %broadcast_in_dim3A_514 = arith.constant 128 : i32
        %broadcast_in_dim3A_515 = vector.broadcast %broadcast_in_dim3A_514 : i32 to vector<16xi32>
        %add3A_516 = vector.broadcast %add3A_513 : i32 to vector<16xi32>
        %add3A_517 = arith.addi %broadcast_in_dim3A_515, %add3A_516 : vector<16xi32>
        %get3A_518 = arith.index_cast %add3A_513 : i32 to index
        %get3A_519 = arith.constant 0 : index
        %get3A_520 = tpu.vector_load %arg11[%get3A_518, %get3A_519] {strides = array<i32>} : memref<128x32xf32, #tpu.memory_space<vmem>>, vector<16xf32>,
        %iota3A_521 = tpu.iota {dimensions = array<i32: 0>} : vector<16xi32>
        tpu.vector_store_idx %arg23[%iota3A_521, %add3A_517], %get3A_520 : memref<32x512xf32, #tpu.memory_space<vmem>>[vector<16xi32>, vector<16xi32>], vector<16xf32>,
        %get3A_522 = arith.index_cast %add3A_513 : i32 to index
        %get3A_523 = arith.constant 16 : index
        %get3A_524 = tpu.vector_load %arg11[%get3A_522, %get3A_523] {strides = array<i32>} : memref<128x32xf32, #tpu.memory_space<vmem>>, vector<16xf32>,
        %iota3A_525 = tpu.iota {dimensions = array<i32: 0>} : vector<16xi32>
        %add3A_526 = arith.constant 16 : i32
        %add3A_527 = vector.broadcast %add3A_526 : i32 to vector<16xi32>
        %add3A_528 = arith.addi %iota3A_525, %add3A_527 : vector<16xi32>
        tpu.vector_store_idx %arg23[%add3A_528, %add3A_517], %get3A_524 : memref<32x512xf32, #tpu.memory_space<vmem>>[vector<16xi32>, vector<16xi32>], vector<16xf32>,
      }
      %scan3A_276 = arith.constant 16 : i32
      %mul3A_277 = arith.constant 8 : i32
      %mul3A_278 = arith.muli %scan3A_67, %mul3A_277 : i32
      %add3A_279 = arith.constant 6 : i32
      %add3A_280 = arith.addi %mul3A_278, %add3A_279 : i32
      %lt3A_281 = arith.constant 24 : i32
      %lt3A_282 = arith.cmpi slt, %scan3A_67, %lt3A_281 : i32
      %convert_element_type3A_283 = arith.extui %lt3A_282 : i1 to i32
      %cond3A_284 = arith.constant 0 : i32
      %cond3A_285 = arith.cmpi ne, %convert_element_type3A_283, %cond3A_284 : i32
      scf.if %cond3A_285 {
        %add3A_379 = arith.constant 8 : i32
        %add3A_380 = arith.addi %add3A_280, %add3A_379 : i32
        %sub3A_381 = arith.constant 2 : i32
        %sub3A_382 = arith.subi %add3A_380, %sub3A_381 : i32
        %dma_start3A_383 = arith.constant 0 : i32
        %dma_start3A_384 = tpu.memref_slice %arg5[%sub3A_382, %dma_start3A_383] : memref<200x128xi32, #tpu.memory_space<vmem>> -> memref<1x128xi32, #tpu.memory_space<vmem>>
        %dma_start3A_385 = tpu.memref_squeeze %dma_start3A_384 : memref<1x128xi32, #tpu.memory_space<vmem>> -> memref<128xi32, #tpu.memory_space<vmem>>
        %dma_start3A_386 = arith.constant 0 : i32
        %dma_start3A_387 = arith.constant 0 : i32
        %dma_start3A_388 = tpu.memref_slice %arg3[%dma_start3A_386, %dma_start3A_387] : memref<1000000x32xf32, #tpu.memory_space<hbm>> -> memref<1000000x32xf32, #tpu.memory_space<hbm>>
        tpu.enqueue_indirect_dma source(%dma_start3A_388 : memref<1000000x32xf32, #tpu.memory_space<hbm>>) target(%arg10 : memref<128x32xf32, #tpu.memory_space<vmem>>) offsets(%dma_start3A_385 : memref<128xi32, #tpu.memory_space<vmem>>) semaphore(%arg18 : memref<!tpu.dma_semaphore, #tpu.memory_space<semaphore_mem>>)
      } else {
      }
      %dma_wait3A_286 = arith.constant 0 : i32
      %dma_wait3A_287 = arith.constant 0 : i32
      %dma_wait3A_288 = tpu.memref_slice %arg3[%dma_wait3A_286, %dma_wait3A_287] : memref<1000000x32xf32, #tpu.memory_space<hbm>> -> memref<128x32xf32, #tpu.memory_space<hbm>>
      %dma_wait3A_289 = arith.constant 0 : i32
      %dma_wait3A_290 = arith.constant 0 : i32
      %dma_wait3A_291 = tpu.memref_slice %arg3[%dma_wait3A_289, %dma_wait3A_290] : memref<1000000x32xf32, #tpu.memory_space<hbm>> -> memref<128x32xf32, #tpu.memory_space<hbm>>
      tpu.wait_dma2 semaphore(%arg20 : memref<!tpu.dma_semaphore, #tpu.memory_space<semaphore_mem>>) src(%dma_wait3A_291 : memref<128x32xf32, #tpu.memory_space<hbm>>) dst(%arg12 : memref<128x32xf32, #tpu.memory_space<vmem>>)
      %mul3A_292 = arith.constant 2 : i32
      %mul3A_293 = arith.muli %scan3A_67, %mul3A_292 : i32
      %add3A_294 = arith.constant 1 : i32
      %add3A_295 = arith.addi %mul3A_293, %add3A_294 : i32
      %scan3A_296 = arith.constant 0 : i32
      %scan3A_297 = arith.constant 0 : i32
      %scan3A_298 = arith.constant 16 : i32
      %scan3A_299 = arith.addi %scan3A_297, %scan3A_298 : i32
      %scan3A_300 = arith.constant 1 : i32
      scf.for %scan3A_379 = %scan3A_297 to %scan3A_299 step %scan3A_300  : i32 {
        %mul3A_380 = arith.constant 8 : i32
        %mul3A_381 = arith.muli %scan3A_379, %mul3A_380 : i32
        %add3A_382 = arith.constant 0 : i32
        %add3A_383 = arith.addi %mul3A_381, %add3A_382 : i32
        %broadcast_in_dim3A = arith.constant 256 : i32
        %broadcast_in_dim3A_384 = vector.broadcast %broadcast_in_dim3A : i32 to vector<16xi32>
        %add3A_385 = vector.broadcast %add3A_383 : i32 to vector<16xi32>
        %add3A_386 = arith.addi %broadcast_in_dim3A_384, %add3A_385 : vector<16xi32>
        %get3A = arith.index_cast %add3A_383 : i32 to index
        %get3A_387 = arith.constant 0 : index
        %get3A_388 = tpu.vector_load %arg12[%get3A, %get3A_387] {strides = array<i32>} : memref<128x32xf32, #tpu.memory_space<vmem>>, vector<16xf32>,
        %iota3A = tpu.iota {dimensions = array<i32: 0>} : vector<16xi32>
        tpu.vector_store_idx %arg23[%iota3A, %add3A_386], %get3A_388 : memref<32x512xf32, #tpu.memory_space<vmem>>[vector<16xi32>, vector<16xi32>], vector<16xf32>,
        %get3A_389 = arith.index_cast %add3A_383 : i32 to index
        %get3A_390 = arith.constant 16 : index
        %get3A_391 = tpu.vector_load %arg12[%get3A_389, %get3A_390] {strides = array<i32>} : memref<128x32xf32, #tpu.memory_space<vmem>>, vector<16xf32>,
        %iota3A_392 = tpu.iota {dimensions = array<i32: 0>} : vector<16xi32>
        %add3A_393 = arith.constant 16 : i32
        %add3A_394 = vector.broadcast %add3A_393 : i32 to vector<16xi32>
        %add3A_395 = arith.addi %iota3A_392, %add3A_394 : vector<16xi32>
        tpu.vector_store_idx %arg23[%add3A_395, %add3A_386], %get3A_391 : memref<32x512xf32, #tpu.memory_space<vmem>>[vector<16xi32>, vector<16xi32>], vector<16xf32>,
        %mul3A_396 = arith.constant 8 : i32
        %mul3A_397 = arith.muli %scan3A_379, %mul3A_396 : i32
        %add3A_398 = arith.constant 1 : i32
        %add3A_399 = arith.addi %mul3A_397, %add3A_398 : i32
        %broadcast_in_dim3A_400 = arith.constant 256 : i32
        %broadcast_in_dim3A_401 = vector.broadcast %broadcast_in_dim3A_400 : i32 to vector<16xi32>
        %add3A_402 = vector.broadcast %add3A_399 : i32 to vector<16xi32>
        %add3A_403 = arith.addi %broadcast_in_dim3A_401, %add3A_402 : vector<16xi32>
        %get3A_404 = arith.index_cast %add3A_399 : i32 to index
        %get3A_405 = arith.constant 0 : index
        %get3A_406 = tpu.vector_load %arg12[%get3A_404, %get3A_405] {strides = array<i32>} : memref<128x32xf32, #tpu.memory_space<vmem>>, vector<16xf32>,
        %iota3A_407 = tpu.iota {dimensions = array<i32: 0>} : vector<16xi32>
        tpu.vector_store_idx %arg23[%iota3A_407, %add3A_403], %get3A_406 : memref<32x512xf32, #tpu.memory_space<vmem>>[vector<16xi32>, vector<16xi32>], vector<16xf32>,
        %get3A_408 = arith.index_cast %add3A_399 : i32 to index
        %get3A_409 = arith.constant 16 : index
        %get3A_410 = tpu.vector_load %arg12[%get3A_408, %get3A_409] {strides = array<i32>} : memref<128x32xf32, #tpu.memory_space<vmem>>, vector<16xf32>,
        %iota3A_411 = tpu.iota {dimensions = array<i32: 0>} : vector<16xi32>
        %add3A_412 = arith.constant 16 : i32
        %add3A_413 = vector.broadcast %add3A_412 : i32 to vector<16xi32>
        %add3A_414 = arith.addi %iota3A_411, %add3A_413 : vector<16xi32>
        tpu.vector_store_idx %arg23[%add3A_414, %add3A_403], %get3A_410 : memref<32x512xf32, #tpu.memory_space<vmem>>[vector<16xi32>, vector<16xi32>], vector<16xf32>,
        %mul3A_415 = arith.constant 8 : i32
        %mul3A_416 = arith.muli %scan3A_379, %mul3A_415 : i32
        %add3A_417 = arith.constant 2 : i32
        %add3A_418 = arith.addi %mul3A_416, %add3A_417 : i32
        %broadcast_in_dim3A_419 = arith.constant 256 : i32
        %broadcast_in_dim3A_420 = vector.broadcast %broadcast_in_dim3A_419 : i32 to vector<16xi32>
        %add3A_421 = vector.broadcast %add3A_418 : i32 to vector<16xi32>
        %add3A_422 = arith.addi %broadcast_in_dim3A_420, %add3A_421 : vector<16xi32>
        %get3A_423 = arith.index_cast %add3A_418 : i32 to index
        %get3A_424 = arith.constant 0 : index
        %get3A_425 = tpu.vector_load %arg12[%get3A_423, %get3A_424] {strides = array<i32>} : memref<128x32xf32, #tpu.memory_space<vmem>>, vector<16xf32>,
        %iota3A_426 = tpu.iota {dimensions = array<i32: 0>} : vector<16xi32>
        tpu.vector_store_idx %arg23[%iota3A_426, %add3A_422], %get3A_425 : memref<32x512xf32, #tpu.memory_space<vmem>>[vector<16xi32>, vector<16xi32>], vector<16xf32>,
        %get3A_427 = arith.index_cast %add3A_418 : i32 to index
        %get3A_428 = arith.constant 16 : index
        %get3A_429 = tpu.vector_load %arg12[%get3A_427, %get3A_428] {strides = array<i32>} : memref<128x32xf32, #tpu.memory_space<vmem>>, vector<16xf32>,
        %iota3A_430 = tpu.iota {dimensions = array<i32: 0>} : vector<16xi32>
        %add3A_431 = arith.constant 16 : i32
        %add3A_432 = vector.broadcast %add3A_431 : i32 to vector<16xi32>
        %add3A_433 = arith.addi %iota3A_430, %add3A_432 : vector<16xi32>
        tpu.vector_store_idx %arg23[%add3A_433, %add3A_422], %get3A_429 : memref<32x512xf32, #tpu.memory_space<vmem>>[vector<16xi32>, vector<16xi32>], vector<16xf32>,
        %mul3A_434 = arith.constant 8 : i32
        %mul3A_435 = arith.muli %scan3A_379, %mul3A_434 : i32
        %add3A_436 = arith.constant 3 : i32
        %add3A_437 = arith.addi %mul3A_435, %add3A_436 : i32
        %broadcast_in_dim3A_438 = arith.constant 256 : i32
        %broadcast_in_dim3A_439 = vector.broadcast %broadcast_in_dim3A_438 : i32 to vector<16xi32>
        %add3A_440 = vector.broadcast %add3A_437 : i32 to vector<16xi32>
        %add3A_441 = arith.addi %broadcast_in_dim3A_439, %add3A_440 : vector<16xi32>
        %get3A_442 = arith.index_cast %add3A_437 : i32 to index
        %get3A_443 = arith.constant 0 : index
        %get3A_444 = tpu.vector_load %arg12[%get3A_442, %get3A_443] {strides = array<i32>} : memref<128x32xf32, #tpu.memory_space<vmem>>, vector<16xf32>,
        %iota3A_445 = tpu.iota {dimensions = array<i32: 0>} : vector<16xi32>
        tpu.vector_store_idx %arg23[%iota3A_445, %add3A_441], %get3A_444 : memref<32x512xf32, #tpu.memory_space<vmem>>[vector<16xi32>, vector<16xi32>], vector<16xf32>,
        %get3A_446 = arith.index_cast %add3A_437 : i32 to index
        %get3A_447 = arith.constant 16 : index
        %get3A_448 = tpu.vector_load %arg12[%get3A_446, %get3A_447] {strides = array<i32>} : memref<128x32xf32, #tpu.memory_space<vmem>>, vector<16xf32>,
        %iota3A_449 = tpu.iota {dimensions = array<i32: 0>} : vector<16xi32>
        %add3A_450 = arith.constant 16 : i32
        %add3A_451 = vector.broadcast %add3A_450 : i32 to vector<16xi32>
        %add3A_452 = arith.addi %iota3A_449, %add3A_451 : vector<16xi32>
        tpu.vector_store_idx %arg23[%add3A_452, %add3A_441], %get3A_448 : memref<32x512xf32, #tpu.memory_space<vmem>>[vector<16xi32>, vector<16xi32>], vector<16xf32>,
        %mul3A_453 = arith.constant 8 : i32
        %mul3A_454 = arith.muli %scan3A_379, %mul3A_453 : i32
        %add3A_455 = arith.constant 4 : i32
        %add3A_456 = arith.addi %mul3A_454, %add3A_455 : i32
        %broadcast_in_dim3A_457 = arith.constant 256 : i32
        %broadcast_in_dim3A_458 = vector.broadcast %broadcast_in_dim3A_457 : i32 to vector<16xi32>
        %add3A_459 = vector.broadcast %add3A_456 : i32 to vector<16xi32>
        %add3A_460 = arith.addi %broadcast_in_dim3A_458, %add3A_459 : vector<16xi32>
        %get3A_461 = arith.index_cast %add3A_456 : i32 to index
        %get3A_462 = arith.constant 0 : index
        %get3A_463 = tpu.vector_load %arg12[%get3A_461, %get3A_462] {strides = array<i32>} : memref<128x32xf32, #tpu.memory_space<vmem>>, vector<16xf32>,
        %iota3A_464 = tpu.iota {dimensions = array<i32: 0>} : vector<16xi32>
        tpu.vector_store_idx %arg23[%iota3A_464, %add3A_460], %get3A_463 : memref<32x512xf32, #tpu.memory_space<vmem>>[vector<16xi32>, vector<16xi32>], vector<16xf32>,
        %get3A_465 = arith.index_cast %add3A_456 : i32 to index
        %get3A_466 = arith.constant 16 : index
        %get3A_467 = tpu.vector_load %arg12[%get3A_465, %get3A_466] {strides = array<i32>} : memref<128x32xf32, #tpu.memory_space<vmem>>, vector<16xf32>,
        %iota3A_468 = tpu.iota {dimensions = array<i32: 0>} : vector<16xi32>
        %add3A_469 = arith.constant 16 : i32
        %add3A_470 = vector.broadcast %add3A_469 : i32 to vector<16xi32>
        %add3A_471 = arith.addi %iota3A_468, %add3A_470 : vector<16xi32>
        tpu.vector_store_idx %arg23[%add3A_471, %add3A_460], %get3A_467 : memref<32x512xf32, #tpu.memory_space<vmem>>[vector<16xi32>, vector<16xi32>], vector<16xf32>,
        %mul3A_472 = arith.constant 8 : i32
        %mul3A_473 = arith.muli %scan3A_379, %mul3A_472 : i32
        %add3A_474 = arith.constant 5 : i32
        %add3A_475 = arith.addi %mul3A_473, %add3A_474 : i32
        %broadcast_in_dim3A_476 = arith.constant 256 : i32
        %broadcast_in_dim3A_477 = vector.broadcast %broadcast_in_dim3A_476 : i32 to vector<16xi32>
        %add3A_478 = vector.broadcast %add3A_475 : i32 to vector<16xi32>
        %add3A_479 = arith.addi %broadcast_in_dim3A_477, %add3A_478 : vector<16xi32>
        %get3A_480 = arith.index_cast %add3A_475 : i32 to index
        %get3A_481 = arith.constant 0 : index
        %get3A_482 = tpu.vector_load %arg12[%get3A_480, %get3A_481] {strides = array<i32>} : memref<128x32xf32, #tpu.memory_space<vmem>>, vector<16xf32>,
        %iota3A_483 = tpu.iota {dimensions = array<i32: 0>} : vector<16xi32>
        tpu.vector_store_idx %arg23[%iota3A_483, %add3A_479], %get3A_482 : memref<32x512xf32, #tpu.memory_space<vmem>>[vector<16xi32>, vector<16xi32>], vector<16xf32>,
        %get3A_484 = arith.index_cast %add3A_475 : i32 to index
        %get3A_485 = arith.constant 16 : index
        %get3A_486 = tpu.vector_load %arg12[%get3A_484, %get3A_485] {strides = array<i32>} : memref<128x32xf32, #tpu.memory_space<vmem>>, vector<16xf32>,
        %iota3A_487 = tpu.iota {dimensions = array<i32: 0>} : vector<16xi32>
        %add3A_488 = arith.constant 16 : i32
        %add3A_489 = vector.broadcast %add3A_488 : i32 to vector<16xi32>
        %add3A_490 = arith.addi %iota3A_487, %add3A_489 : vector<16xi32>
        tpu.vector_store_idx %arg23[%add3A_490, %add3A_479], %get3A_486 : memref<32x512xf32, #tpu.memory_space<vmem>>[vector<16xi32>, vector<16xi32>], vector<16xf32>,
        %mul3A_491 = arith.constant 8 : i32
        %mul3A_492 = arith.muli %scan3A_379, %mul3A_491 : i32
        %add3A_493 = arith.constant 6 : i32
        %add3A_494 = arith.addi %mul3A_492, %add3A_493 : i32
        %broadcast_in_dim3A_495 = arith.constant 256 : i32
        %broadcast_in_dim3A_496 = vector.broadcast %broadcast_in_dim3A_495 : i32 to vector<16xi32>
        %add3A_497 = vector.broadcast %add3A_494 : i32 to vector<16xi32>
        %add3A_498 = arith.addi %broadcast_in_dim3A_496, %add3A_497 : vector<16xi32>
        %get3A_499 = arith.index_cast %add3A_494 : i32 to index
        %get3A_500 = arith.constant 0 : index
        %get3A_501 = tpu.vector_load %arg12[%get3A_499, %get3A_500] {strides = array<i32>} : memref<128x32xf32, #tpu.memory_space<vmem>>, vector<16xf32>,
        %iota3A_502 = tpu.iota {dimensions = array<i32: 0>} : vector<16xi32>
        tpu.vector_store_idx %arg23[%iota3A_502, %add3A_498], %get3A_501 : memref<32x512xf32, #tpu.memory_space<vmem>>[vector<16xi32>, vector<16xi32>], vector<16xf32>,
        %get3A_503 = arith.index_cast %add3A_494 : i32 to index
        %get3A_504 = arith.constant 16 : index
        %get3A_505 = tpu.vector_load %arg12[%get3A_503, %get3A_504] {strides = array<i32>} : memref<128x32xf32, #tpu.memory_space<vmem>>, vector<16xf32>,
        %iota3A_506 = tpu.iota {dimensions = array<i32: 0>} : vector<16xi32>
        %add3A_507 = arith.constant 16 : i32
        %add3A_508 = vector.broadcast %add3A_507 : i32 to vector<16xi32>
        %add3A_509 = arith.addi %iota3A_506, %add3A_508 : vector<16xi32>
        tpu.vector_store_idx %arg23[%add3A_509, %add3A_498], %get3A_505 : memref<32x512xf32, #tpu.memory_space<vmem>>[vector<16xi32>, vector<16xi32>], vector<16xf32>,
        %mul3A_510 = arith.constant 8 : i32
        %mul3A_511 = arith.muli %scan3A_379, %mul3A_510 : i32
        %add3A_512 = arith.constant 7 : i32
        %add3A_513 = arith.addi %mul3A_511, %add3A_512 : i32
        %broadcast_in_dim3A_514 = arith.constant 256 : i32
        %broadcast_in_dim3A_515 = vector.broadcast %broadcast_in_dim3A_514 : i32 to vector<16xi32>
        %add3A_516 = vector.broadcast %add3A_513 : i32 to vector<16xi32>
        %add3A_517 = arith.addi %broadcast_in_dim3A_515, %add3A_516 : vector<16xi32>
        %get3A_518 = arith.index_cast %add3A_513 : i32 to index
        %get3A_519 = arith.constant 0 : index
        %get3A_520 = tpu.vector_load %arg12[%get3A_518, %get3A_519] {strides = array<i32>} : memref<128x32xf32, #tpu.memory_space<vmem>>, vector<16xf32>,
        %iota3A_521 = tpu.iota {dimensions = array<i32: 0>} : vector<16xi32>
        tpu.vector_store_idx %arg23[%iota3A_521, %add3A_517], %get3A_520 : memref<32x512xf32, #tpu.memory_space<vmem>>[vector<16xi32>, vector<16xi32>], vector<16xf32>,
        %get3A_522 = arith.index_cast %add3A_513 : i32 to index
        %get3A_523 = arith.constant 16 : index
        %get3A_524 = tpu.vector_load %arg12[%get3A_522, %get3A_523] {strides = array<i32>} : memref<128x32xf32, #tpu.memory_space<vmem>>, vector<16xf32>,
        %iota3A_525 = tpu.iota {dimensions = array<i32: 0>} : vector<16xi32>
        %add3A_526 = arith.constant 16 : i32
        %add3A_527 = vector.broadcast %add3A_526 : i32 to vector<16xi32>
        %add3A_528 = arith.addi %iota3A_525, %add3A_527 : vector<16xi32>
        tpu.vector_store_idx %arg23[%add3A_528, %add3A_517], %get3A_524 : memref<32x512xf32, #tpu.memory_space<vmem>>[vector<16xi32>, vector<16xi32>], vector<16xf32>,
      }
      %scan3A_301 = arith.constant 16 : i32
      %mul3A_302 = arith.constant 8 : i32
      %mul3A_303 = arith.muli %scan3A_67, %mul3A_302 : i32
      %add3A_304 = arith.constant 7 : i32
      %add3A_305 = arith.addi %mul3A_303, %add3A_304 : i32
      %lt3A_306 = arith.constant 24 : i32
      %lt3A_307 = arith.cmpi slt, %scan3A_67, %lt3A_306 : i32
      %convert_element_type3A_308 = arith.extui %lt3A_307 : i1 to i32
      %cond3A_309 = arith.constant 0 : i32
      %cond3A_310 = arith.cmpi ne, %convert_element_type3A_308, %cond3A_309 : i32
      scf.if %cond3A_310 {
        %add3A_379 = arith.constant 8 : i32
        %add3A_380 = arith.addi %add3A_305, %add3A_379 : i32
        %sub3A_381 = arith.constant 2 : i32
        %sub3A_382 = arith.subi %add3A_380, %sub3A_381 : i32
        %dma_start3A_383 = arith.constant 0 : i32
        %dma_start3A_384 = tpu.memref_slice %arg5[%sub3A_382, %dma_start3A_383] : memref<200x128xi32, #tpu.memory_space<vmem>> -> memref<1x128xi32, #tpu.memory_space<vmem>>
        %dma_start3A_385 = tpu.memref_squeeze %dma_start3A_384 : memref<1x128xi32, #tpu.memory_space<vmem>> -> memref<128xi32, #tpu.memory_space<vmem>>
        %dma_start3A_386 = arith.constant 0 : i32
        %dma_start3A_387 = arith.constant 0 : i32
        %dma_start3A_388 = tpu.memref_slice %arg3[%dma_start3A_386, %dma_start3A_387] : memref<1000000x32xf32, #tpu.memory_space<hbm>> -> memref<1000000x32xf32, #tpu.memory_space<hbm>>
        tpu.enqueue_indirect_dma source(%dma_start3A_388 : memref<1000000x32xf32, #tpu.memory_space<hbm>>) target(%arg11 : memref<128x32xf32, #tpu.memory_space<vmem>>) offsets(%dma_start3A_385 : memref<128xi32, #tpu.memory_space<vmem>>) semaphore(%arg19 : memref<!tpu.dma_semaphore, #tpu.memory_space<semaphore_mem>>)
      } else {
      }
      %dma_wait3A_311 = arith.constant 0 : i32
      %dma_wait3A_312 = arith.constant 0 : i32
      %dma_wait3A_313 = tpu.memref_slice %arg3[%dma_wait3A_311, %dma_wait3A_312] : memref<1000000x32xf32, #tpu.memory_space<hbm>> -> memref<128x32xf32, #tpu.memory_space<hbm>>
      %dma_wait3A_314 = arith.constant 0 : i32
      %dma_wait3A_315 = arith.constant 0 : i32
      %dma_wait3A_316 = tpu.memref_slice %arg3[%dma_wait3A_314, %dma_wait3A_315] : memref<1000000x32xf32, #tpu.memory_space<hbm>> -> memref<128x32xf32, #tpu.memory_space<hbm>>
      tpu.wait_dma2 semaphore(%arg21 : memref<!tpu.dma_semaphore, #tpu.memory_space<semaphore_mem>>) src(%dma_wait3A_316 : memref<128x32xf32, #tpu.memory_space<hbm>>) dst(%arg13 : memref<128x32xf32, #tpu.memory_space<vmem>>)
      %mul3A_317 = arith.constant 2 : i32
      %mul3A_318 = arith.muli %scan3A_67, %mul3A_317 : i32
      %add3A_319 = arith.constant 1 : i32
      %add3A_320 = arith.addi %mul3A_318, %add3A_319 : i32
      %scan3A_321 = arith.constant 0 : i32
      %scan3A_322 = arith.constant 0 : i32
      %scan3A_323 = arith.constant 16 : i32
      %scan3A_324 = arith.addi %scan3A_322, %scan3A_323 : i32
      %scan3A_325 = arith.constant 1 : i32
      scf.for %scan3A_379 = %scan3A_322 to %scan3A_324 step %scan3A_325  : i32 {
        %mul3A_380 = arith.constant 8 : i32
        %mul3A_381 = arith.muli %scan3A_379, %mul3A_380 : i32
        %add3A_382 = arith.constant 0 : i32
        %add3A_383 = arith.addi %mul3A_381, %add3A_382 : i32
        %broadcast_in_dim3A = arith.constant 384 : i32
        %broadcast_in_dim3A_384 = vector.broadcast %broadcast_in_dim3A : i32 to vector<16xi32>
        %add3A_385 = vector.broadcast %add3A_383 : i32 to vector<16xi32>
        %add3A_386 = arith.addi %broadcast_in_dim3A_384, %add3A_385 : vector<16xi32>
        %get3A = arith.index_cast %add3A_383 : i32 to index
        %get3A_387 = arith.constant 0 : index
        %get3A_388 = tpu.vector_load %arg13[%get3A, %get3A_387] {strides = array<i32>} : memref<128x32xf32, #tpu.memory_space<vmem>>, vector<16xf32>,
        %iota3A = tpu.iota {dimensions = array<i32: 0>} : vector<16xi32>
        tpu.vector_store_idx %arg23[%iota3A, %add3A_386], %get3A_388 : memref<32x512xf32, #tpu.memory_space<vmem>>[vector<16xi32>, vector<16xi32>], vector<16xf32>,
        %get3A_389 = arith.index_cast %add3A_383 : i32 to index
        %get3A_390 = arith.constant 16 : index
        %get3A_391 = tpu.vector_load %arg13[%get3A_389, %get3A_390] {strides = array<i32>} : memref<128x32xf32, #tpu.memory_space<vmem>>, vector<16xf32>,
        %iota3A_392 = tpu.iota {dimensions = array<i32: 0>} : vector<16xi32>
        %add3A_393 = arith.constant 16 : i32
        %add3A_394 = vector.broadcast %add3A_393 : i32 to vector<16xi32>
        %add3A_395 = arith.addi %iota3A_392, %add3A_394 : vector<16xi32>
        tpu.vector_store_idx %arg23[%add3A_395, %add3A_386], %get3A_391 : memref<32x512xf32, #tpu.memory_space<vmem>>[vector<16xi32>, vector<16xi32>], vector<16xf32>,
        %mul3A_396 = arith.constant 8 : i32
        %mul3A_397 = arith.muli %scan3A_379, %mul3A_396 : i32
        %add3A_398 = arith.constant 1 : i32
        %add3A_399 = arith.addi %mul3A_397, %add3A_398 : i32
        %broadcast_in_dim3A_400 = arith.constant 384 : i32
        %broadcast_in_dim3A_401 = vector.broadcast %broadcast_in_dim3A_400 : i32 to vector<16xi32>
        %add3A_402 = vector.broadcast %add3A_399 : i32 to vector<16xi32>
        %add3A_403 = arith.addi %broadcast_in_dim3A_401, %add3A_402 : vector<16xi32>
        %get3A_404 = arith.index_cast %add3A_399 : i32 to index
        %get3A_405 = arith.constant 0 : index
        %get3A_406 = tpu.vector_load %arg13[%get3A_404, %get3A_405] {strides = array<i32>} : memref<128x32xf32, #tpu.memory_space<vmem>>, vector<16xf32>,
        %iota3A_407 = tpu.iota {dimensions = array<i32: 0>} : vector<16xi32>
        tpu.vector_store_idx %arg23[%iota3A_407, %add3A_403], %get3A_406 : memref<32x512xf32, #tpu.memory_space<vmem>>[vector<16xi32>, vector<16xi32>], vector<16xf32>,
        %get3A_408 = arith.index_cast %add3A_399 : i32 to index
        %get3A_409 = arith.constant 16 : index
        %get3A_410 = tpu.vector_load %arg13[%get3A_408, %get3A_409] {strides = array<i32>} : memref<128x32xf32, #tpu.memory_space<vmem>>, vector<16xf32>,
        %iota3A_411 = tpu.iota {dimensions = array<i32: 0>} : vector<16xi32>
        %add3A_412 = arith.constant 16 : i32
        %add3A_413 = vector.broadcast %add3A_412 : i32 to vector<16xi32>
        %add3A_414 = arith.addi %iota3A_411, %add3A_413 : vector<16xi32>
        tpu.vector_store_idx %arg23[%add3A_414, %add3A_403], %get3A_410 : memref<32x512xf32, #tpu.memory_space<vmem>>[vector<16xi32>, vector<16xi32>], vector<16xf32>,
        %mul3A_415 = arith.constant 8 : i32
        %mul3A_416 = arith.muli %scan3A_379, %mul3A_415 : i32
        %add3A_417 = arith.constant 2 : i32
        %add3A_418 = arith.addi %mul3A_416, %add3A_417 : i32
        %broadcast_in_dim3A_419 = arith.constant 384 : i32
        %broadcast_in_dim3A_420 = vector.broadcast %broadcast_in_dim3A_419 : i32 to vector<16xi32>
        %add3A_421 = vector.broadcast %add3A_418 : i32 to vector<16xi32>
        %add3A_422 = arith.addi %broadcast_in_dim3A_420, %add3A_421 : vector<16xi32>
        %get3A_423 = arith.index_cast %add3A_418 : i32 to index
        %get3A_424 = arith.constant 0 : index
        %get3A_425 = tpu.vector_load %arg13[%get3A_423, %get3A_424] {strides = array<i32>} : memref<128x32xf32, #tpu.memory_space<vmem>>, vector<16xf32>,
        %iota3A_426 = tpu.iota {dimensions = array<i32: 0>} : vector<16xi32>
        tpu.vector_store_idx %arg23[%iota3A_426, %add3A_422], %get3A_425 : memref<32x512xf32, #tpu.memory_space<vmem>>[vector<16xi32>, vector<16xi32>], vector<16xf32>,
        %get3A_427 = arith.index_cast %add3A_418 : i32 to index
        %get3A_428 = arith.constant 16 : index
        %get3A_429 = tpu.vector_load %arg13[%get3A_427, %get3A_428] {strides = array<i32>} : memref<128x32xf32, #tpu.memory_space<vmem>>, vector<16xf32>,
        %iota3A_430 = tpu.iota {dimensions = array<i32: 0>} : vector<16xi32>
        %add3A_431 = arith.constant 16 : i32
        %add3A_432 = vector.broadcast %add3A_431 : i32 to vector<16xi32>
        %add3A_433 = arith.addi %iota3A_430, %add3A_432 : vector<16xi32>
        tpu.vector_store_idx %arg23[%add3A_433, %add3A_422], %get3A_429 : memref<32x512xf32, #tpu.memory_space<vmem>>[vector<16xi32>, vector<16xi32>], vector<16xf32>,
        %mul3A_434 = arith.constant 8 : i32
        %mul3A_435 = arith.muli %scan3A_379, %mul3A_434 : i32
        %add3A_436 = arith.constant 3 : i32
        %add3A_437 = arith.addi %mul3A_435, %add3A_436 : i32
        %broadcast_in_dim3A_438 = arith.constant 384 : i32
        %broadcast_in_dim3A_439 = vector.broadcast %broadcast_in_dim3A_438 : i32 to vector<16xi32>
        %add3A_440 = vector.broadcast %add3A_437 : i32 to vector<16xi32>
        %add3A_441 = arith.addi %broadcast_in_dim3A_439, %add3A_440 : vector<16xi32>
        %get3A_442 = arith.index_cast %add3A_437 : i32 to index
        %get3A_443 = arith.constant 0 : index
        %get3A_444 = tpu.vector_load %arg13[%get3A_442, %get3A_443] {strides = array<i32>} : memref<128x32xf32, #tpu.memory_space<vmem>>, vector<16xf32>,
        %iota3A_445 = tpu.iota {dimensions = array<i32: 0>} : vector<16xi32>
        tpu.vector_store_idx %arg23[%iota3A_445, %add3A_441], %get3A_444 : memref<32x512xf32, #tpu.memory_space<vmem>>[vector<16xi32>, vector<16xi32>], vector<16xf32>,
        %get3A_446 = arith.index_cast %add3A_437 : i32 to index
        %get3A_447 = arith.constant 16 : index
        %get3A_448 = tpu.vector_load %arg13[%get3A_446, %get3A_447] {strides = array<i32>} : memref<128x32xf32, #tpu.memory_space<vmem>>, vector<16xf32>,
        %iota3A_449 = tpu.iota {dimensions = array<i32: 0>} : vector<16xi32>
        %add3A_450 = arith.constant 16 : i32
        %add3A_451 = vector.broadcast %add3A_450 : i32 to vector<16xi32>
        %add3A_452 = arith.addi %iota3A_449, %add3A_451 : vector<16xi32>
        tpu.vector_store_idx %arg23[%add3A_452, %add3A_441], %get3A_448 : memref<32x512xf32, #tpu.memory_space<vmem>>[vector<16xi32>, vector<16xi32>], vector<16xf32>,
        %mul3A_453 = arith.constant 8 : i32
        %mul3A_454 = arith.muli %scan3A_379, %mul3A_453 : i32
        %add3A_455 = arith.constant 4 : i32
        %add3A_456 = arith.addi %mul3A_454, %add3A_455 : i32
        %broadcast_in_dim3A_457 = arith.constant 384 : i32
        %broadcast_in_dim3A_458 = vector.broadcast %broadcast_in_dim3A_457 : i32 to vector<16xi32>
        %add3A_459 = vector.broadcast %add3A_456 : i32 to vector<16xi32>
        %add3A_460 = arith.addi %broadcast_in_dim3A_458, %add3A_459 : vector<16xi32>
        %get3A_461 = arith.index_cast %add3A_456 : i32 to index
        %get3A_462 = arith.constant 0 : index
        %get3A_463 = tpu.vector_load %arg13[%get3A_461, %get3A_462] {strides = array<i32>} : memref<128x32xf32, #tpu.memory_space<vmem>>, vector<16xf32>,
        %iota3A_464 = tpu.iota {dimensions = array<i32: 0>} : vector<16xi32>
        tpu.vector_store_idx %arg23[%iota3A_464, %add3A_460], %get3A_463 : memref<32x512xf32, #tpu.memory_space<vmem>>[vector<16xi32>, vector<16xi32>], vector<16xf32>,
        %get3A_465 = arith.index_cast %add3A_456 : i32 to index
        %get3A_466 = arith.constant 16 : index
        %get3A_467 = tpu.vector_load %arg13[%get3A_465, %get3A_466] {strides = array<i32>} : memref<128x32xf32, #tpu.memory_space<vmem>>, vector<16xf32>,
        %iota3A_468 = tpu.iota {dimensions = array<i32: 0>} : vector<16xi32>
        %add3A_469 = arith.constant 16 : i32
        %add3A_470 = vector.broadcast %add3A_469 : i32 to vector<16xi32>
        %add3A_471 = arith.addi %iota3A_468, %add3A_470 : vector<16xi32>
        tpu.vector_store_idx %arg23[%add3A_471, %add3A_460], %get3A_467 : memref<32x512xf32, #tpu.memory_space<vmem>>[vector<16xi32>, vector<16xi32>], vector<16xf32>,
        %mul3A_472 = arith.constant 8 : i32
        %mul3A_473 = arith.muli %scan3A_379, %mul3A_472 : i32
        %add3A_474 = arith.constant 5 : i32
        %add3A_475 = arith.addi %mul3A_473, %add3A_474 : i32
        %broadcast_in_dim3A_476 = arith.constant 384 : i32
        %broadcast_in_dim3A_477 = vector.broadcast %broadcast_in_dim3A_476 : i32 to vector<16xi32>
        %add3A_478 = vector.broadcast %add3A_475 : i32 to vector<16xi32>
        %add3A_479 = arith.addi %broadcast_in_dim3A_477, %add3A_478 : vector<16xi32>
        %get3A_480 = arith.index_cast %add3A_475 : i32 to index
        %get3A_481 = arith.constant 0 : index
        %get3A_482 = tpu.vector_load %arg13[%get3A_480, %get3A_481] {strides = array<i32>} : memref<128x32xf32, #tpu.memory_space<vmem>>, vector<16xf32>,
        %iota3A_483 = tpu.iota {dimensions = array<i32: 0>} : vector<16xi32>
        tpu.vector_store_idx %arg23[%iota3A_483, %add3A_479], %get3A_482 : memref<32x512xf32, #tpu.memory_space<vmem>>[vector<16xi32>, vector<16xi32>], vector<16xf32>,
        %get3A_484 = arith.index_cast %add3A_475 : i32 to index
        %get3A_485 = arith.constant 16 : index
        %get3A_486 = tpu.vector_load %arg13[%get3A_484, %get3A_485] {strides = array<i32>} : memref<128x32xf32, #tpu.memory_space<vmem>>, vector<16xf32>,
        %iota3A_487 = tpu.iota {dimensions = array<i32: 0>} : vector<16xi32>
        %add3A_488 = arith.constant 16 : i32
        %add3A_489 = vector.broadcast %add3A_488 : i32 to vector<16xi32>
        %add3A_490 = arith.addi %iota3A_487, %add3A_489 : vector<16xi32>
        tpu.vector_store_idx %arg23[%add3A_490, %add3A_479], %get3A_486 : memref<32x512xf32, #tpu.memory_space<vmem>>[vector<16xi32>, vector<16xi32>], vector<16xf32>,
        %mul3A_491 = arith.constant 8 : i32
        %mul3A_492 = arith.muli %scan3A_379, %mul3A_491 : i32
        %add3A_493 = arith.constant 6 : i32
        %add3A_494 = arith.addi %mul3A_492, %add3A_493 : i32
        %broadcast_in_dim3A_495 = arith.constant 384 : i32
        %broadcast_in_dim3A_496 = vector.broadcast %broadcast_in_dim3A_495 : i32 to vector<16xi32>
        %add3A_497 = vector.broadcast %add3A_494 : i32 to vector<16xi32>
        %add3A_498 = arith.addi %broadcast_in_dim3A_496, %add3A_497 : vector<16xi32>
        %get3A_499 = arith.index_cast %add3A_494 : i32 to index
        %get3A_500 = arith.constant 0 : index
        %get3A_501 = tpu.vector_load %arg13[%get3A_499, %get3A_500] {strides = array<i32>} : memref<128x32xf32, #tpu.memory_space<vmem>>, vector<16xf32>,
        %iota3A_502 = tpu.iota {dimensions = array<i32: 0>} : vector<16xi32>
        tpu.vector_store_idx %arg23[%iota3A_502, %add3A_498], %get3A_501 : memref<32x512xf32, #tpu.memory_space<vmem>>[vector<16xi32>, vector<16xi32>], vector<16xf32>,
        %get3A_503 = arith.index_cast %add3A_494 : i32 to index
        %get3A_504 = arith.constant 16 : index
        %get3A_505 = tpu.vector_load %arg13[%get3A_503, %get3A_504] {strides = array<i32>} : memref<128x32xf32, #tpu.memory_space<vmem>>, vector<16xf32>,
        %iota3A_506 = tpu.iota {dimensions = array<i32: 0>} : vector<16xi32>
        %add3A_507 = arith.constant 16 : i32
        %add3A_508 = vector.broadcast %add3A_507 : i32 to vector<16xi32>
        %add3A_509 = arith.addi %iota3A_506, %add3A_508 : vector<16xi32>
        tpu.vector_store_idx %arg23[%add3A_509, %add3A_498], %get3A_505 : memref<32x512xf32, #tpu.memory_space<vmem>>[vector<16xi32>, vector<16xi32>], vector<16xf32>,
        %mul3A_510 = arith.constant 8 : i32
        %mul3A_511 = arith.muli %scan3A_379, %mul3A_510 : i32
        %add3A_512 = arith.constant 7 : i32
        %add3A_513 = arith.addi %mul3A_511, %add3A_512 : i32
        %broadcast_in_dim3A_514 = arith.constant 384 : i32
        %broadcast_in_dim3A_515 = vector.broadcast %broadcast_in_dim3A_514 : i32 to vector<16xi32>
        %add3A_516 = vector.broadcast %add3A_513 : i32 to vector<16xi32>
        %add3A_517 = arith.addi %broadcast_in_dim3A_515, %add3A_516 : vector<16xi32>
        %get3A_518 = arith.index_cast %add3A_513 : i32 to index
        %get3A_519 = arith.constant 0 : index
        %get3A_520 = tpu.vector_load %arg13[%get3A_518, %get3A_519] {strides = array<i32>} : memref<128x32xf32, #tpu.memory_space<vmem>>, vector<16xf32>,
        %iota3A_521 = tpu.iota {dimensions = array<i32: 0>} : vector<16xi32>
        tpu.vector_store_idx %arg23[%iota3A_521, %add3A_517], %get3A_520 : memref<32x512xf32, #tpu.memory_space<vmem>>[vector<16xi32>, vector<16xi32>], vector<16xf32>,
        %get3A_522 = arith.index_cast %add3A_513 : i32 to index
        %get3A_523 = arith.constant 16 : index
        %get3A_524 = tpu.vector_load %arg13[%get3A_522, %get3A_523] {strides = array<i32>} : memref<128x32xf32, #tpu.memory_space<vmem>>, vector<16xf32>,
        %iota3A_525 = tpu.iota {dimensions = array<i32: 0>} : vector<16xi32>
        %add3A_526 = arith.constant 16 : i32
        %add3A_527 = vector.broadcast %add3A_526 : i32 to vector<16xi32>
        %add3A_528 = arith.addi %iota3A_525, %add3A_527 : vector<16xi32>
        tpu.vector_store_idx %arg23[%add3A_528, %add3A_517], %get3A_524 : memref<32x512xf32, #tpu.memory_space<vmem>>[vector<16xi32>, vector<16xi32>], vector<16xf32>,
      }
      %scan3A_326 = arith.constant 16 : i32
      %mul3A_327 = arith.constant 4 : i32
      %mul3A_328 = arith.muli %add3A_320, %mul3A_327 : i32
      %add3A_329 = arith.addi %mul3A_2, %mul3A_328 : i32
      %jit3A_330 = arith.constant 128 : i32
      %div3A_331 = arith.divsi %add3A_329, %jit3A_330 : i32
      %sign3A_332 = arith.constant 0 : i32
      %sign3A_333 = arith.cmpi sgt, %add3A_329, %sign3A_332 : i32
      %sign3A_334 = arith.extui %sign3A_333 : i1 to i32
      %sign3A_335 = arith.constant 0 : i32
      %sign3A_336 = arith.cmpi slt, %add3A_329, %sign3A_335 : i32
      %sign3A_337 = arith.extui %sign3A_336 : i1 to i32
      %sign3A_338 = arith.subi %sign3A_334, %sign3A_337 : i32
      %sign3A_339 = arith.constant 0 : i32
      %sign3A_340 = arith.cmpi sgt, %jit3A_330, %sign3A_339 : i32
      %sign3A_341 = arith.extui %sign3A_340 : i1 to i32
      %sign3A_342 = arith.constant 0 : i32
      %sign3A_343 = arith.cmpi slt, %jit3A_330, %sign3A_342 : i32
      %sign3A_344 = arith.extui %sign3A_343 : i1 to i32
      %sign3A_345 = arith.subi %sign3A_341, %sign3A_344 : i32
      %ne3A_346 = arith.cmpi ne, %sign3A_338, %sign3A_345 : i32
      %rem3A_347 = arith.remsi %add3A_329, %jit3A_330 : i32
      %ne3A_348 = arith.constant 0 : i32
      %ne3A_349 = arith.cmpi ne, %rem3A_347, %ne3A_348 : i32
      %and3A_350 = arith.andi %ne3A_346, %ne3A_349 : i1
      %sub3A_351 = arith.constant 1 : i32
      %sub3A_352 = arith.subi %div3A_331, %sub3A_351 : i32
      %select_n3A_353 = arith.select %and3A_350, %sub3A_352, %div3A_331 : i32
      %jit3A_354 = arith.constant 128 : i32
      %eq3A_355 = arith.constant 0 : i32
      %eq3A_356 = arith.cmpi eq, %jit3A_354, %eq3A_355 : i32
      %jit3A_357 = arith.constant 1 : i32
      %select_n3A_358 = arith.select %eq3A_356, %jit3A_357, %jit3A_354 : i32
      %rem3A_359 = arith.remsi %add3A_329, %select_n3A_358 : i32
      %ne3A_360 = arith.constant 0 : i32
      %ne3A_361 = arith.cmpi ne, %rem3A_359, %ne3A_360 : i32
      %lt3A_362 = arith.constant 0 : i32
      %lt3A_363 = arith.cmpi slt, %rem3A_359, %lt3A_362 : i32
      %lt3A_364 = arith.constant 0 : i32
      %lt3A_365 = arith.cmpi slt, %select_n3A_358, %lt3A_364 : i32
      %ne3A_366 = arith.xori %lt3A_363, %lt3A_365 : i1
      %and3A_367 = arith.andi %ne3A_366, %ne3A_361 : i1
      %add3A_368 = arith.addi %rem3A_359, %select_n3A_358 : i32
      %select_n3A_369 = arith.select %and3A_367, %add3A_368, %rem3A_359 : i32
      %mul3A_370 = arith.constant 128 : i32
      %mul3A_371 = arith.muli %select_n3A_369, %mul3A_370 : i32
      %dma_start3A_372 = arith.constant 0 : i32
      %dma_start3A_373 = tpu.memref_slice %arg4[%select_n3A_353, %dma_start3A_372, %mul3A_371] : memref<50x32x16384xf32, #tpu.memory_space<hbm>> -> memref<1x32x512xf32, #tpu.memory_space<hbm>>
      %dma_start3A_374 = tpu.memref_squeeze %dma_start3A_373 : memref<1x32x512xf32, #tpu.memory_space<hbm>> -> memref<32x512xf32, #tpu.memory_space<hbm>>
      %dma_start3A_375 = arith.constant 0 : i32
      %dma_start3A_376 = tpu.memref_slice %arg4[%select_n3A_353, %dma_start3A_375, %mul3A_371] : memref<50x32x16384xf32, #tpu.memory_space<hbm>> -> memref<1x32x512xf32, #tpu.memory_space<hbm>>
      %dma_start3A_377 = tpu.memref_squeeze %dma_start3A_376 : memref<1x32x512xf32, #tpu.memory_space<hbm>> -> memref<32x512xf32, #tpu.memory_space<hbm>>
      tpu.enqueue_dma source(%arg23 : memref<32x512xf32, #tpu.memory_space<vmem>>) target(%dma_start3A_377 : memref<32x512xf32, #tpu.memory_space<hbm>>) target_semaphore(%arg25 : memref<!tpu.dma_semaphore, #tpu.memory_space<semaphore_mem>>)
      %scan3A_378 = arith.constant 0 : i32
      scf.yield %scan3A_378 : i32
    }
    %scan3A_49 = arith.constant 25 : i32
    %dma_wait3A = arith.constant 0 : i32
    %dma_wait3A_50 = arith.constant 0 : i32
    %dma_wait3A_51 = arith.constant 0 : i32
    %dma_wait3A_52 = tpu.memref_slice %arg4[%dma_wait3A, %dma_wait3A_50, %dma_wait3A_51] : memref<50x32x16384xf32, #tpu.memory_space<hbm>> -> memref<1x32x512xf32, #tpu.memory_space<hbm>>
    %dma_wait3A_53 = tpu.memref_squeeze %dma_wait3A_52 : memref<1x32x512xf32, #tpu.memory_space<hbm>> -> memref<32x512xf32, #tpu.memory_space<hbm>>
    %dma_wait3A_54 = arith.constant 0 : i32
    %dma_wait3A_55 = arith.constant 0 : i32
    %dma_wait3A_56 = tpu.memref_slice %arg4[%dma_wait3A, %dma_wait3A_54, %dma_wait3A_55] : memref<50x32x16384xf32, #tpu.memory_space<hbm>> -> memref<1x32x512xf32, #tpu.memory_space<hbm>>
    %dma_wait3A_57 = tpu.memref_squeeze %dma_wait3A_56 : memref<1x32x512xf32, #tpu.memory_space<hbm>> -> memref<32x512xf32, #tpu.memory_space<hbm>>
    tpu.wait_dma2 semaphore(%arg24 : memref<!tpu.dma_semaphore, #tpu.memory_space<semaphore_mem>>) src(%arg22 : memref<32x512xf32, #tpu.memory_space<vmem>>) dst(%dma_wait3A_57 : memref<32x512xf32, #tpu.memory_space<hbm>>)
    %dma_wait3A_58 = arith.constant 0 : i32
    %dma_wait3A_59 = arith.constant 0 : i32
    %dma_wait3A_60 = arith.constant 0 : i32
    %dma_wait3A_61 = tpu.memref_slice %arg4[%dma_wait3A_58, %dma_wait3A_59, %dma_wait3A_60] : memref<50x32x16384xf32, #tpu.memory_space<hbm>> -> memref<1x32x512xf32, #tpu.memory_space<hbm>>
    %dma_wait3A_62 = tpu.memref_squeeze %dma_wait3A_61 : memref<1x32x512xf32, #tpu.memory_space<hbm>> -> memref<32x512xf32, #tpu.memory_space<hbm>>
    %dma_wait3A_63 = arith.constant 0 : i32
    %dma_wait3A_64 = arith.constant 0 : i32
    %dma_wait3A_65 = tpu.memref_slice %arg4[%dma_wait3A_58, %dma_wait3A_63, %dma_wait3A_64] : memref<50x32x16384xf32, #tpu.memory_space<hbm>> -> memref<1x32x512xf32, #tpu.memory_space<hbm>>
    %dma_wait3A_66 = tpu.memref_squeeze %dma_wait3A_65 : memref<1x32x512xf32, #tpu.memory_space<hbm>> -> memref<32x512xf32, #tpu.memory_space<hbm>>
    tpu.wait_dma2 semaphore(%arg25 : memref<!tpu.dma_semaphore, #tpu.memory_space<semaphore_mem>>) src(%arg23 : memref<32x512xf32, #tpu.memory_space<vmem>>) dst(%dma_wait3A_66 : memref<32x512xf32, #tpu.memory_space<hbm>>)
    return
  }
}

</mosaic_0001>

<sc_bundles>
// kernel: _embed.3.cloned.1.call-start
scs
__scs_entry_jumppad:
0x0: {  	(pc) =	sbr.rel $0x88, $3  }
0x1: {  	(tag) =	ssettag $0x0;
	lr =	simm.s32 $0x1  }
0x2: {  	[smem:$0x3F9F] =	sst lr;
	_ =	strace $0xD0000000  }
0x3: {  	_ = 	snop  }
0x4: {  	_ = 	snop  }
0x5: {  	_ = 	snop  }
0x6: {  	_ = 	snop  }
0x7: {  	_ = 	snop  }
__scs_overlays_trampoline_lowered:
0x8: {  	[smem:$0x3FAE] =	sst s0  }
0x9: {  	[smem:$0x3FAF] =	sst s1  }
0xa: {  	[smem:$0x3FB0] =	sst s2  }
0xb: {  	[smem:$0x3FB1] =	sst s3  }
0xc: {  	[smem:$0x3FB2] =	sst s4  }
0xd: {  	[smem:$0x3FB3] =	sst s5  }
0xe: {  	[smem:$0x3FB4] =	sst s6  }
0xf: {  	[smem:$0x3FB5] =	sst s7  }
0x10: {  	[smem:$0x3FB6] =	sst s8  }
0x11: {  	[smem:$0x3FB7] =	sst s9;
	s0 =	simm.s32 @!p0 $0x0  }
0x12: {  	s1 =	sld [smem:$0x3F9D];
	s0 =	simm.s32 @p0 $0x1  }
0x13: {  	[smem:$0x3FB8] =	sst s0;
	s0 =	simm.s32 @!p1 $0x0  }
0x14: {  	s2 =	sld [smem:$0x3F9C];
	s0 =	simm.s32 @p1 $0x1  }
0x15: {  	[smem:$0x3FB9] =	sst s0;
	s0 =	simm.s32 @!p2 $0x0  }
0x16: {  	s3 =	sld [smem:$0x3FDB];
	s0 =	simm.s32 @p2 $0x1  }
0x17: {  	s4 =	simm.s32 $0x1BF5;
	[smem:$0x3FBB] =	sst s0  }
0x18: {  	s0 =	sld [smem:$0x3F9E];
	_ =	swait.ge [sflag:s4], $0x0  }
0x19: {  	s7 =	sld [smem:$0x3F9F]  }
0x1a: {  	s8 =	sadd.s32 $0xFFFFE003, lr  }
0x1b: {  	s9 =	sadd.s32 $0xFFFFFEF7, lr;
	s5 =	simm.s32 $0xFFFFFFFF;
	p2 =	slt.u32 s8, $0xFFFFF086  }
0x1c: {  	p1 =	slt.u32 s9, $0xF7A;
	s5 =	simm.s32 @!p2 $0x0  }
0x1d: {  	s5 =	simm.s32 @p1 $0x1;
	p0 =	seq.s32 s7, s2  }
0x1e: {  	s7 =	smul.u32 @!p0 $0xF7A, s2;
	p2 =	seq.s32 @!p0 s5, $0x0  }
0x1f: {  	s9 =	smul.u32 $0xF7A, s1;
	s8 =	simm.s32 @!p0 $0x1BF5;
	p2 =	por !p2, p0  }
0x20: {  	[sflag:s8] =	ssyncset.s32 @!p0 $0xFFFFF086;
	s6 =	sadd.s32 @!p0 s3, s7;
	s7 =	simm.s32 @!p0 $0x108  }
0x21: {  	s3 =	sadd.s32 s3, s9;
	s6 =	sadd.s32 @!p0 $0x88, s6;
	s7 =	simm.s32 @p2 $0x1082  }
0x22: {  	[simem:s7], [sflag:s8] =	dma.local @!p0 [hbm:s6], $0xF7A  }
0x23: {  	s9 =	sor.u32 $0xD0000000, s2;
	s6 =	simm.s32 $0x108;
	_ =	swait.ge @!p0 [sflag:s8], $0x0  }
0x24: {  	s3 =	sadd.s32 $0x88, s3;
	s6 =	simm.s32 @!p1 $0x1082;
	[sflag:s4] =	ssyncset.s32 $0xFFFFF086  }
0x25: {  	[simem:s6], [sflag:s4] =	dma.local [hbm:s3], $0xF7A  }
0x26: {  	[smem:$0x3F9F] =	sst s1;
	(tag) =	ssettag s2;
	_ =	strace s9  }
0x27: {  	s1 =	sld [smem:$0x3FAF]  }
0x28: {  	s2 =	sld [smem:$0x3FB0]  }
0x29: {  	s4 =	sld [smem:$0x3FB2]  }
0x2a: {  	p0 =	seq.s32 s5, $0x0;
	s5 =	sld [smem:$0x3FB3]  }
0x2b: {  	s6 =	sld [smem:$0x3FB4]  }
0x2c: {  	s7 =	sld [smem:$0x3FB5]  }
0x2d: {  	s3 =	simm.s32 $0x108;
	s8 =	sld [smem:$0x3FB6]  }
0x2e: {  	s3 =	simm.s32 @!p0 $0x1082;
	s9 =	sld [smem:$0x3FB7]  }
0x2f: {  	lr =	sadd.s32 s0, s3;
	s0 =	sld [smem:$0x3FAE]  }
0x30: {  	s3 =	sld [smem:$0x3FB1]  }
0x31: {  	[smem:$0x3FBA] =	sst s10  }
0x32: {  	s10 =	sld [smem:$0x3FB8];
	_ =	sdelay $0x3  }
0x33: {  	p0 =	seq.s32 s10, $0x1;
	s10 =	sld [smem:$0x3FBA];
	_ =	sdelay $0x3  }
0x34: {  	[smem:$0x3FBA] =	sst s10  }
0x35: {  	s10 =	sld [smem:$0x3FB9];
	_ =	sdelay $0x3  }
0x36: {  	p1 =	seq.s32 s10, $0x1;
	s10 =	sld [smem:$0x3FBA];
	_ =	sdelay $0x3  }
0x37: {  	[smem:$0x3FBA] =	sst s10  }
0x38: {  	s10 =	sld [smem:$0x3FBB]  }
0x39: {  	_ = 	snop;
	(pc) =	sbr.ind lr, $3  }
0x3a: {  	_ = 	snop  }
0x3b: {  	_ = 	snop  }
0x3c: {  	p2 =	seq.s32 s10, $0x1;
	s10 =	sld [smem:$0x3FBA]  }
0x3d: {  	_ =	shalt  }
0x3e: {  	_ =	shalt  }
0x3f: {  	_ =	shalt  }
0x40: {  	_ =	shalt  }
0x41: {  	_ =	shalt  }
0x42: {  	_ =	shalt  }
0x43: {  	_ =	shalt  }
0x44: {  	_ =	shalt  }
0x45: {  	_ =	shalt  }
0x46: {  	_ =	shalt  }
0x47: {  	_ =	shalt  }
0x48: {  	_ =	shalt  }
0x49: {  	_ =	shalt  }
0x4a: {  	_ =	shalt  }
0x4b: {  	_ =	shalt  }
0x4c: {  	_ =	shalt  }
0x4d: {  	_ =	shalt  }
0x4e: {  	_ =	shalt  }
0x4f: {  	_ =	shalt  }
0x50: {  	_ =	shalt  }
0x51: {  	_ =	shalt  }
0x52: {  	_ =	shalt  }
0x53: {  	_ =	shalt  }
0x54: {  	_ =	shalt  }
0x55: {  	_ =	shalt  }
0x56: {  	_ =	shalt  }
0x57: {  	_ =	shalt  }
0x58: {  	_ =	shalt  }
0x59: {  	_ =	shalt  }
0x5a: {  	_ =	shalt  }
0x5b: {  	_ =	shalt  }
0x5c: {  	_ =	shalt  }
0x5d: {  	_ =	shalt  }
0x5e: {  	_ =	shalt  }
0x5f: {  	_ =	shalt  }
0x60: {  	_ =	shalt  }
0x61: {  	_ =	shalt  }
0x62: {  	_ =	shalt  }
0x63: {  	_ =	shalt  }
0x64: {  	_ =	shalt  }
0x65: {  	_ =	shalt  }
0x66: {  	_ =	shalt  }
0x67: {  	_ =	shalt  }
0x68: {  	_ =	shalt  }
0x69: {  	_ =	shalt  }
0x6a: {  	_ =	shalt  }
0x6b: {  	_ =	shalt  }
0x6c: {  	_ =	shalt  }
0x6d: {  	_ =	shalt  }
0x6e: {  	_ =	shalt  }
0x6f: {  	_ =	shalt  }
0x70: {  	_ =	shalt  }
0x71: {  	_ =	shalt  }
0x72: {  	_ =	shalt  }
0x73: {  	_ =	shalt  }
0x74: {  	_ =	shalt  }
0x75: {  	_ =	shalt  }
0x76: {  	_ =	shalt  }
0x77: {  	_ =	shalt  }
0x78: {  	_ =	shalt  }
0x79: {  	_ =	shalt  }
0x7a: {  	_ =	shalt  }
0x7b: {  	_ =	shalt  }
0x7c: {  	_ =	shalt  }
0x7d: {  	_ =	shalt  }
0x7e: {  	_ =	shalt  }
0x7f: {  	_ =	shalt  }
0x80: {  	_ =	shalt  }
0x81: {  	_ =	shalt  }
0x82: {  	_ =	shalt  }
0x83: {  	_ =	shalt  }
0x84: {  	_ =	shalt  }
0x85: {  	_ =	shalt  }
0x86: {  	_ =	shalt  }
0x87: {  	_ =	shalt  }
.Lfunc_end0:
.L_simem_size_0:
called_computation_lowered:
.L_overlay_start_0:
0x88: {  	s2 =	sld [smem:$0x3FD9]  }
0x89: {  	s3 =	sld [smem:$0x3FFE];
	_ =	sdelay $0x1  }
0x8a: {  	s1 =	srdreg.scid  }
0x8b: {  	s0 =	sand.u32 $0x1, s1  }
0x8c: {  	s17 =	sshll.u32 s0, $0xA;
	s2 =	sadd.s32 s3, s2  }
0x8d: {  	s2 =	sadd.s32 s2, s17  }
0x8e: {  	[smem:$0x3FC6] =	sst s2  }
0x8f: {  	_ = 	snop  }
0x90: {  	s2 =	sld [smem:$0x3FC9];
	(tm) =	ssettm $0x1  }
0x91: {  	s18 =	sld [smem:$0x3FFB];
	_ =	sdelay $0x3  }
0x92: {  	_ =	strace s18  }
0x93: {  	s3 =	sld [smem:$0x3FFC];
	_ =	sdelay $0x3  }
0x94: {  	_ =	strace s3  }
0x95: {  	s3 =	sld [smem:$0x3FFD];
	_ =	sdelay $0x3  }
0x96: {  	_ =	strace s3  }
0x97: {  	_ =	strace $0x8FFFFFFF  }
0x98: {  	s19 =	sld [smem:$0x3FDB];
	_ =	sdelay $0x1  }
0x99: {  	s4 =	simm.s32 $_scs_section_size  }
0x9a: {  	s5 =	simm.s32 $_size__tile_overlayer_lowered;
	s6 =	simm.s32 $_tile_overlayer_lowered  }
0x9b: {  	s22 =	simm.s32 $0x1BFF;
	s21 =	sshll.u32 s6, $0x1;
	s3 =	sadd.s32 s4, s19  }
0x9c: {  	s7 =	simm.s32 $0x0;
	s20 =	sshll.u32 s5, $0x1;
	s5 =	sadd.s32 s21, s3  }
0x9d: {  	[timem:s7], [sflag:s22] =	dma.local [hbm:s5], s20  }
0x9e: {  	_ =	swait.ge [sflag:s22], s20  }
0x9f: {  	s4 =	ssub.s32 $0x0, s20;
	[sflag:s22] =	ssyncset.done $0x0  }
0xa0: {  	[sflag:s22] =	ssyncadd.s32 s4;
	_ =	sdelay $0x1  }
0xa1: {  	s23 =	simm.s32 $0x1B8B  }
0xa2: {  	_ =	swait.ge [sflag:s23], $0x1  }
0xa3: {  	[sflag:s23] =	ssyncset.done $0x0  }
0xa4: {  	s25 =	simm.s32 $0x1B8E;
	s24 =	sld [smem:$0x3FFE];
	[sflag:s23] =	ssyncadd.s32 $0xFFFFFFFF  }
0xa5: {  	s26 =	simm.s32 $execute0_lowered;
	[smem:$0x3FD2] =	sst s25  }
0xa6: {  	s5 =	sshll.u32 s26, $0x1;
	_ =	strace $0x80000046;
	[dreg:$0x1] =	wrdreg $0xFFFFFFFF  }
0xa7: {  	s28 =	simm.s32 $_size_execute0_lowered;
	s3 =	sadd.s32 s3, s5;
	[dreg:$0x0] =	wrdreg $0x0  }
0xa8: {  	s5 =	sshll.u32 s28, $0x1;
	[dreg:$0x2] =	wrdreg s3  }
0xa9: {  	[dreg:$0x3] =	wrdreg s5  }
0xaa: {  	[dreg:$0x4] =	wrdreg $0xC0  }
0xab: {  	_ =	task [dreg:s7], $0x5FFFF  }
0xac: {  	[dreg:$0x1] =	wrdreg $0xFFFFFFFF  }
0xad: {  	[dreg:$0x0] =	wrdreg $0x60  }
0xae: {  	[dreg:$0x2] =	wrdreg s2  }
0xaf: {  	[dreg:$0x3] =	wrdreg s24  }
0xb0: {  	[dreg:$0x4] =	wrdreg $0x9  }
0xb1: {  	_ =	task.clear_ibuf [dreg:s7], $0x5FFFF;
	_ =	strace $0x90000046  }
0xb2: {  	s29 =	simm.s32 $0x9;
	_ =	strace $0x80000048  }
0xb3: {  	_ =	swait.ge [sflag:s29], $0x1  }
0xb4: {  	[sflag:s29] =	ssyncadd.s32 $0xFFFFFFFF  }
0xb5: {  	_ =	strace $0x90000048  }
0xb6: {  	_ =	sfence  }
0xb7: {  	s30 =	sld [smem:$0x0];
	_ =	sdelay $0x2  }
0xb8: {  	s31 =	sshll.u32 s1, $0xD;
	s1 =	sshrl.u32 s1, $0x2  }
0xb9: {  	s3 =	sand.u32 $0x4000, s31;
	s1 =	sadd.s32 s1, s30  }
0xba: {  	s0 =	sor.u32 s3, s0;
	s1 =	sshll.u32 s1, $0x11  }
0xbb: {  	s0 =	sor.u32 s1, s0  }
0xbc: {  	s0 =	sadd.s32 $0x8F2B, s0  }
0xbd: {  	[sflag:s0] =	ssyncadd.remote.s32 $0x1  }
0xbe: {  	_ =	sfence.sel $0xFFFF  }
0xbf: {  	[dreg:$0x0] =	wrdreg $0xFFFFFFFF;
	(pc) =	sbr.abs _section_cstart, $3  }
0xc0: {  	[dreg:$0x1] =	wrdreg $0xFFFFFFFF  }
0xc1: {  	_ =	task.clear_ibuf [dreg:s7], $0x2FFFF;
	_ =	strace $0x9FFFFFFF  }
0xc2: {  	(tm) =	ssettm $0x7FFFFFFF  }
0xc3: {  	_ =	shalt  }
tec
execute0_lowered:
.L_overlay_start_1:
0x0: {  	(tag) =	ssettag $0x1  }
0x1: {  	s0 =	rddreg [dreg:$0x0]  }
0x2: {  	s1 =	rddreg [dreg:$0x1]  }
0x3: {  	s2 =	srdreg.scid;
	s3 =	stileid.u32;
	s4 =	simm.s32 $0x0  }
0x4: {  	s8 =	simm.s32 $0xB;
	s9 =	simm.s32 $0x80;
	s13 =	simm.s32 $0x8400  }
0x5: {  	s16 =	simm.s32 $0x200;
	s20 =	simm.s32 $0xC400;
	s21 =	simm.s32 $0x1  }
0x6: {  	s22 =	simm.s32 $0xE400;
	s23 =	simm.s32 $0xD400;
	s24 =	simm.s32 $0x2  }
0x7: {  	v0 =	vlaneseq.u32;
	s25 =	simm.s32 $0x3;
	s28 =	simm.s32 $0x4000;
	s29 =	simm.s32 $0x5  }
0x8: {  	v1 =	vimm.s32 $0x0;
	vm0 =	vcmask $0x300;
	s30 =	simm.s32 $0xA;
	s31 =	simm.s32 $0x12400;
	s10 =	simm.s32 $0x9;
	v0 =	vmul.u32 $0x200, v0  }
0x9: {  	s11 =	simm.s32 $0x0;
	s2 =	sand.u32 $0x1, s2;
	s3 =	sshll.u32 s3, $0x1;
	v1 =	vsel vm0, $0x3, v1  }
0xa: {  	[smem:$0x7FF] =	sst s4;
	s5 =	ssub.s32 $0x2, s2;
	s2 =	sor.u32 s2, s3;
	v2 =	vor.u32 $0x2000, v0;
	v3 =	vor.u32 $0x1, v0;
	v4 =	vor.u32 $0x2001, v0  }
0xb: {  	s4 =	sadd.s32 $0x400, s1;
	_ =	strace $0x80000047;
	s7 =	smul.u32 $0xC80, s2;
	v5 =	vor.u32 $0x2, v0;
	v6 =	vor.u32 $0x2002, v0;
	v7 =	vor.u32 $0x3, v0  }
0xc: {  	s3 =	sadd.s32 $0xF42800, s1;
	s1 =	simm.s32 $0x8;
	s6 =	sshrl.u32 s5, $0x1;
	v8 =	vor.u32 $0x2003, v0;
	v9 =	vor.u32 $0x4, v0;
	v10 =	vor.u32 $0x2004, v0  }
0xd: {  	v11 =	vor.u32 $0x5, v0;
	v12 =	vor.u32 $0x2005, v0;
	v13 =	vor.u32 $0x6, v0;
	s26 =	ssub.s32 s5, s6;
	s5 =	smul.u32 $0xC8, s2;
	s6 =	sadd.s32 s0, s7  }
0xe: {  	v14 =	vor.u32 $0x2006, v0;
	v15 =	vor.u32 $0x7, v0;
	v16 =	vor.u32 $0x2007, v0;
	s7 =	smax.u32 s26, $0x1;
	s26 =	simm.s32 $0x4;
	s0 =	simm.s32 $0x6  }
.LBB2_1:
0xf: {  	s2 =	simm.s32 $0x0  }
0x10: {  	[tilespmem:s2], [sflag:$0xB] =	stream.linear.gather [hbm4b:s6+s2], $0x6400, $0x38;
	[tilespmem:$0x16400] =	vst v63  }
0x11: {  	_ =	swait.ge [sflag:s8], $0x6400  }
0x12: {  	[sflag:s8] =	ssyncset.done $0x0  }
0x13: {  	s12 =	simm.s32 $0x6400;
	[sflag:s8] =	ssyncadd.s32 $0xFFFF9C00  }
0x14: {  	[tilespmem:s12], [sflag:$0x1] =	stream.indirect.gather [hbm4b:s3+s9], $0x20, s2, s9, $0xb8;
	[tilespmem:$0x16400] =	vst v63  }
0x15: {  	s19 =	simm.s32 $0x7400  }
0x16: {  	[tilespmem:s19], [sflag:$0x2] =	stream.indirect.gather [hbm4b:s3+s9], $0x20, s9, s9, $0xb8;
	[tilespmem:$0x16400] =	vst v63  }
0x17: {  	s12 =	simm.s32 $0x100  }
0x18: {  	[tilespmem:s13], [sflag:$0x3] =	stream.indirect.gather [hbm4b:s3+s9], $0x20, s12, s9, $0xb8;
	[tilespmem:$0x16400] =	vst v63  }
0x19: {  	s14 =	simm.s32 $0x180;
	s15 =	simm.s32 $0x9400  }
0x1a: {  	[tilespmem:s15], [sflag:$0x4] =	stream.indirect.gather [hbm4b:s3+s9], $0x20, s14, s9, $0xb8;
	[tilespmem:$0x16400] =	vst v63  }
0x1b: {  	s17 =	simm.s32 $0xA400  }
0x1c: {  	[tilespmem:s17], [sflag:$0x5] =	stream.indirect.gather [hbm4b:s3+s9], $0x20, s16, s9, $0xb8;
	[tilespmem:$0x16400] =	vst v63  }
0x1d: {  	s18 =	simm.s32 $0x280;
	s19 =	simm.s32 $0xB400;
	s12 =	simm.s32 $0x0  }
0x1e: {  	[tilespmem:s19], [sflag:$0x6] =	stream.indirect.gather [hbm4b:s3+s9], $0x20, s18, s9, $0xb8;
	[tilespmem:$0x16400] =	vst v63  }
.LBB2_2:
0x1f: {  	s2 =	sshll.u32 s12, $0xA  }
0x20: {  	s15 =	sand.u32 $0x3FFFFC00, s2  }
0x21: {  	s2 =	sor.u32 $0x300, s15  }
0x22: {  	[tilespmem:s20], [sflag:$0x7] =	stream.indirect.gather [hbm4b:s3+s9], $0x20, s2, s9, $0xb8;
	[tilespmem:$0x16400] =	vst v63  }
0x23: {  	s18 =	simm.s32 $0x0;
	_ =	swait.ge [sflag:s21], $0x1000  }
0x24: {  	p1 =	seq.s32 s12, $0x0;
	v17 =	vmov s18;
	[sflag:s21] =	ssyncset.done $0x0  }
0x25: {  	v17 =	vshrl.u32 v17, $0x3;
	s2 =	simm.s32 @!p1 $0x9;
	[sflag:s21] =	ssyncadd.s32 $0xFFFFF000  }
0x26: {  	v17 =	vshll.u32 v17, v1;
	_ =	swait.ge @!p1 [sflag:s2], $0x4000  }
0x27: {  	v17 =	vbroadcast v17, $0x0;
	[sflag:s2] =	ssyncset.done @!p1 $0x0  }
0x28: {  	s17 =	simm.s32 $0x6480;
	[sflag:s2] =	ssyncadd.s32 @!p1 $0xFFFFC000  }
0x29: {  	v19 =	vor.u32 v0, v17;
	v18 =	vld [tilespmem:s17+$0xFFFFFF80];
	_ =	sdelay $0x4  }
0x2a: {  	[tilespmem:v19+s22+$0x0] =	vst.idx.msk $0xffff, v18  }
0x2b: {  	s19 =	simm.s32 $0x1;
	v17 =	vor.u32 v2, v17;
	v18 =	vld [tilespmem:s17+$0xFFFFFF90]  }
0x2c: {  	v19 =	vmov s19  }
0x2d: {  	v19 =	vshrl.u32 v19, $0x3  }
0x2e: {  	v19 =	vshll.u32 v19, v1  }
0x2f: {  	v19 =	vbroadcast v19, $0x0  }
0x30: {  	[tilespmem:v17+s22+$0x0] =	vst.idx.msk $0xffff, v18  }
0x31: {  	v18 =	vadd.s32 v3, v19;
	v17 =	vld [tilespmem:s17+$0xFFFFFFA0];
	_ =	sdelay $0x4  }
0x32: {  	[tilespmem:v18+s22+$0x0] =	vst.idx.msk $0xffff, v17  }
0x33: {  	s14 =	simm.s32 $0x2;
	v18 =	vadd.s32 v4, v19;
	v17 =	vld [tilespmem:s17+$0xFFFFFFB0]  }
0x34: {  	v19 =	vmov s14  }
0x35: {  	v19 =	vshrl.u32 v19, $0x3  }
0x36: {  	v19 =	vshll.u32 v19, v1  }
0x37: {  	v19 =	vbroadcast v19, $0x0  }
0x38: {  	[tilespmem:v18+s22+$0x0] =	vst.idx.msk $0xffff, v17  }
0x39: {  	v18 =	vadd.s32 v5, v19;
	v17 =	vld [tilespmem:s17+$0xFFFFFFC0];
	_ =	sdelay $0x4  }
0x3a: {  	[tilespmem:v18+s22+$0x0] =	vst.idx.msk $0xffff, v17  }
0x3b: {  	s18 =	simm.s32 $0x3;
	v18 =	vadd.s32 v6, v19;
	v17 =	vld [tilespmem:s17+$0xFFFFFFD0]  }
0x3c: {  	v19 =	vmov s18  }
0x3d: {  	v19 =	vshrl.u32 v19, $0x3  }
0x3e: {  	v19 =	vshll.u32 v19, v1  }
0x3f: {  	v19 =	vbroadcast v19, $0x0  }
0x40: {  	[tilespmem:v18+s22+$0x0] =	vst.idx.msk $0xffff, v17  }
0x41: {  	v18 =	vadd.s32 v7, v19;
	v17 =	vld [tilespmem:s17+$0xFFFFFFE0];
	_ =	sdelay $0x4  }
0x42: {  	[tilespmem:v18+s22+$0x0] =	vst.idx.msk $0xffff, v17  }
0x43: {  	s19 =	simm.s32 $0x4;
	v18 =	vadd.s32 v8, v19;
	v17 =	vld [tilespmem:s17+$0xFFFFFFF0]  }
0x44: {  	v19 =	vmov s19  }
0x45: {  	v19 =	vshrl.u32 v19, $0x3  }
0x46: {  	v19 =	vshll.u32 v19, v1  }
0x47: {  	v19 =	vbroadcast v19, $0x0  }
0x48: {  	[tilespmem:v18+s22+$0x0] =	vst.idx.msk $0xffff, v17  }
0x49: {  	v18 =	vadd.s32 v9, v19;
	v17 =	vld [tilespmem:s17+$0x0];
	_ =	sdelay $0x4  }
0x4a: {  	[tilespmem:v18+s22+$0x0] =	vst.idx.msk $0xffff, v17  }
0x4b: {  	s14 =	simm.s32 $0x5;
	v18 =	vadd.s32 v10, v19;
	v17 =	vld [tilespmem:s17+$0x10]  }
0x4c: {  	v19 =	vmov s14  }
0x4d: {  	v19 =	vshrl.u32 v19, $0x3  }
0x4e: {  	v19 =	vshll.u32 v19, v1  }
0x4f: {  	v19 =	vbroadcast v19, $0x0  }
0x50: {  	[tilespmem:v18+s22+$0x0] =	vst.idx.msk $0xffff, v17  }
0x51: {  	v18 =	vadd.s32 v11, v19;
	v17 =	vld [tilespmem:s17+$0x20];
	_ =	sdelay $0x4  }
0x52: {  	[tilespmem:v18+s22+$0x0] =	vst.idx.msk $0xffff, v17  }
0x53: {  	s18 =	simm.s32 $0x6;
	v18 =	vadd.s32 v12, v19;
	v17 =	vld [tilespmem:s17+$0x30]  }
0x54: {  	v19 =	vmov s18  }
0x55: {  	v19 =	vshrl.u32 v19, $0x3  }
0x56: {  	v19 =	vshll.u32 v19, v1  }
0x57: {  	v19 =	vbroadcast v19, $0x0  }
0x58: {  	[tilespmem:v18+s22+$0x0] =	vst.idx.msk $0xffff, v17  }
0x59: {  	v18 =	vadd.s32 v13, v19;
	v17 =	vld [tilespmem:s17+$0x40];
	_ =	sdelay $0x4  }
0x5a: {  	[tilespmem:v18+s22+$0x0] =	vst.idx.msk $0xffff, v17  }
0x5b: {  	s19 =	simm.s32 $0x7;
	v18 =	vadd.s32 v14, v19;
	v17 =	vld [tilespmem:s17+$0x50]  }
0x5c: {  	v19 =	vmov s19  }
0x5d: {  	v19 =	vshrl.u32 v19, $0x3  }
0x5e: {  	v19 =	vshll.u32 v19, v1  }
0x5f: {  	v19 =	vbroadcast v19, $0x0  }
0x60: {  	[tilespmem:v18+s22+$0x0] =	vst.idx.msk $0xffff, v17  }
0x61: {  	v18 =	vadd.s32 v15, v19;
	v17 =	vld [tilespmem:s17+$0x60];
	_ =	sdelay $0x4  }
0x62: {  	s2 =	simm.s32 $0x8;
	[tilespmem:v18+s22+$0x0] =	vst.idx.msk $0xffff, v17  }
0x63: {  	s14 =	sshll.u32 s12, $0x3;
	s18 =	simm.s32 $0xF;
	s19 =	simm.s32 $0x17;
	v18 =	vadd.s32 v16, v19;
	v17 =	vld [tilespmem:s17+$0x70]  }
.LBB2_3:
0x64: {  	p0 =	sne.s32 s19, $0x7F;
	v19 =	vmov s2  }
0x65: {  	v19 =	vshrl.u32 v19, $0x3  }
0x66: {  	v19 =	vshll.u32 v19, v1  }
0x67: {  	v19 =	vbroadcast v19, $0x0  }
0x68: {  	s17 =	sadd.s32 $0x100, s17;
	[tilespmem:v18+s22+$0x0] =	vst.idx.msk $0xffff, v17  }
0x69: {  	v17 =	vld [tilespmem:s17+$0xFFFFFF80];
	v18 =	vor.u32 v0, v19;
	_ =	sdelay $0x4  }
0x6a: {  	[tilespmem:v18+s22+$0x0] =	vst.idx.msk $0xffff, v17  }
0x6b: {  	s2 =	sadd.s32 $0xFFFFFFFA, s18;
	v18 =	vor.u32 v2, v19;
	v17 =	vld [tilespmem:s17+$0xFFFFFF90]  }
0x6c: {  	v19 =	vmov s2  }
0x6d: {  	v19 =	vshrl.u32 v19, $0x3  }
0x6e: {  	v19 =	vshll.u32 v19, v1  }
0x6f: {  	v19 =	vbroadcast v19, $0x0  }
0x70: {  	[tilespmem:v18+s22+$0x0] =	vst.idx.msk $0xffff, v17  }
0x71: {  	v18 =	vadd.s32 v3, v19;
	v17 =	vld [tilespmem:s17+$0xFFFFFFA0];
	_ =	sdelay $0x4  }
0x72: {  	[tilespmem:v18+s22+$0x0] =	vst.idx.msk $0xffff, v17  }
0x73: {  	s2 =	sadd.s32 $0xFFFFFFFB, s18;
	v18 =	vadd.s32 v4, v19;
	v17 =	vld [tilespmem:s17+$0xFFFFFFB0]  }
0x74: {  	v19 =	vmov s2  }
0x75: {  	v19 =	vshrl.u32 v19, $0x3  }
0x76: {  	v19 =	vshll.u32 v19, v1  }
0x77: {  	v19 =	vbroadcast v19, $0x0  }
0x78: {  	[tilespmem:v18+s22+$0x0] =	vst.idx.msk $0xffff, v17  }
0x79: {  	v18 =	vadd.s32 v5, v19;
	v17 =	vld [tilespmem:s17+$0xFFFFFFC0];
	_ =	sdelay $0x4  }
0x7a: {  	[tilespmem:v18+s22+$0x0] =	vst.idx.msk $0xffff, v17  }
0x7b: {  	s2 =	sadd.s32 $0xFFFFFFFC, s18;
	v18 =	vadd.s32 v6, v19;
	v17 =	vld [tilespmem:s17+$0xFFFFFFD0]  }
0x7c: {  	v19 =	vmov s2  }
0x7d: {  	v19 =	vshrl.u32 v19, $0x3  }
0x7e: {  	v19 =	vshll.u32 v19, v1  }
0x7f: {  	v19 =	vbroadcast v19, $0x0  }
0x80: {  	[tilespmem:v18+s22+$0x0] =	vst.idx.msk $0xffff, v17  }
0x81: {  	v18 =	vadd.s32 v7, v19;
	v17 =	vld [tilespmem:s17+$0xFFFFFFE0];
	_ =	sdelay $0x4  }
0x82: {  	[tilespmem:v18+s22+$0x0] =	vst.idx.msk $0xffff, v17  }
0x83: {  	s2 =	sadd.s32 $0xFFFFFFFD, s18;
	v18 =	vadd.s32 v8, v19;
	v17 =	vld [tilespmem:s17+$0xFFFFFFF0]  }
0x84: {  	v19 =	vmov s2  }
0x85: {  	v19 =	vshrl.u32 v19, $0x3  }
0x86: {  	v19 =	vshll.u32 v19, v1  }
0x87: {  	v19 =	vbroadcast v19, $0x0  }
0x88: {  	[tilespmem:v18+s22+$0x0] =	vst.idx.msk $0xffff, v17  }
0x89: {  	v18 =	vadd.s32 v9, v19;
	v17 =	vld [tilespmem:s17+$0x0];
	_ =	sdelay $0x4  }
0x8a: {  	[tilespmem:v18+s22+$0x0] =	vst.idx.msk $0xffff, v17  }
0x8b: {  	s2 =	sadd.s32 $0xFFFFFFFE, s18;
	v18 =	vadd.s32 v10, v19;
	v17 =	vld [tilespmem:s17+$0x10]  }
0x8c: {  	v19 =	vmov s2  }
0x8d: {  	v19 =	vshrl.u32 v19, $0x3  }
0x8e: {  	v19 =	vshll.u32 v19, v1  }
0x8f: {  	v19 =	vbroadcast v19, $0x0  }
0x90: {  	[tilespmem:v18+s22+$0x0] =	vst.idx.msk $0xffff, v17  }
0x91: {  	v18 =	vadd.s32 v11, v19;
	v17 =	vld [tilespmem:s17+$0x20];
	_ =	sdelay $0x4  }
0x92: {  	[tilespmem:v18+s22+$0x0] =	vst.idx.msk $0xffff, v17  }
0x93: {  	s2 =	sadd.s32 $0xFFFFFFFF, s18;
	v18 =	vadd.s32 v12, v19;
	v17 =	vld [tilespmem:s17+$0x30]  }
0x94: {  	v19 =	vmov s2  }
0x95: {  	v19 =	vshrl.u32 v19, $0x3  }
0x96: {  	v19 =	vshll.u32 v19, v1  }
0x97: {  	v19 =	vbroadcast v19, $0x0  }
0x98: {  	[tilespmem:v18+s22+$0x0] =	vst.idx.msk $0xffff, v17  }
0x99: {  	v18 =	vadd.s32 v13, v19;
	v17 =	vld [tilespmem:s17+$0x40];
	_ =	sdelay $0x4  }
0x9a: {  	[tilespmem:v18+s22+$0x0] =	vst.idx.msk $0xffff, v17  }
0x9b: {  	v18 =	vadd.s32 v14, v19;
	v17 =	vld [tilespmem:s17+$0x50]  }
0x9c: {  	v19 =	vmov s18;
	s18 =	smov.u32 s19  }
0x9d: {  	v19 =	vshrl.u32 v19, $0x3  }
0x9e: {  	v19 =	vshll.u32 v19, v1  }
0x9f: {  	v19 =	vbroadcast v19, $0x0  }
0xa0: {  	[tilespmem:v18+s22+$0x0] =	vst.idx.msk $0xffff, v17  }
0xa1: {  	v18 =	vadd.s32 v15, v19;
	v17 =	vld [tilespmem:s17+$0x60];
	_ =	sdelay $0x1  }
.Ltmp0:
0xa2: {  	(pc) =	sbr.rel @p0 .LBB2_3-.Ltmp0, $3  }
0xa3: {  	_ =	sdelay $0x1  }
0xa4: {  	[tilespmem:v18+s22+$0x0] =	vst.idx.msk $0xffff, v17  }
0xa5: {  	s19 =	sadd.s32 $0x8, s19;
	s2 =	sadd.s32 $0xFFFFFFF9, s18;
	v18 =	vadd.s32 v16, v19;
	v17 =	vld [tilespmem:s17+$0x70]  }
0xa6: {  	v19 =	vmov s2  }
0xa7: {  	v19 =	vshrl.u32 v19, $0x3  }
0xa8: {  	v19 =	vshll.u32 v19, v1  }
0xa9: {  	v19 =	vbroadcast v19, $0x0  }
0xaa: {  	s17 =	sadd.s32 $0x100, s17;
	[tilespmem:v18+s22+$0x0] =	vst.idx.msk $0xffff, v17  }
0xab: {  	v17 =	vld [tilespmem:s17+$0xFFFFFF80];
	v18 =	vor.u32 v0, v19;
	_ =	sdelay $0x4  }
0xac: {  	[tilespmem:v18+s22+$0x0] =	vst.idx.msk $0xffff, v17  }
0xad: {  	s19 =	sadd.s32 $0xFFFFFFFA, s18;
	v18 =	vor.u32 v2, v19;
	v17 =	vld [tilespmem:s17+$0xFFFFFF90]  }
0xae: {  	v19 =	vmov s19  }
0xaf: {  	v19 =	vshrl.u32 v19, $0x3  }
0xb0: {  	v19 =	vshll.u32 v19, v1  }
0xb1: {  	v19 =	vbroadcast v19, $0x0  }
0xb2: {  	[tilespmem:v18+s22+$0x0] =	vst.idx.msk $0xffff, v17  }
0xb3: {  	v18 =	vadd.s32 v3, v19;
	v17 =	vld [tilespmem:s17+$0xFFFFFFA0];
	_ =	sdelay $0x4  }
0xb4: {  	[tilespmem:v18+s22+$0x0] =	vst.idx.msk $0xffff, v17  }
0xb5: {  	s19 =	sadd.s32 $0xFFFFFFFB, s18;
	v18 =	vadd.s32 v4, v19;
	v17 =	vld [tilespmem:s17+$0xFFFFFFB0]  }
0xb6: {  	v19 =	vmov s19  }
0xb7: {  	v19 =	vshrl.u32 v19, $0x3  }
0xb8: {  	v19 =	vshll.u32 v19, v1  }
0xb9: {  	v19 =	vbroadcast v19, $0x0  }
0xba: {  	[tilespmem:v18+s22+$0x0] =	vst.idx.msk $0xffff, v17  }
0xbb: {  	v18 =	vadd.s32 v5, v19;
	v17 =	vld [tilespmem:s17+$0xFFFFFFC0];
	_ =	sdelay $0x4  }
0xbc: {  	[tilespmem:v18+s22+$0x0] =	vst.idx.msk $0xffff, v17  }
0xbd: {  	s19 =	sadd.s32 $0xFFFFFFFC, s18;
	v18 =	vadd.s32 v6, v19;
	v17 =	vld [tilespmem:s17+$0xFFFFFFD0]  }
0xbe: {  	v19 =	vmov s19  }
0xbf: {  	v19 =	vshrl.u32 v19, $0x3  }
0xc0: {  	v19 =	vshll.u32 v19, v1  }
0xc1: {  	v19 =	vbroadcast v19, $0x0  }
0xc2: {  	[tilespmem:v18+s22+$0x0] =	vst.idx.msk $0xffff, v17  }
0xc3: {  	v18 =	vadd.s32 v7, v19;
	v17 =	vld [tilespmem:s17+$0xFFFFFFE0];
	_ =	sdelay $0x4  }
0xc4: {  	[tilespmem:v18+s22+$0x0] =	vst.idx.msk $0xffff, v17  }
0xc5: {  	s19 =	sadd.s32 $0xFFFFFFFD, s18;
	v18 =	vadd.s32 v8, v19;
	v17 =	vld [tilespmem:s17+$0xFFFFFFF0]  }
0xc6: {  	v19 =	vmov s19  }
0xc7: {  	v19 =	vshrl.u32 v19, $0x3  }
0xc8: {  	v19 =	vshll.u32 v19, v1  }
0xc9: {  	v19 =	vbroadcast v19, $0x0  }
0xca: {  	[tilespmem:v18+s22+$0x0] =	vst.idx.msk $0xffff, v17  }
0xcb: {  	v18 =	vadd.s32 v9, v19;
	v17 =	vld [tilespmem:s17+$0x0];
	_ =	sdelay $0x4  }
0xcc: {  	[tilespmem:v18+s22+$0x0] =	vst.idx.msk $0xffff, v17  }
0xcd: {  	s19 =	sadd.s32 $0xFFFFFFFE, s18;
	v18 =	vadd.s32 v10, v19;
	v17 =	vld [tilespmem:s17+$0x10]  }
0xce: {  	v19 =	vmov s19  }
0xcf: {  	v19 =	vshrl.u32 v19, $0x3  }
0xd0: {  	v19 =	vshll.u32 v19, v1  }
0xd1: {  	v19 =	vbroadcast v19, $0x0  }
0xd2: {  	[tilespmem:v18+s22+$0x0] =	vst.idx.msk $0xffff, v17  }
0xd3: {  	v18 =	vadd.s32 v11, v19;
	v17 =	vld [tilespmem:s17+$0x20];
	_ =	sdelay $0x4  }
0xd4: {  	[tilespmem:v18+s22+$0x0] =	vst.idx.msk $0xffff, v17  }
0xd5: {  	s19 =	sadd.s32 $0xFFFFFFFF, s18;
	v18 =	vadd.s32 v12, v19;
	v17 =	vld [tilespmem:s17+$0x30]  }
0xd6: {  	v19 =	vmov s19  }
0xd7: {  	v19 =	vshrl.u32 v19, $0x3  }
0xd8: {  	v19 =	vshll.u32 v19, v1  }
0xd9: {  	v19 =	vbroadcast v19, $0x0  }
0xda: {  	[tilespmem:v18+s22+$0x0] =	vst.idx.msk $0xffff, v17  }
0xdb: {  	v18 =	vadd.s32 v13, v19;
	v17 =	vld [tilespmem:s17+$0x40];
	_ =	sdelay $0x4  }
0xdc: {  	[tilespmem:v18+s22+$0x0] =	vst.idx.msk $0xffff, v17  }
0xdd: {  	v18 =	vadd.s32 v14, v19;
	v17 =	vld [tilespmem:s17+$0x50]  }
0xde: {  	v19 =	vmov s18  }
0xdf: {  	v19 =	vshrl.u32 v19, $0x3  }
0xe0: {  	v19 =	vshll.u32 v19, v1  }
0xe1: {  	v19 =	vbroadcast v19, $0x0  }
0xe2: {  	[tilespmem:v18+s22+$0x0] =	vst.idx.msk $0xffff, v17  }
0xe3: {  	v18 =	vadd.s32 v15, v19;
	v17 =	vld [tilespmem:s17+$0x60];
	_ =	sdelay $0x4  }
0xe4: {  	[tilespmem:v18+s22+$0x0] =	vst.idx.msk $0xffff, v17  }
0xe5: {  	v18 =	vadd.s32 v16, v19;
	v17 =	vld [tilespmem:s17+$0x70];
	_ =	sdelay $0x2  }
0xe6: {  	s17 =	simm.s32 $0x0  }
0xe7: {  	v19 =	vmov s17  }
0xe8: {  	s18 =	sadd.s32 $0x380, s15;
	[tilespmem:v18+s22+$0x0] =	vst.idx.msk $0xffff, v17;
	v17 =	vadd.s32 $0x80, v19  }
0xe9: {  	[tilespmem:s23], [sflag:$0x8] =	stream.indirect.gather [hbm4b:s3+s9], $0x20, s18, s9, $0xb8;
	v17 =	vshrl.u32 v17, $0x3;
	[tilespmem:$0x16400] =	vst v63  }
0xea: {  	_ =	swait.ge [sflag:s24], $0x1000;
	v17 =	vshll.u32 v17, v1  }
0xeb: {  	[sflag:s24] =	ssyncset.done $0x0;
	v17 =	vbroadcast v17, $0x0  }
0xec: {  	s17 =	simm.s32 $0x7480;
	[sflag:s24] =	ssyncadd.s32 $0xFFFFF000  }
0xed: {  	v18 =	vld [tilespmem:s17+$0xFFFFFF80];
	v19 =	vadd.s32 v0, v17;
	_ =	sdelay $0x4  }
0xee: {  	s19 =	simm.s32 $0x1;
	[tilespmem:v19+s22+$0x0] =	vst.idx.msk $0xffff, v18  }
0xef: {  	v17 =	vadd.s32 v2, v17;
	v19 =	vmov s19;
	v18 =	vld [tilespmem:s17+$0xFFFFFF90]  }
0xf0: {  	v19 =	vadd.s32 $0x80, v19  }
0xf1: {  	v19 =	vshrl.u32 v19, $0x3  }
0xf2: {  	v19 =	vshll.u32 v19, v1  }
0xf3: {  	v19 =	vbroadcast v19, $0x0  }
0xf4: {  	[tilespmem:v17+s22+$0x0] =	vst.idx.msk $0xffff, v18  }
0xf5: {  	v18 =	vadd.s32 v3, v19;
	v17 =	vld [tilespmem:s17+$0xFFFFFFA0];
	_ =	sdelay $0x4  }
0xf6: {  	s18 =	simm.s32 $0x2;
	[tilespmem:v18+s22+$0x0] =	vst.idx.msk $0xffff, v17  }
0xf7: {  	v18 =	vadd.s32 v4, v19;
	v19 =	vmov s18;
	v17 =	vld [tilespmem:s17+$0xFFFFFFB0]  }
0xf8: {  	v19 =	vadd.s32 $0x80, v19  }
0xf9: {  	v19 =	vshrl.u32 v19, $0x3  }
0xfa: {  	v19 =	vshll.u32 v19, v1  }
0xfb: {  	v19 =	vbroadcast v19, $0x0  }
0xfc: {  	[tilespmem:v18+s22+$0x0] =	vst.idx.msk $0xffff, v17  }
0xfd: {  	v18 =	vadd.s32 v5, v19;
	v17 =	vld [tilespmem:s17+$0xFFFFFFC0];
	_ =	sdelay $0x4  }
0xfe: {  	s19 =	simm.s32 $0x3;
	[tilespmem:v18+s22+$0x0] =	vst.idx.msk $0xffff, v17  }
0xff: {  	v18 =	vadd.s32 v6, v19;
	v19 =	vmov s19;
	v17 =	vld [tilespmem:s17+$0xFFFFFFD0]  }
0x100: {  	v19 =	vadd.s32 $0x80, v19  }
0x101: {  	v19 =	vshrl.u32 v19, $0x3  }
0x102: {  	v19 =	vshll.u32 v19, v1  }
0x103: {  	v19 =	vbroadcast v19, $0x0  }
0x104: {  	[tilespmem:v18+s22+$0x0] =	vst.idx.msk $0xffff, v17  }
0x105: {  	v18 =	vadd.s32 v7, v19;
	v17 =	vld [tilespmem:s17+$0xFFFFFFE0];
	_ =	sdelay $0x4  }
0x106: {  	s18 =	simm.s32 $0x4;
	[tilespmem:v18+s22+$0x0] =	vst.idx.msk $0xffff, v17  }
0x107: {  	v18 =	vadd.s32 v8, v19;
	v19 =	vmov s18;
	v17 =	vld [tilespmem:s17+$0xFFFFFFF0]  }
0x108: {  	v19 =	vadd.s32 $0x80, v19  }
0x109: {  	v19 =	vshrl.u32 v19, $0x3  }
0x10a: {  	v19 =	vshll.u32 v19, v1  }
0x10b: {  	v19 =	vbroadcast v19, $0x0  }
0x10c: {  	[tilespmem:v18+s22+$0x0] =	vst.idx.msk $0xffff, v17  }
0x10d: {  	v18 =	vadd.s32 v9, v19;
	v17 =	vld [tilespmem:s17+$0x0];
	_ =	sdelay $0x4  }
0x10e: {  	s19 =	simm.s32 $0x5;
	[tilespmem:v18+s22+$0x0] =	vst.idx.msk $0xffff, v17  }
0x10f: {  	v18 =	vadd.s32 v10, v19;
	v19 =	vmov s19;
	v17 =	vld [tilespmem:s17+$0x10]  }
0x110: {  	v19 =	vadd.s32 $0x80, v19  }
0x111: {  	v19 =	vshrl.u32 v19, $0x3  }
0x112: {  	v19 =	vshll.u32 v19, v1  }
0x113: {  	v19 =	vbroadcast v19, $0x0  }
0x114: {  	[tilespmem:v18+s22+$0x0] =	vst.idx.msk $0xffff, v17  }
0x115: {  	v18 =	vadd.s32 v11, v19;
	v17 =	vld [tilespmem:s17+$0x20];
	_ =	sdelay $0x4  }
0x116: {  	s18 =	simm.s32 $0x6;
	[tilespmem:v18+s22+$0x0] =	vst.idx.msk $0xffff, v17  }
0x117: {  	v18 =	vadd.s32 v12, v19;
	v19 =	vmov s18;
	v17 =	vld [tilespmem:s17+$0x30]  }
0x118: {  	v19 =	vadd.s32 $0x80, v19  }
0x119: {  	v19 =	vshrl.u32 v19, $0x3  }
0x11a: {  	v19 =	vshll.u32 v19, v1  }
0x11b: {  	v19 =	vbroadcast v19, $0x0  }
0x11c: {  	[tilespmem:v18+s22+$0x0] =	vst.idx.msk $0xffff, v17  }
0x11d: {  	v18 =	vadd.s32 v13, v19;
	v17 =	vld [tilespmem:s17+$0x40];
	_ =	sdelay $0x4  }
0x11e: {  	s19 =	simm.s32 $0x7;
	[tilespmem:v18+s22+$0x0] =	vst.idx.msk $0xffff, v17  }
0x11f: {  	v19 =	vadd.s32 v14, v19;
	v17 =	vmov s19;
	v18 =	vld [tilespmem:s17+$0x50]  }
0x120: {  	v17 =	vadd.s32 $0x80, v17  }
0x121: {  	v17 =	vshrl.u32 v17, $0x3  }
0x122: {  	v17 =	vshll.u32 v17, v1  }
0x123: {  	v17 =	vbroadcast v17, $0x0  }
0x124: {  	[tilespmem:v19+s22+$0x0] =	vst.idx.msk $0xffff, v18  }
0x125: {  	v19 =	vadd.s32 v15, v17;
	v18 =	vld [tilespmem:s17+$0x60];
	_ =	sdelay $0x4  }
0x126: {  	s2 =	simm.s32 $0x8;
	s18 =	simm.s32 $0xF;
	s19 =	simm.s32 $0x17;
	[tilespmem:v19+s22+$0x0] =	vst.idx.msk $0xffff, v18  }
.LBB2_5:
0x127: {  	p0 =	sne.s32 s19, $0x7F;
	v18 =	vmov s2;
	v19 =	vld [tilespmem:s17+$0x70];
	v17 =	vadd.s32 v16, v17  }
0x128: {  	v18 =	vadd.s32 $0x80, v18  }
0x129: {  	v18 =	vshrl.u32 v18, $0x3  }
0x12a: {  	v18 =	vshll.u32 v18, v1  }
0x12b: {  	v18 =	vbroadcast v18, $0x0  }
0x12c: {  	s17 =	sadd.s32 $0x100, s17;
	[tilespmem:v17+s22+$0x0] =	vst.idx.msk $0xffff, v19  }
0x12d: {  	v17 =	vld [tilespmem:s17+$0xFFFFFF80];
	v19 =	vadd.s32 v0, v18;
	_ =	sdelay $0x4  }
0x12e: {  	s2 =	sadd.s32 $0xFFFFFFFA, s18;
	[tilespmem:v19+s22+$0x0] =	vst.idx.msk $0xffff, v17  }
0x12f: {  	v18 =	vadd.s32 v2, v18;
	v19 =	vmov s2;
	v17 =	vld [tilespmem:s17+$0xFFFFFF90]  }
0x130: {  	v19 =	vadd.s32 $0x80, v19  }
0x131: {  	v19 =	vshrl.u32 v19, $0x3  }
0x132: {  	v19 =	vshll.u32 v19, v1  }
0x133: {  	v19 =	vbroadcast v19, $0x0  }
0x134: {  	[tilespmem:v18+s22+$0x0] =	vst.idx.msk $0xffff, v17  }
0x135: {  	v18 =	vadd.s32 v3, v19;
	v17 =	vld [tilespmem:s17+$0xFFFFFFA0];
	_ =	sdelay $0x4  }
0x136: {  	s2 =	sadd.s32 $0xFFFFFFFB, s18;
	[tilespmem:v18+s22+$0x0] =	vst.idx.msk $0xffff, v17  }
0x137: {  	v18 =	vadd.s32 v4, v19;
	v19 =	vmov s2;
	v17 =	vld [tilespmem:s17+$0xFFFFFFB0]  }
0x138: {  	v19 =	vadd.s32 $0x80, v19  }
0x139: {  	v19 =	vshrl.u32 v19, $0x3  }
0x13a: {  	v19 =	vshll.u32 v19, v1  }
0x13b: {  	v19 =	vbroadcast v19, $0x0  }
0x13c: {  	[tilespmem:v18+s22+$0x0] =	vst.idx.msk $0xffff, v17  }
0x13d: {  	v18 =	vadd.s32 v5, v19;
	v17 =	vld [tilespmem:s17+$0xFFFFFFC0];
	_ =	sdelay $0x4  }
0x13e: {  	s2 =	sadd.s32 $0xFFFFFFFC, s18;
	[tilespmem:v18+s22+$0x0] =	vst.idx.msk $0xffff, v17  }
0x13f: {  	v18 =	vadd.s32 v6, v19;
	v19 =	vmov s2;
	v17 =	vld [tilespmem:s17+$0xFFFFFFD0]  }
0x140: {  	v19 =	vadd.s32 $0x80, v19  }
0x141: {  	v19 =	vshrl.u32 v19, $0x3  }
0x142: {  	v19 =	vshll.u32 v19, v1  }
0x143: {  	v19 =	vbroadcast v19, $0x0  }
0x144: {  	[tilespmem:v18+s22+$0x0] =	vst.idx.msk $0xffff, v17  }
0x145: {  	v18 =	vadd.s32 v7, v19;
	v17 =	vld [tilespmem:s17+$0xFFFFFFE0];
	_ =	sdelay $0x4  }
0x146: {  	s2 =	sadd.s32 $0xFFFFFFFD, s18;
	[tilespmem:v18+s22+$0x0] =	vst.idx.msk $0xffff, v17  }
0x147: {  	v18 =	vadd.s32 v8, v19;
	v19 =	vmov s2;
	v17 =	vld [tilespmem:s17+$0xFFFFFFF0]  }
0x148: {  	v19 =	vadd.s32 $0x80, v19  }
0x149: {  	v19 =	vshrl.u32 v19, $0x3  }
0x14a: {  	v19 =	vshll.u32 v19, v1  }
0x14b: {  	v19 =	vbroadcast v19, $0x0  }
0x14c: {  	[tilespmem:v18+s22+$0x0] =	vst.idx.msk $0xffff, v17  }
0x14d: {  	v18 =	vadd.s32 v9, v19;
	v17 =	vld [tilespmem:s17+$0x0];
	_ =	sdelay $0x4  }
0x14e: {  	s2 =	sadd.s32 $0xFFFFFFFE, s18;
	[tilespmem:v18+s22+$0x0] =	vst.idx.msk $0xffff, v17  }
0x14f: {  	v18 =	vadd.s32 v10, v19;
	v19 =	vmov s2;
	v17 =	vld [tilespmem:s17+$0x10]  }
0x150: {  	v19 =	vadd.s32 $0x80, v19  }
0x151: {  	v19 =	vshrl.u32 v19, $0x3  }
0x152: {  	v19 =	vshll.u32 v19, v1  }
0x153: {  	v19 =	vbroadcast v19, $0x0  }
0x154: {  	[tilespmem:v18+s22+$0x0] =	vst.idx.msk $0xffff, v17  }
0x155: {  	v18 =	vadd.s32 v11, v19;
	v17 =	vld [tilespmem:s17+$0x20];
	_ =	sdelay $0x4  }
0x156: {  	s2 =	sadd.s32 $0xFFFFFFFF, s18;
	[tilespmem:v18+s22+$0x0] =	vst.idx.msk $0xffff, v17  }
0x157: {  	v18 =	vadd.s32 v12, v19;
	v19 =	vmov s2;
	v17 =	vld [tilespmem:s17+$0x30]  }
0x158: {  	v19 =	vadd.s32 $0x80, v19  }
0x159: {  	v19 =	vshrl.u32 v19, $0x3  }
0x15a: {  	v19 =	vshll.u32 v19, v1  }
0x15b: {  	v19 =	vbroadcast v19, $0x0  }
0x15c: {  	[tilespmem:v18+s22+$0x0] =	vst.idx.msk $0xffff, v17  }
0x15d: {  	v18 =	vadd.s32 v13, v19;
	v17 =	vld [tilespmem:s17+$0x40];
	_ =	sdelay $0x4  }
0x15e: {  	[tilespmem:v18+s22+$0x0] =	vst.idx.msk $0xffff, v17  }
0x15f: {  	v19 =	vadd.s32 v14, v19;
	v17 =	vmov s18;
	s18 =	smov.u32 s19;
	v18 =	vld [tilespmem:s17+$0x50]  }
0x160: {  	v17 =	vadd.s32 $0x80, v17  }
0x161: {  	v17 =	vshrl.u32 v17, $0x3  }
0x162: {  	v17 =	vshll.u32 v17, v1  }
0x163: {  	v17 =	vbroadcast v17, $0x0  }
0x164: {  	[tilespmem:v19+s22+$0x0] =	vst.idx.msk $0xffff, v18  }
0x165: {  	v19 =	vadd.s32 v15, v17;
	v18 =	vld [tilespmem:s17+$0x60]  }
.Ltmp1:
0x166: {  	(pc) =	sbr.rel @p0 .LBB2_5-.Ltmp1, $2  }
0x167: {  	_ =	sdelay $0x2  }
0x168: {  	s19 =	sadd.s32 $0x8, s19;
	s2 =	sadd.s32 $0xFFFFFFF9, s18;
	[tilespmem:v19+s22+$0x0] =	vst.idx.msk $0xffff, v18  }
0x169: {  	v18 =	vmov s2;
	v19 =	vld [tilespmem:s17+$0x70];
	v17 =	vadd.s32 v16, v17  }
0x16a: {  	v18 =	vadd.s32 $0x80, v18  }
0x16b: {  	v18 =	vshrl.u32 v18, $0x3  }
0x16c: {  	v18 =	vshll.u32 v18, v1  }
0x16d: {  	v18 =	vbroadcast v18, $0x0  }
0x16e: {  	s17 =	sadd.s32 $0x100, s17;
	[tilespmem:v17+s22+$0x0] =	vst.idx.msk $0xffff, v19  }
0x16f: {  	v17 =	vld [tilespmem:s17+$0xFFFFFF80];
	v19 =	vadd.s32 v0, v18;
	_ =	sdelay $0x4  }
0x170: {  	s19 =	sadd.s32 $0xFFFFFFFA, s18;
	[tilespmem:v19+s22+$0x0] =	vst.idx.msk $0xffff, v17  }
0x171: {  	v18 =	vadd.s32 v2, v18;
	v19 =	vmov s19;
	v17 =	vld [tilespmem:s17+$0xFFFFFF90]  }
0x172: {  	v19 =	vadd.s32 $0x80, v19  }
0x173: {  	v19 =	vshrl.u32 v19, $0x3  }
0x174: {  	v19 =	vshll.u32 v19, v1  }
0x175: {  	v19 =	vbroadcast v19, $0x0  }
0x176: {  	[tilespmem:v18+s22+$0x0] =	vst.idx.msk $0xffff, v17  }
0x177: {  	v18 =	vadd.s32 v3, v19;
	v17 =	vld [tilespmem:s17+$0xFFFFFFA0];
	_ =	sdelay $0x4  }
0x178: {  	s19 =	sadd.s32 $0xFFFFFFFB, s18;
	[tilespmem:v18+s22+$0x0] =	vst.idx.msk $0xffff, v17  }
0x179: {  	v18 =	vadd.s32 v4, v19;
	v19 =	vmov s19;
	v17 =	vld [tilespmem:s17+$0xFFFFFFB0]  }
0x17a: {  	v19 =	vadd.s32 $0x80, v19  }
0x17b: {  	v19 =	vshrl.u32 v19, $0x3  }
0x17c: {  	v19 =	vshll.u32 v19, v1  }
0x17d: {  	v19 =	vbroadcast v19, $0x0  }
0x17e: {  	[tilespmem:v18+s22+$0x0] =	vst.idx.msk $0xffff, v17  }
0x17f: {  	v18 =	vadd.s32 v5, v19;
	v17 =	vld [tilespmem:s17+$0xFFFFFFC0];
	_ =	sdelay $0x4  }
0x180: {  	s19 =	sadd.s32 $0xFFFFFFFC, s18;
	[tilespmem:v18+s22+$0x0] =	vst.idx.msk $0xffff, v17  }
0x181: {  	v18 =	vadd.s32 v6, v19;
	v19 =	vmov s19;
	v17 =	vld [tilespmem:s17+$0xFFFFFFD0]  }
0x182: {  	v19 =	vadd.s32 $0x80, v19  }
0x183: {  	v19 =	vshrl.u32 v19, $0x3  }
0x184: {  	v19 =	vshll.u32 v19, v1  }
0x185: {  	v19 =	vbroadcast v19, $0x0  }
0x186: {  	[tilespmem:v18+s22+$0x0] =	vst.idx.msk $0xffff, v17  }
0x187: {  	v18 =	vadd.s32 v7, v19;
	v17 =	vld [tilespmem:s17+$0xFFFFFFE0];
	_ =	sdelay $0x4  }
0x188: {  	s19 =	sadd.s32 $0xFFFFFFFD, s18;
	[tilespmem:v18+s22+$0x0] =	vst.idx.msk $0xffff, v17  }
0x189: {  	v18 =	vadd.s32 v8, v19;
	v19 =	vmov s19;
	v17 =	vld [tilespmem:s17+$0xFFFFFFF0]  }
0x18a: {  	v19 =	vadd.s32 $0x80, v19  }
0x18b: {  	v19 =	vshrl.u32 v19, $0x3  }
0x18c: {  	v19 =	vshll.u32 v19, v1  }
0x18d: {  	v19 =	vbroadcast v19, $0x0  }
0x18e: {  	[tilespmem:v18+s22+$0x0] =	vst.idx.msk $0xffff, v17  }
0x18f: {  	v18 =	vadd.s32 v9, v19;
	v17 =	vld [tilespmem:s17+$0x0];
	_ =	sdelay $0x4  }
0x190: {  	s19 =	sadd.s32 $0xFFFFFFFE, s18;
	[tilespmem:v18+s22+$0x0] =	vst.idx.msk $0xffff, v17  }
0x191: {  	v18 =	vadd.s32 v10, v19;
	v19 =	vmov s19;
	v17 =	vld [tilespmem:s17+$0x10]  }
0x192: {  	v19 =	vadd.s32 $0x80, v19  }
0x193: {  	v19 =	vshrl.u32 v19, $0x3  }
0x194: {  	v19 =	vshll.u32 v19, v1  }
0x195: {  	v19 =	vbroadcast v19, $0x0  }
0x196: {  	[tilespmem:v18+s22+$0x0] =	vst.idx.msk $0xffff, v17  }
0x197: {  	v18 =	vadd.s32 v11, v19;
	v17 =	vld [tilespmem:s17+$0x20];
	_ =	sdelay $0x4  }
0x198: {  	s19 =	sadd.s32 $0xFFFFFFFF, s18;
	[tilespmem:v18+s22+$0x0] =	vst.idx.msk $0xffff, v17  }
0x199: {  	v18 =	vadd.s32 v12, v19;
	v19 =	vmov s19;
	v17 =	vld [tilespmem:s17+$0x30]  }
0x19a: {  	v19 =	vadd.s32 $0x80, v19  }
0x19b: {  	v19 =	vshrl.u32 v19, $0x3  }
0x19c: {  	v19 =	vshll.u32 v19, v1  }
0x19d: {  	v19 =	vbroadcast v19, $0x0  }
0x19e: {  	[tilespmem:v18+s22+$0x0] =	vst.idx.msk $0xffff, v17  }
0x19f: {  	v18 =	vadd.s32 v13, v19;
	v17 =	vld [tilespmem:s17+$0x40];
	_ =	sdelay $0x4  }
0x1a0: {  	[tilespmem:v18+s22+$0x0] =	vst.idx.msk $0xffff, v17  }
0x1a1: {  	v18 =	vadd.s32 v14, v19;
	v19 =	vmov s18;
	v17 =	vld [tilespmem:s17+$0x50]  }
0x1a2: {  	v19 =	vadd.s32 $0x80, v19  }
0x1a3: {  	v19 =	vshrl.u32 v19, $0x3  }
0x1a4: {  	v19 =	vshll.u32 v19, v1  }
0x1a5: {  	v19 =	vbroadcast v19, $0x0  }
0x1a6: {  	[tilespmem:v18+s22+$0x0] =	vst.idx.msk $0xffff, v17  }
0x1a7: {  	v18 =	vadd.s32 v15, v19;
	v17 =	vld [tilespmem:s17+$0x60];
	_ =	sdelay $0x4  }
0x1a8: {  	[tilespmem:v18+s22+$0x0] =	vst.idx.msk $0xffff, v17  }
0x1a9: {  	v18 =	vadd.s32 v16, v19;
	v17 =	vld [tilespmem:s17+$0x70];
	_ =	sdelay $0x2  }
0x1aa: {  	s18 =	simm.s32 $0x0  }
0x1ab: {  	p0 =	seq.s32 s12, $0x18;
	v19 =	vmov s18  }
0x1ac: {  	s2 =	sadd.s32 @!p0 $0x400, s15;
	s18 =	simm.s32 @!p0 $0x6400;
	s17 =	simm.s32 @!p0 $0x80;
	[tilespmem:v18+s22+$0x0] =	vst.idx.msk $0xffff, v17;
	v17 =	vadd.s32 $0x100, v19  }
0x1ad: {  	[tilespmem:s18], [sflag:$0x1] =	stream.indirect.gather @!p0 [hbm4b:s3+s17], $0x20, s2, s17, $0xb8;
	v17 =	vshrl.u32 v17, $0x3;
	[tilespmem:$0x16400] =	vst v63  }
0x1ae: {  	_ =	swait.ge [sflag:s25], $0x1000;
	v17 =	vshll.u32 v17, v1  }
0x1af: {  	[sflag:s25] =	ssyncset.done $0x0;
	v17 =	vbroadcast v17, $0x0  }
0x1b0: {  	s17 =	simm.s32 $0x8480;
	[sflag:s25] =	ssyncadd.s32 $0xFFFFF000  }
0x1b1: {  	v18 =	vld [tilespmem:s17+$0xFFFFFF80];
	v19 =	vadd.s32 v0, v17;
	_ =	sdelay $0x4  }
0x1b2: {  	s19 =	simm.s32 $0x1;
	[tilespmem:v19+s22+$0x0] =	vst.idx.msk $0xffff, v18  }
0x1b3: {  	v17 =	vadd.s32 v2, v17;
	v19 =	vmov s19;
	v18 =	vld [tilespmem:s17+$0xFFFFFF90]  }
0x1b4: {  	v19 =	vadd.s32 $0x100, v19  }
0x1b5: {  	v19 =	vshrl.u32 v19, $0x3  }
0x1b6: {  	v19 =	vshll.u32 v19, v1  }
0x1b7: {  	v19 =	vbroadcast v19, $0x0  }
0x1b8: {  	[tilespmem:v17+s22+$0x0] =	vst.idx.msk $0xffff, v18  }
0x1b9: {  	v18 =	vadd.s32 v3, v19;
	v17 =	vld [tilespmem:s17+$0xFFFFFFA0];
	_ =	sdelay $0x4  }
0x1ba: {  	s18 =	simm.s32 $0x2;
	[tilespmem:v18+s22+$0x0] =	vst.idx.msk $0xffff, v17  }
0x1bb: {  	v18 =	vadd.s32 v4, v19;
	v19 =	vmov s18;
	v17 =	vld [tilespmem:s17+$0xFFFFFFB0]  }
0x1bc: {  	v19 =	vadd.s32 $0x100, v19  }
0x1bd: {  	v19 =	vshrl.u32 v19, $0x3  }
0x1be: {  	v19 =	vshll.u32 v19, v1  }
0x1bf: {  	v19 =	vbroadcast v19, $0x0  }
0x1c0: {  	[tilespmem:v18+s22+$0x0] =	vst.idx.msk $0xffff, v17  }
0x1c1: {  	v18 =	vadd.s32 v5, v19;
	v17 =	vld [tilespmem:s17+$0xFFFFFFC0];
	_ =	sdelay $0x4  }
0x1c2: {  	s19 =	simm.s32 $0x3;
	[tilespmem:v18+s22+$0x0] =	vst.idx.msk $0xffff, v17  }
0x1c3: {  	v18 =	vadd.s32 v6, v19;
	v19 =	vmov s19;
	v17 =	vld [tilespmem:s17+$0xFFFFFFD0]  }
0x1c4: {  	v19 =	vadd.s32 $0x100, v19  }
0x1c5: {  	v19 =	vshrl.u32 v19, $0x3  }
0x1c6: {  	v19 =	vshll.u32 v19, v1  }
0x1c7: {  	v19 =	vbroadcast v19, $0x0  }
0x1c8: {  	[tilespmem:v18+s22+$0x0] =	vst.idx.msk $0xffff, v17  }
0x1c9: {  	v18 =	vadd.s32 v7, v19;
	v17 =	vld [tilespmem:s17+$0xFFFFFFE0];
	_ =	sdelay $0x4  }
0x1ca: {  	s18 =	simm.s32 $0x4;
	[tilespmem:v18+s22+$0x0] =	vst.idx.msk $0xffff, v17  }
0x1cb: {  	v18 =	vadd.s32 v8, v19;
	v19 =	vmov s18;
	v17 =	vld [tilespmem:s17+$0xFFFFFFF0]  }
0x1cc: {  	v19 =	vadd.s32 $0x100, v19  }
0x1cd: {  	v19 =	vshrl.u32 v19, $0x3  }
0x1ce: {  	v19 =	vshll.u32 v19, v1  }
0x1cf: {  	v19 =	vbroadcast v19, $0x0  }
0x1d0: {  	[tilespmem:v18+s22+$0x0] =	vst.idx.msk $0xffff, v17  }
0x1d1: {  	v18 =	vadd.s32 v9, v19;
	v17 =	vld [tilespmem:s17+$0x0];
	_ =	sdelay $0x4  }
0x1d2: {  	s19 =	simm.s32 $0x5;
	[tilespmem:v18+s22+$0x0] =	vst.idx.msk $0xffff, v17  }
0x1d3: {  	v18 =	vadd.s32 v10, v19;
	v19 =	vmov s19;
	v17 =	vld [tilespmem:s17+$0x10]  }
0x1d4: {  	v19 =	vadd.s32 $0x100, v19  }
0x1d5: {  	v19 =	vshrl.u32 v19, $0x3  }
0x1d6: {  	v19 =	vshll.u32 v19, v1  }
0x1d7: {  	v19 =	vbroadcast v19, $0x0  }
0x1d8: {  	[tilespmem:v18+s22+$0x0] =	vst.idx.msk $0xffff, v17  }
0x1d9: {  	v18 =	vadd.s32 v11, v19;
	v17 =	vld [tilespmem:s17+$0x20];
	_ =	sdelay $0x4  }
0x1da: {  	s18 =	simm.s32 $0x6;
	[tilespmem:v18+s22+$0x0] =	vst.idx.msk $0xffff, v17  }
0x1db: {  	v18 =	vadd.s32 v12, v19;
	v19 =	vmov s18;
	v17 =	vld [tilespmem:s17+$0x30]  }
0x1dc: {  	v19 =	vadd.s32 $0x100, v19  }
0x1dd: {  	v19 =	vshrl.u32 v19, $0x3  }
0x1de: {  	v19 =	vshll.u32 v19, v1  }
0x1df: {  	v19 =	vbroadcast v19, $0x0  }
0x1e0: {  	[tilespmem:v18+s22+$0x0] =	vst.idx.msk $0xffff, v17  }
0x1e1: {  	v18 =	vadd.s32 v13, v19;
	v17 =	vld [tilespmem:s17+$0x40];
	_ =	sdelay $0x4  }
0x1e2: {  	s19 =	simm.s32 $0x7;
	[tilespmem:v18+s22+$0x0] =	vst.idx.msk $0xffff, v17  }
0x1e3: {  	v19 =	vadd.s32 v14, v19;
	v17 =	vmov s19;
	v18 =	vld [tilespmem:s17+$0x50]  }
0x1e4: {  	v17 =	vadd.s32 $0x100, v17  }
0x1e5: {  	v17 =	vshrl.u32 v17, $0x3  }
0x1e6: {  	v17 =	vshll.u32 v17, v1  }
0x1e7: {  	v17 =	vbroadcast v17, $0x0  }
0x1e8: {  	[tilespmem:v19+s22+$0x0] =	vst.idx.msk $0xffff, v18  }
0x1e9: {  	v19 =	vadd.s32 v15, v17;
	v18 =	vld [tilespmem:s17+$0x60];
	_ =	sdelay $0x4  }
0x1ea: {  	s2 =	simm.s32 $0x8;
	s18 =	simm.s32 $0xF;
	s19 =	simm.s32 $0x17;
	[tilespmem:v19+s22+$0x0] =	vst.idx.msk $0xffff, v18  }
.LBB2_7:
0x1eb: {  	p2 =	sne.s32 s19, $0x7F;
	v18 =	vmov s2;
	v19 =	vld [tilespmem:s17+$0x70];
	v17 =	vadd.s32 v16, v17  }
0x1ec: {  	v18 =	vadd.s32 $0x100, v18  }
0x1ed: {  	v18 =	vshrl.u32 v18, $0x3  }
0x1ee: {  	v18 =	vshll.u32 v18, v1  }
0x1ef: {  	v18 =	vbroadcast v18, $0x0  }
0x1f0: {  	s17 =	sadd.s32 $0x100, s17;
	[tilespmem:v17+s22+$0x0] =	vst.idx.msk $0xffff, v19  }
0x1f1: {  	v17 =	vld [tilespmem:s17+$0xFFFFFF80];
	v19 =	vadd.s32 v0, v18;
	_ =	sdelay $0x4  }
0x1f2: {  	s2 =	sadd.s32 $0xFFFFFFFA, s18;
	[tilespmem:v19+s22+$0x0] =	vst.idx.msk $0xffff, v17  }
0x1f3: {  	v18 =	vadd.s32 v2, v18;
	v19 =	vmov s2;
	v17 =	vld [tilespmem:s17+$0xFFFFFF90]  }
0x1f4: {  	v19 =	vadd.s32 $0x100, v19  }
0x1f5: {  	v19 =	vshrl.u32 v19, $0x3  }
0x1f6: {  	v19 =	vshll.u32 v19, v1  }
0x1f7: {  	v19 =	vbroadcast v19, $0x0  }
0x1f8: {  	[tilespmem:v18+s22+$0x0] =	vst.idx.msk $0xffff, v17  }
0x1f9: {  	v18 =	vadd.s32 v3, v19;
	v17 =	vld [tilespmem:s17+$0xFFFFFFA0];
	_ =	sdelay $0x4  }
0x1fa: {  	s2 =	sadd.s32 $0xFFFFFFFB, s18;
	[tilespmem:v18+s22+$0x0] =	vst.idx.msk $0xffff, v17  }
0x1fb: {  	v18 =	vadd.s32 v4, v19;
	v19 =	vmov s2;
	v17 =	vld [tilespmem:s17+$0xFFFFFFB0]  }
0x1fc: {  	v19 =	vadd.s32 $0x100, v19  }
0x1fd: {  	v19 =	vshrl.u32 v19, $0x3  }
0x1fe: {  	v19 =	vshll.u32 v19, v1  }
0x1ff: {  	v19 =	vbroadcast v19, $0x0  }
0x200: {  	[tilespmem:v18+s22+$0x0] =	vst.idx.msk $0xffff, v17  }
0x201: {  	v18 =	vadd.s32 v5, v19;
	v17 =	vld [tilespmem:s17+$0xFFFFFFC0];
	_ =	sdelay $0x4  }
0x202: {  	s2 =	sadd.s32 $0xFFFFFFFC, s18;
	[tilespmem:v18+s22+$0x0] =	vst.idx.msk $0xffff, v17  }
0x203: {  	v18 =	vadd.s32 v6, v19;
	v19 =	vmov s2;
	v17 =	vld [tilespmem:s17+$0xFFFFFFD0]  }
0x204: {  	v19 =	vadd.s32 $0x100, v19  }
0x205: {  	v19 =	vshrl.u32 v19, $0x3  }
0x206: {  	v19 =	vshll.u32 v19, v1  }
0x207: {  	v19 =	vbroadcast v19, $0x0  }
0x208: {  	[tilespmem:v18+s22+$0x0] =	vst.idx.msk $0xffff, v17  }
0x209: {  	v18 =	vadd.s32 v7, v19;
	v17 =	vld [tilespmem:s17+$0xFFFFFFE0];
	_ =	sdelay $0x4  }
0x20a: {  	s2 =	sadd.s32 $0xFFFFFFFD, s18;
	[tilespmem:v18+s22+$0x0] =	vst.idx.msk $0xffff, v17  }
0x20b: {  	v18 =	vadd.s32 v8, v19;
	v19 =	vmov s2;
	v17 =	vld [tilespmem:s17+$0xFFFFFFF0]  }
0x20c: {  	v19 =	vadd.s32 $0x100, v19  }
0x20d: {  	v19 =	vshrl.u32 v19, $0x3  }
0x20e: {  	v19 =	vshll.u32 v19, v1  }
0x20f: {  	v19 =	vbroadcast v19, $0x0  }
0x210: {  	[tilespmem:v18+s22+$0x0] =	vst.idx.msk $0xffff, v17  }
0x211: {  	v18 =	vadd.s32 v9, v19;
	v17 =	vld [tilespmem:s17+$0x0];
	_ =	sdelay $0x4  }
0x212: {  	s2 =	sadd.s32 $0xFFFFFFFE, s18;
	[tilespmem:v18+s22+$0x0] =	vst.idx.msk $0xffff, v17  }
0x213: {  	v18 =	vadd.s32 v10, v19;
	v19 =	vmov s2;
	v17 =	vld [tilespmem:s17+$0x10]  }
0x214: {  	v19 =	vadd.s32 $0x100, v19  }
0x215: {  	v19 =	vshrl.u32 v19, $0x3  }
0x216: {  	v19 =	vshll.u32 v19, v1  }
0x217: {  	v19 =	vbroadcast v19, $0x0  }
0x218: {  	[tilespmem:v18+s22+$0x0] =	vst.idx.msk $0xffff, v17  }
0x219: {  	v18 =	vadd.s32 v11, v19;
	v17 =	vld [tilespmem:s17+$0x20];
	_ =	sdelay $0x4  }
0x21a: {  	s2 =	sadd.s32 $0xFFFFFFFF, s18;
	[tilespmem:v18+s22+$0x0] =	vst.idx.msk $0xffff, v17  }
0x21b: {  	v18 =	vadd.s32 v12, v19;
	v19 =	vmov s2;
	v17 =	vld [tilespmem:s17+$0x30]  }
0x21c: {  	v19 =	vadd.s32 $0x100, v19  }
0x21d: {  	v19 =	vshrl.u32 v19, $0x3  }
0x21e: {  	v19 =	vshll.u32 v19, v1  }
0x21f: {  	v19 =	vbroadcast v19, $0x0  }
0x220: {  	[tilespmem:v18+s22+$0x0] =	vst.idx.msk $0xffff, v17  }
0x221: {  	v18 =	vadd.s32 v13, v19;
	v17 =	vld [tilespmem:s17+$0x40];
	_ =	sdelay $0x4  }
0x222: {  	[tilespmem:v18+s22+$0x0] =	vst.idx.msk $0xffff, v17  }
0x223: {  	v19 =	vadd.s32 v14, v19;
	v17 =	vmov s18;
	s18 =	smov.u32 s19;
	v18 =	vld [tilespmem:s17+$0x50]  }
0x224: {  	v17 =	vadd.s32 $0x100, v17  }
0x225: {  	v17 =	vshrl.u32 v17, $0x3  }
0x226: {  	v17 =	vshll.u32 v17, v1  }
0x227: {  	v17 =	vbroadcast v17, $0x0  }
0x228: {  	[tilespmem:v19+s22+$0x0] =	vst.idx.msk $0xffff, v18  }
0x229: {  	v19 =	vadd.s32 v15, v17;
	v18 =	vld [tilespmem:s17+$0x60]  }
.Ltmp2:
0x22a: {  	(pc) =	sbr.rel @p2 .LBB2_7-.Ltmp2, $2  }
0x22b: {  	_ =	sdelay $0x2  }
0x22c: {  	s19 =	sadd.s32 $0x8, s19;
	s2 =	sadd.s32 $0xFFFFFFF9, s18;
	[tilespmem:v19+s22+$0x0] =	vst.idx.msk $0xffff, v18  }
0x22d: {  	v18 =	vmov s2;
	v19 =	vld [tilespmem:s17+$0x70];
	v17 =	vadd.s32 v16, v17  }
0x22e: {  	v18 =	vadd.s32 $0x100, v18  }
0x22f: {  	v18 =	vshrl.u32 v18, $0x3  }
0x230: {  	v18 =	vshll.u32 v18, v1  }
0x231: {  	v18 =	vbroadcast v18, $0x0  }
0x232: {  	s17 =	sadd.s32 $0x100, s17;
	[tilespmem:v17+s22+$0x0] =	vst.idx.msk $0xffff, v19  }
0x233: {  	v17 =	vld [tilespmem:s17+$0xFFFFFF80];
	v19 =	vadd.s32 v0, v18;
	_ =	sdelay $0x4  }
0x234: {  	s19 =	sadd.s32 $0xFFFFFFFA, s18;
	[tilespmem:v19+s22+$0x0] =	vst.idx.msk $0xffff, v17  }
0x235: {  	v18 =	vadd.s32 v2, v18;
	v19 =	vmov s19;
	v17 =	vld [tilespmem:s17+$0xFFFFFF90]  }
0x236: {  	v19 =	vadd.s32 $0x100, v19  }
0x237: {  	v19 =	vshrl.u32 v19, $0x3  }
0x238: {  	v19 =	vshll.u32 v19, v1  }
0x239: {  	v19 =	vbroadcast v19, $0x0  }
0x23a: {  	[tilespmem:v18+s22+$0x0] =	vst.idx.msk $0xffff, v17  }
0x23b: {  	v18 =	vadd.s32 v3, v19;
	v17 =	vld [tilespmem:s17+$0xFFFFFFA0];
	_ =	sdelay $0x4  }
0x23c: {  	s19 =	sadd.s32 $0xFFFFFFFB, s18;
	[tilespmem:v18+s22+$0x0] =	vst.idx.msk $0xffff, v17  }
0x23d: {  	v18 =	vadd.s32 v4, v19;
	v19 =	vmov s19;
	v17 =	vld [tilespmem:s17+$0xFFFFFFB0]  }
0x23e: {  	v19 =	vadd.s32 $0x100, v19  }
0x23f: {  	v19 =	vshrl.u32 v19, $0x3  }
0x240: {  	v19 =	vshll.u32 v19, v1  }
0x241: {  	v19 =	vbroadcast v19, $0x0  }
0x242: {  	[tilespmem:v18+s22+$0x0] =	vst.idx.msk $0xffff, v17  }
0x243: {  	v18 =	vadd.s32 v5, v19;
	v17 =	vld [tilespmem:s17+$0xFFFFFFC0];
	_ =	sdelay $0x4  }
0x244: {  	s19 =	sadd.s32 $0xFFFFFFFC, s18;
	[tilespmem:v18+s22+$0x0] =	vst.idx.msk $0xffff, v17  }
0x245: {  	v18 =	vadd.s32 v6, v19;
	v19 =	vmov s19;
	v17 =	vld [tilespmem:s17+$0xFFFFFFD0]  }
0x246: {  	v19 =	vadd.s32 $0x100, v19  }
0x247: {  	v19 =	vshrl.u32 v19, $0x3  }
0x248: {  	v19 =	vshll.u32 v19, v1  }
0x249: {  	v19 =	vbroadcast v19, $0x0  }
0x24a: {  	[tilespmem:v18+s22+$0x0] =	vst.idx.msk $0xffff, v17  }
0x24b: {  	v18 =	vadd.s32 v7, v19;
	v17 =	vld [tilespmem:s17+$0xFFFFFFE0];
	_ =	sdelay $0x4  }
0x24c: {  	s19 =	sadd.s32 $0xFFFFFFFD, s18;
	[tilespmem:v18+s22+$0x0] =	vst.idx.msk $0xffff, v17  }
0x24d: {  	v18 =	vadd.s32 v8, v19;
	v19 =	vmov s19;
	v17 =	vld [tilespmem:s17+$0xFFFFFFF0]  }
0x24e: {  	v19 =	vadd.s32 $0x100, v19  }
0x24f: {  	v19 =	vshrl.u32 v19, $0x3  }
0x250: {  	v19 =	vshll.u32 v19, v1  }
0x251: {  	v19 =	vbroadcast v19, $0x0  }
0x252: {  	[tilespmem:v18+s22+$0x0] =	vst.idx.msk $0xffff, v17  }
0x253: {  	v18 =	vadd.s32 v9, v19;
	v17 =	vld [tilespmem:s17+$0x0];
	_ =	sdelay $0x4  }
0x254: {  	s19 =	sadd.s32 $0xFFFFFFFE, s18;
	[tilespmem:v18+s22+$0x0] =	vst.idx.msk $0xffff, v17  }
0x255: {  	v18 =	vadd.s32 v10, v19;
	v19 =	vmov s19;
	v17 =	vld [tilespmem:s17+$0x10]  }
0x256: {  	v19 =	vadd.s32 $0x100, v19  }
0x257: {  	v19 =	vshrl.u32 v19, $0x3  }
0x258: {  	v19 =	vshll.u32 v19, v1  }
0x259: {  	v19 =	vbroadcast v19, $0x0  }
0x25a: {  	[tilespmem:v18+s22+$0x0] =	vst.idx.msk $0xffff, v17  }
0x25b: {  	v18 =	vadd.s32 v11, v19;
	v17 =	vld [tilespmem:s17+$0x20];
	_ =	sdelay $0x4  }
0x25c: {  	s19 =	sadd.s32 $0xFFFFFFFF, s18;
	[tilespmem:v18+s22+$0x0] =	vst.idx.msk $0xffff, v17  }
0x25d: {  	v18 =	vadd.s32 v12, v19;
	v19 =	vmov s19;
	v17 =	vld [tilespmem:s17+$0x30]  }
0x25e: {  	v19 =	vadd.s32 $0x100, v19  }
0x25f: {  	v19 =	vshrl.u32 v19, $0x3  }
0x260: {  	v19 =	vshll.u32 v19, v1  }
0x261: {  	v19 =	vbroadcast v19, $0x0  }
0x262: {  	[tilespmem:v18+s22+$0x0] =	vst.idx.msk $0xffff, v17  }
0x263: {  	v18 =	vadd.s32 v13, v19;
	v17 =	vld [tilespmem:s17+$0x40];
	_ =	sdelay $0x4  }
0x264: {  	[tilespmem:v18+s22+$0x0] =	vst.idx.msk $0xffff, v17  }
0x265: {  	v18 =	vadd.s32 v14, v19;
	v19 =	vmov s18;
	v17 =	vld [tilespmem:s17+$0x50]  }
0x266: {  	v19 =	vadd.s32 $0x100, v19  }
0x267: {  	v19 =	vshrl.u32 v19, $0x3  }
0x268: {  	v19 =	vshll.u32 v19, v1  }
0x269: {  	v19 =	vbroadcast v19, $0x0  }
0x26a: {  	[tilespmem:v18+s22+$0x0] =	vst.idx.msk $0xffff, v17  }
0x26b: {  	v18 =	vadd.s32 v15, v19;
	v17 =	vld [tilespmem:s17+$0x60];
	_ =	sdelay $0x4  }
0x26c: {  	[tilespmem:v18+s22+$0x0] =	vst.idx.msk $0xffff, v17  }
0x26d: {  	v18 =	vadd.s32 v16, v19;
	v17 =	vld [tilespmem:s17+$0x70];
	_ =	sdelay $0x2  }
0x26e: {  	s18 =	simm.s32 $0x0  }
0x26f: {  	v19 =	vmov s18  }
0x270: {  	s2 =	sadd.s32 @!p0 $0x480, s15;
	s18 =	simm.s32 @!p0 $0x7400;
	s17 =	simm.s32 @!p0 $0x80;
	[tilespmem:v18+s22+$0x0] =	vst.idx.msk $0xffff, v17;
	v17 =	vadd.s32 $0x180, v19  }
0x271: {  	[tilespmem:s18], [sflag:$0x2] =	stream.indirect.gather @!p0 [hbm4b:s3+s17], $0x20, s2, s17, $0xb8;
	v17 =	vshrl.u32 v17, $0x3;
	[tilespmem:$0x16400] =	vst v63  }
0x272: {  	_ =	swait.ge [sflag:s26], $0x1000;
	v17 =	vshll.u32 v17, v1  }
0x273: {  	[sflag:s26] =	ssyncset.done $0x0;
	v17 =	vbroadcast v17, $0x0  }
0x274: {  	s17 =	simm.s32 $0x9480;
	[sflag:s26] =	ssyncadd.s32 $0xFFFFF000  }
0x275: {  	v18 =	vld [tilespmem:s17+$0xFFFFFF80];
	v19 =	vadd.s32 v0, v17;
	_ =	sdelay $0x4  }
0x276: {  	s19 =	simm.s32 $0x1;
	[tilespmem:v19+s22+$0x0] =	vst.idx.msk $0xffff, v18  }
0x277: {  	v17 =	vadd.s32 v2, v17;
	v19 =	vmov s19;
	v18 =	vld [tilespmem:s17+$0xFFFFFF90]  }
0x278: {  	v19 =	vadd.s32 $0x180, v19  }
0x279: {  	v19 =	vshrl.u32 v19, $0x3  }
0x27a: {  	v19 =	vshll.u32 v19, v1  }
0x27b: {  	v19 =	vbroadcast v19, $0x0  }
0x27c: {  	[tilespmem:v17+s22+$0x0] =	vst.idx.msk $0xffff, v18  }
0x27d: {  	v18 =	vadd.s32 v3, v19;
	v17 =	vld [tilespmem:s17+$0xFFFFFFA0];
	_ =	sdelay $0x4  }
0x27e: {  	s18 =	simm.s32 $0x2;
	[tilespmem:v18+s22+$0x0] =	vst.idx.msk $0xffff, v17  }
0x27f: {  	v18 =	vadd.s32 v4, v19;
	v19 =	vmov s18;
	v17 =	vld [tilespmem:s17+$0xFFFFFFB0]  }
0x280: {  	v19 =	vadd.s32 $0x180, v19  }
0x281: {  	v19 =	vshrl.u32 v19, $0x3  }
0x282: {  	v19 =	vshll.u32 v19, v1  }
0x283: {  	v19 =	vbroadcast v19, $0x0  }
0x284: {  	[tilespmem:v18+s22+$0x0] =	vst.idx.msk $0xffff, v17  }
0x285: {  	v18 =	vadd.s32 v5, v19;
	v17 =	vld [tilespmem:s17+$0xFFFFFFC0];
	_ =	sdelay $0x4  }
0x286: {  	s19 =	simm.s32 $0x3;
	[tilespmem:v18+s22+$0x0] =	vst.idx.msk $0xffff, v17  }
0x287: {  	v18 =	vadd.s32 v6, v19;
	v19 =	vmov s19;
	v17 =	vld [tilespmem:s17+$0xFFFFFFD0]  }
0x288: {  	v19 =	vadd.s32 $0x180, v19  }
0x289: {  	v19 =	vshrl.u32 v19, $0x3  }
0x28a: {  	v19 =	vshll.u32 v19, v1  }
0x28b: {  	v19 =	vbroadcast v19, $0x0  }
0x28c: {  	[tilespmem:v18+s22+$0x0] =	vst.idx.msk $0xffff, v17  }
0x28d: {  	v18 =	vadd.s32 v7, v19;
	v17 =	vld [tilespmem:s17+$0xFFFFFFE0];
	_ =	sdelay $0x4  }
0x28e: {  	s18 =	simm.s32 $0x4;
	[tilespmem:v18+s22+$0x0] =	vst.idx.msk $0xffff, v17  }
0x28f: {  	v18 =	vadd.s32 v8, v19;
	v19 =	vmov s18;
	v17 =	vld [tilespmem:s17+$0xFFFFFFF0]  }
0x290: {  	v19 =	vadd.s32 $0x180, v19  }
0x291: {  	v19 =	vshrl.u32 v19, $0x3  }
0x292: {  	v19 =	vshll.u32 v19, v1  }
0x293: {  	v19 =	vbroadcast v19, $0x0  }
0x294: {  	[tilespmem:v18+s22+$0x0] =	vst.idx.msk $0xffff, v17  }
0x295: {  	v18 =	vadd.s32 v9, v19;
	v17 =	vld [tilespmem:s17+$0x0];
	_ =	sdelay $0x4  }
0x296: {  	s19 =	simm.s32 $0x5;
	[tilespmem:v18+s22+$0x0] =	vst.idx.msk $0xffff, v17  }
0x297: {  	v18 =	vadd.s32 v10, v19;
	v19 =	vmov s19;
	v17 =	vld [tilespmem:s17+$0x10]  }
0x298: {  	v19 =	vadd.s32 $0x180, v19  }
0x299: {  	v19 =	vshrl.u32 v19, $0x3  }
0x29a: {  	v19 =	vshll.u32 v19, v1  }
0x29b: {  	v19 =	vbroadcast v19, $0x0  }
0x29c: {  	[tilespmem:v18+s22+$0x0] =	vst.idx.msk $0xffff, v17  }
0x29d: {  	v18 =	vadd.s32 v11, v19;
	v17 =	vld [tilespmem:s17+$0x20];
	_ =	sdelay $0x4  }
0x29e: {  	s18 =	simm.s32 $0x6;
	[tilespmem:v18+s22+$0x0] =	vst.idx.msk $0xffff, v17  }
0x29f: {  	v18 =	vadd.s32 v12, v19;
	v19 =	vmov s18;
	v17 =	vld [tilespmem:s17+$0x30]  }
0x2a0: {  	v19 =	vadd.s32 $0x180, v19  }
0x2a1: {  	v19 =	vshrl.u32 v19, $0x3  }
0x2a2: {  	v19 =	vshll.u32 v19, v1  }
0x2a3: {  	v19 =	vbroadcast v19, $0x0  }
0x2a4: {  	[tilespmem:v18+s22+$0x0] =	vst.idx.msk $0xffff, v17  }
0x2a5: {  	v18 =	vadd.s32 v13, v19;
	v17 =	vld [tilespmem:s17+$0x40];
	_ =	sdelay $0x4  }
0x2a6: {  	s19 =	simm.s32 $0x7;
	[tilespmem:v18+s22+$0x0] =	vst.idx.msk $0xffff, v17  }
0x2a7: {  	v19 =	vadd.s32 v14, v19;
	v17 =	vmov s19;
	v18 =	vld [tilespmem:s17+$0x50]  }
0x2a8: {  	v17 =	vadd.s32 $0x180, v17  }
0x2a9: {  	v17 =	vshrl.u32 v17, $0x3  }
0x2aa: {  	v17 =	vshll.u32 v17, v1  }
0x2ab: {  	v17 =	vbroadcast v17, $0x0  }
0x2ac: {  	[tilespmem:v19+s22+$0x0] =	vst.idx.msk $0xffff, v18  }
0x2ad: {  	v19 =	vadd.s32 v15, v17;
	v18 =	vld [tilespmem:s17+$0x60];
	_ =	sdelay $0x4  }
0x2ae: {  	s2 =	simm.s32 $0x8;
	s18 =	simm.s32 $0xF;
	s19 =	simm.s32 $0x17;
	[tilespmem:v19+s22+$0x0] =	vst.idx.msk $0xffff, v18  }
.LBB2_9:
0x2af: {  	p2 =	sne.s32 s19, $0x7F;
	v18 =	vmov s2;
	v19 =	vld [tilespmem:s17+$0x70];
	v17 =	vadd.s32 v16, v17  }
0x2b0: {  	v18 =	vadd.s32 $0x180, v18  }
0x2b1: {  	v18 =	vshrl.u32 v18, $0x3  }
0x2b2: {  	v18 =	vshll.u32 v18, v1  }
0x2b3: {  	v18 =	vbroadcast v18, $0x0  }
0x2b4: {  	s17 =	sadd.s32 $0x100, s17;
	[tilespmem:v17+s22+$0x0] =	vst.idx.msk $0xffff, v19  }
0x2b5: {  	v17 =	vld [tilespmem:s17+$0xFFFFFF80];
	v19 =	vadd.s32 v0, v18;
	_ =	sdelay $0x4  }
0x2b6: {  	s2 =	sadd.s32 $0xFFFFFFFA, s18;
	[tilespmem:v19+s22+$0x0] =	vst.idx.msk $0xffff, v17  }
0x2b7: {  	v18 =	vadd.s32 v2, v18;
	v19 =	vmov s2;
	v17 =	vld [tilespmem:s17+$0xFFFFFF90]  }
0x2b8: {  	v19 =	vadd.s32 $0x180, v19  }
0x2b9: {  	v19 =	vshrl.u32 v19, $0x3  }
0x2ba: {  	v19 =	vshll.u32 v19, v1  }
0x2bb: {  	v19 =	vbroadcast v19, $0x0  }
0x2bc: {  	[tilespmem:v18+s22+$0x0] =	vst.idx.msk $0xffff, v17  }
0x2bd: {  	v18 =	vadd.s32 v3, v19;
	v17 =	vld [tilespmem:s17+$0xFFFFFFA0];
	_ =	sdelay $0x4  }
0x2be: {  	s2 =	sadd.s32 $0xFFFFFFFB, s18;
	[tilespmem:v18+s22+$0x0] =	vst.idx.msk $0xffff, v17  }
0x2bf: {  	v18 =	vadd.s32 v4, v19;
	v19 =	vmov s2;
	v17 =	vld [tilespmem:s17+$0xFFFFFFB0]  }
0x2c0: {  	v19 =	vadd.s32 $0x180, v19  }
0x2c1: {  	v19 =	vshrl.u32 v19, $0x3  }
0x2c2: {  	v19 =	vshll.u32 v19, v1  }
0x2c3: {  	v19 =	vbroadcast v19, $0x0  }
0x2c4: {  	[tilespmem:v18+s22+$0x0] =	vst.idx.msk $0xffff, v17  }
0x2c5: {  	v18 =	vadd.s32 v5, v19;
	v17 =	vld [tilespmem:s17+$0xFFFFFFC0];
	_ =	sdelay $0x4  }
0x2c6: {  	s2 =	sadd.s32 $0xFFFFFFFC, s18;
	[tilespmem:v18+s22+$0x0] =	vst.idx.msk $0xffff, v17  }
0x2c7: {  	v18 =	vadd.s32 v6, v19;
	v19 =	vmov s2;
	v17 =	vld [tilespmem:s17+$0xFFFFFFD0]  }
0x2c8: {  	v19 =	vadd.s32 $0x180, v19  }
0x2c9: {  	v19 =	vshrl.u32 v19, $0x3  }
0x2ca: {  	v19 =	vshll.u32 v19, v1  }
0x2cb: {  	v19 =	vbroadcast v19, $0x0  }
0x2cc: {  	[tilespmem:v18+s22+$0x0] =	vst.idx.msk $0xffff, v17  }
0x2cd: {  	v18 =	vadd.s32 v7, v19;
	v17 =	vld [tilespmem:s17+$0xFFFFFFE0];
	_ =	sdelay $0x4  }
0x2ce: {  	s2 =	sadd.s32 $0xFFFFFFFD, s18;
	[tilespmem:v18+s22+$0x0] =	vst.idx.msk $0xffff, v17  }
0x2cf: {  	v18 =	vadd.s32 v8, v19;
	v19 =	vmov s2;
	v17 =	vld [tilespmem:s17+$0xFFFFFFF0]  }
0x2d0: {  	v19 =	vadd.s32 $0x180, v19  }
0x2d1: {  	v19 =	vshrl.u32 v19, $0x3  }
0x2d2: {  	v19 =	vshll.u32 v19, v1  }
0x2d3: {  	v19 =	vbroadcast v19, $0x0  }
0x2d4: {  	[tilespmem:v18+s22+$0x0] =	vst.idx.msk $0xffff, v17  }
0x2d5: {  	v18 =	vadd.s32 v9, v19;
	v17 =	vld [tilespmem:s17+$0x0];
	_ =	sdelay $0x4  }
0x2d6: {  	s2 =	sadd.s32 $0xFFFFFFFE, s18;
	[tilespmem:v18+s22+$0x0] =	vst.idx.msk $0xffff, v17  }
0x2d7: {  	v18 =	vadd.s32 v10, v19;
	v19 =	vmov s2;
	v17 =	vld [tilespmem:s17+$0x10]  }
0x2d8: {  	v19 =	vadd.s32 $0x180, v19  }
0x2d9: {  	v19 =	vshrl.u32 v19, $0x3  }
0x2da: {  	v19 =	vshll.u32 v19, v1  }
0x2db: {  	v19 =	vbroadcast v19, $0x0  }
0x2dc: {  	[tilespmem:v18+s22+$0x0] =	vst.idx.msk $0xffff, v17  }
0x2dd: {  	v18 =	vadd.s32 v11, v19;
	v17 =	vld [tilespmem:s17+$0x20];
	_ =	sdelay $0x4  }
0x2de: {  	s2 =	sadd.s32 $0xFFFFFFFF, s18;
	[tilespmem:v18+s22+$0x0] =	vst.idx.msk $0xffff, v17  }
0x2df: {  	v18 =	vadd.s32 v12, v19;
	v19 =	vmov s2;
	v17 =	vld [tilespmem:s17+$0x30]  }
0x2e0: {  	v19 =	vadd.s32 $0x180, v19  }
0x2e1: {  	v19 =	vshrl.u32 v19, $0x3  }
0x2e2: {  	v19 =	vshll.u32 v19, v1  }
0x2e3: {  	v19 =	vbroadcast v19, $0x0  }
0x2e4: {  	[tilespmem:v18+s22+$0x0] =	vst.idx.msk $0xffff, v17  }
0x2e5: {  	v18 =	vadd.s32 v13, v19;
	v17 =	vld [tilespmem:s17+$0x40];
	_ =	sdelay $0x4  }
0x2e6: {  	[tilespmem:v18+s22+$0x0] =	vst.idx.msk $0xffff, v17  }
0x2e7: {  	v19 =	vadd.s32 v14, v19;
	v17 =	vmov s18;
	s18 =	smov.u32 s19;
	v18 =	vld [tilespmem:s17+$0x50]  }
0x2e8: {  	v17 =	vadd.s32 $0x180, v17  }
0x2e9: {  	v17 =	vshrl.u32 v17, $0x3  }
0x2ea: {  	v17 =	vshll.u32 v17, v1  }
0x2eb: {  	v17 =	vbroadcast v17, $0x0  }
0x2ec: {  	[tilespmem:v19+s22+$0x0] =	vst.idx.msk $0xffff, v18  }
0x2ed: {  	v19 =	vadd.s32 v15, v17;
	v18 =	vld [tilespmem:s17+$0x60]  }
.Ltmp3:
0x2ee: {  	(pc) =	sbr.rel @p2 .LBB2_9-.Ltmp3, $2  }
0x2ef: {  	_ =	sdelay $0x2  }
0x2f0: {  	s19 =	sadd.s32 $0x8, s19;
	s2 =	sadd.s32 $0xFFFFFFF9, s18;
	[tilespmem:v19+s22+$0x0] =	vst.idx.msk $0xffff, v18  }
0x2f1: {  	v18 =	vmov s2;
	v19 =	vld [tilespmem:s17+$0x70];
	v17 =	vadd.s32 v16, v17  }
0x2f2: {  	v18 =	vadd.s32 $0x180, v18  }
0x2f3: {  	v18 =	vshrl.u32 v18, $0x3  }
0x2f4: {  	v18 =	vshll.u32 v18, v1  }
0x2f5: {  	v18 =	vbroadcast v18, $0x0  }
0x2f6: {  	s17 =	sadd.s32 $0x100, s17;
	[tilespmem:v17+s22+$0x0] =	vst.idx.msk $0xffff, v19  }
0x2f7: {  	v17 =	vld [tilespmem:s17+$0xFFFFFF80];
	v19 =	vadd.s32 v0, v18;
	_ =	sdelay $0x4  }
0x2f8: {  	s19 =	sadd.s32 $0xFFFFFFFA, s18;
	[tilespmem:v19+s22+$0x0] =	vst.idx.msk $0xffff, v17  }
0x2f9: {  	v18 =	vadd.s32 v2, v18;
	v19 =	vmov s19;
	v17 =	vld [tilespmem:s17+$0xFFFFFF90]  }
0x2fa: {  	v19 =	vadd.s32 $0x180, v19  }
0x2fb: {  	v19 =	vshrl.u32 v19, $0x3  }
0x2fc: {  	v19 =	vshll.u32 v19, v1  }
0x2fd: {  	v19 =	vbroadcast v19, $0x0  }
0x2fe: {  	[tilespmem:v18+s22+$0x0] =	vst.idx.msk $0xffff, v17  }
0x2ff: {  	v18 =	vadd.s32 v3, v19;
	v17 =	vld [tilespmem:s17+$0xFFFFFFA0];
	_ =	sdelay $0x4  }
0x300: {  	s19 =	sadd.s32 $0xFFFFFFFB, s18;
	[tilespmem:v18+s22+$0x0] =	vst.idx.msk $0xffff, v17  }
0x301: {  	v18 =	vadd.s32 v4, v19;
	v19 =	vmov s19;
	v17 =	vld [tilespmem:s17+$0xFFFFFFB0]  }
0x302: {  	v19 =	vadd.s32 $0x180, v19  }
0x303: {  	v19 =	vshrl.u32 v19, $0x3  }
0x304: {  	v19 =	vshll.u32 v19, v1  }
0x305: {  	v19 =	vbroadcast v19, $0x0  }
0x306: {  	[tilespmem:v18+s22+$0x0] =	vst.idx.msk $0xffff, v17  }
0x307: {  	v18 =	vadd.s32 v5, v19;
	v17 =	vld [tilespmem:s17+$0xFFFFFFC0];
	_ =	sdelay $0x4  }
0x308: {  	s19 =	sadd.s32 $0xFFFFFFFC, s18;
	[tilespmem:v18+s22+$0x0] =	vst.idx.msk $0xffff, v17  }
0x309: {  	v18 =	vadd.s32 v6, v19;
	v19 =	vmov s19;
	v17 =	vld [tilespmem:s17+$0xFFFFFFD0]  }
0x30a: {  	v19 =	vadd.s32 $0x180, v19  }
0x30b: {  	v19 =	vshrl.u32 v19, $0x3  }
0x30c: {  	v19 =	vshll.u32 v19, v1  }
0x30d: {  	v19 =	vbroadcast v19, $0x0  }
0x30e: {  	[tilespmem:v18+s22+$0x0] =	vst.idx.msk $0xffff, v17  }
0x30f: {  	v18 =	vadd.s32 v7, v19;
	v17 =	vld [tilespmem:s17+$0xFFFFFFE0];
	_ =	sdelay $0x4  }
0x310: {  	s19 =	sadd.s32 $0xFFFFFFFD, s18;
	[tilespmem:v18+s22+$0x0] =	vst.idx.msk $0xffff, v17  }
0x311: {  	v18 =	vadd.s32 v8, v19;
	v19 =	vmov s19;
	v17 =	vld [tilespmem:s17+$0xFFFFFFF0]  }
0x312: {  	v19 =	vadd.s32 $0x180, v19  }
0x313: {  	v19 =	vshrl.u32 v19, $0x3  }
0x314: {  	v19 =	vshll.u32 v19, v1  }
0x315: {  	v19 =	vbroadcast v19, $0x0  }
0x316: {  	[tilespmem:v18+s22+$0x0] =	vst.idx.msk $0xffff, v17  }
0x317: {  	v18 =	vadd.s32 v9, v19;
	v17 =	vld [tilespmem:s17+$0x0];
	_ =	sdelay $0x4  }
0x318: {  	s19 =	sadd.s32 $0xFFFFFFFE, s18;
	[tilespmem:v18+s22+$0x0] =	vst.idx.msk $0xffff, v17  }
0x319: {  	v18 =	vadd.s32 v10, v19;
	v19 =	vmov s19;
	v17 =	vld [tilespmem:s17+$0x10]  }
0x31a: {  	v19 =	vadd.s32 $0x180, v19  }
0x31b: {  	v19 =	vshrl.u32 v19, $0x3  }
0x31c: {  	v19 =	vshll.u32 v19, v1  }
0x31d: {  	v19 =	vbroadcast v19, $0x0  }
0x31e: {  	[tilespmem:v18+s22+$0x0] =	vst.idx.msk $0xffff, v17  }
0x31f: {  	v18 =	vadd.s32 v11, v19;
	v17 =	vld [tilespmem:s17+$0x20];
	_ =	sdelay $0x4  }
0x320: {  	s19 =	sadd.s32 $0xFFFFFFFF, s18;
	[tilespmem:v18+s22+$0x0] =	vst.idx.msk $0xffff, v17  }
0x321: {  	v18 =	vadd.s32 v12, v19;
	v19 =	vmov s19;
	v17 =	vld [tilespmem:s17+$0x30]  }
0x322: {  	v19 =	vadd.s32 $0x180, v19  }
0x323: {  	v19 =	vshrl.u32 v19, $0x3  }
0x324: {  	v19 =	vshll.u32 v19, v1  }
0x325: {  	v19 =	vbroadcast v19, $0x0  }
0x326: {  	[tilespmem:v18+s22+$0x0] =	vst.idx.msk $0xffff, v17  }
0x327: {  	v18 =	vadd.s32 v13, v19;
	v17 =	vld [tilespmem:s17+$0x40];
	_ =	sdelay $0x4  }
0x328: {  	[tilespmem:v18+s22+$0x0] =	vst.idx.msk $0xffff, v17  }
0x329: {  	v18 =	vadd.s32 v14, v19;
	v19 =	vmov s18;
	v17 =	vld [tilespmem:s17+$0x50]  }
0x32a: {  	v19 =	vadd.s32 $0x180, v19  }
0x32b: {  	v19 =	vshrl.u32 v19, $0x3  }
0x32c: {  	v19 =	vshll.u32 v19, v1  }
0x32d: {  	v19 =	vbroadcast v19, $0x0  }
0x32e: {  	[tilespmem:v18+s22+$0x0] =	vst.idx.msk $0xffff, v17  }
0x32f: {  	v18 =	vadd.s32 v15, v19;
	v17 =	vld [tilespmem:s17+$0x60];
	_ =	sdelay $0x4  }
0x330: {  	[tilespmem:v18+s22+$0x0] =	vst.idx.msk $0xffff, v17  }
0x331: {  	v18 =	vadd.s32 v16, v19;
	v17 =	vld [tilespmem:s17+$0x70]  }
0x332: {  	p2 =	sne.s32 s12, $0x18;
	s18 =	sadd.s32 s5, s14  }
.Ltmp4:
0x333: {  	s19 =	sshll.u32 s18, $0x4;
	(pc) =	sbr.rel @p2 .LBB2_12-.Ltmp4, $4  }
0x334: {  	s2 =	sshll.u32 s18, $0x9;
	s17 =	sand.u32 $0x780, s19  }
0x335: {  	s2 =	sand.u32 $0xFFF0000, s2;
	s17 =	sadd.s32 s4, s17  }
0x336: {  	s2 =	sadd.s32 s2, s17;
	[tilespmem:v18+s22+$0x0] =	vst.idx.msk $0xffff, v17  }
0x337: {  	[hbm4b:s2+s16] =	stream.strided.scatter [tilespmem:s22], [sflag:$0x9], $0x4000, s28, s16, $0x38;
	[tilespmem:$0x16400] =	vst v63  }
.Ltmp5:
0x338: {  	(pc) =	sbr.rel .LBB2_13-.Ltmp5, $4  }
0x339: {  	_ = 	snop  }
0x33a: {  	_ =	swait.ge [sflag:s29], $0x1000  }
0x33b: {  	[sflag:s29] =	ssyncset.done $0x0  }
0x33c: {  	[sflag:s29] =	ssyncadd.s32 $0xFFFFF000  }
.LBB2_12:
.Ltmp6:
0x33d: {  	s2 =	sadd.s32 $0x500, s15;
	(pc) =	sbr.rel @p1 .LBB2_14-.Ltmp6, $4  }
0x33e: {  	[tilespmem:s13], [sflag:$0x3] =	stream.indirect.gather [hbm4b:s3+s9], $0x20, s2, s9, $0xb8;
	[tilespmem:$0x16400] =	vst v63  }
0x33f: {  	_ =	swait.ge [sflag:s29], $0x1000  }
0x340: {  	[sflag:s29] =	ssyncset.done $0x0  }
0x341: {  	[sflag:s29] =	ssyncadd.s32 $0xFFFFF000  }
.LBB2_13:
0x342: {  	_ =	swait.ge [sflag:s30], $0x4000  }
0x343: {  	[sflag:s30] =	ssyncset.done $0x0  }
0x344: {  	[sflag:s30] =	ssyncadd.s32 $0xFFFFC000  }
.LBB2_14:
0x345: {  	s2 =	simm.s32 $0x0  }
0x346: {  	v17 =	vmov s2  }
0x347: {  	v17 =	vshrl.u32 v17, $0x3  }
0x348: {  	v17 =	vshll.u32 v17, v1  }
0x349: {  	v17 =	vbroadcast v17, $0x0  }
0x34a: {  	s17 =	simm.s32 $0xA480  }
0x34b: {  	v18 =	vld [tilespmem:s17+$0xFFFFFF80];
	v19 =	vor.u32 v0, v17;
	_ =	sdelay $0x4  }
0x34c: {  	[tilespmem:v19+s31+$0x0] =	vst.idx.msk $0xffff, v18  }
0x34d: {  	s19 =	simm.s32 $0x1;
	v17 =	vor.u32 v2, v17;
	v18 =	vld [tilespmem:s17+$0xFFFFFF90]  }
0x34e: {  	v19 =	vmov s19  }
0x34f: {  	v19 =	vshrl.u32 v19, $0x3  }
0x350: {  	v19 =	vshll.u32 v19, v1  }
0x351: {  	v19 =	vbroadcast v19, $0x0  }
0x352: {  	[tilespmem:v17+s31+$0x0] =	vst.idx.msk $0xffff, v18  }
0x353: {  	v18 =	vadd.s32 v3, v19;
	v17 =	vld [tilespmem:s17+$0xFFFFFFA0];
	_ =	sdelay $0x4  }
0x354: {  	[tilespmem:v18+s31+$0x0] =	vst.idx.msk $0xffff, v17  }
0x355: {  	s18 =	simm.s32 $0x2;
	v18 =	vadd.s32 v4, v19;
	v17 =	vld [tilespmem:s17+$0xFFFFFFB0]  }
0x356: {  	v19 =	vmov s18  }
0x357: {  	v19 =	vshrl.u32 v19, $0x3  }
0x358: {  	v19 =	vshll.u32 v19, v1  }
0x359: {  	v19 =	vbroadcast v19, $0x0  }
0x35a: {  	[tilespmem:v18+s31+$0x0] =	vst.idx.msk $0xffff, v17  }
0x35b: {  	v18 =	vadd.s32 v5, v19;
	v17 =	vld [tilespmem:s17+$0xFFFFFFC0];
	_ =	sdelay $0x4  }
0x35c: {  	[tilespmem:v18+s31+$0x0] =	vst.idx.msk $0xffff, v17  }
0x35d: {  	s19 =	simm.s32 $0x3;
	v18 =	vadd.s32 v6, v19;
	v17 =	vld [tilespmem:s17+$0xFFFFFFD0]  }
0x35e: {  	v19 =	vmov s19  }
0x35f: {  	v19 =	vshrl.u32 v19, $0x3  }
0x360: {  	v19 =	vshll.u32 v19, v1  }
0x361: {  	v19 =	vbroadcast v19, $0x0  }
0x362: {  	[tilespmem:v18+s31+$0x0] =	vst.idx.msk $0xffff, v17  }
0x363: {  	v18 =	vadd.s32 v7, v19;
	v17 =	vld [tilespmem:s17+$0xFFFFFFE0];
	_ =	sdelay $0x4  }
0x364: {  	[tilespmem:v18+s31+$0x0] =	vst.idx.msk $0xffff, v17  }
0x365: {  	s18 =	simm.s32 $0x4;
	v18 =	vadd.s32 v8, v19;
	v17 =	vld [tilespmem:s17+$0xFFFFFFF0]  }
0x366: {  	v19 =	vmov s18  }
0x367: {  	v19 =	vshrl.u32 v19, $0x3  }
0x368: {  	v19 =	vshll.u32 v19, v1  }
0x369: {  	v19 =	vbroadcast v19, $0x0  }
0x36a: {  	[tilespmem:v18+s31+$0x0] =	vst.idx.msk $0xffff, v17  }
0x36b: {  	v18 =	vadd.s32 v9, v19;
	v17 =	vld [tilespmem:s17+$0x0];
	_ =	sdelay $0x4  }
0x36c: {  	[tilespmem:v18+s31+$0x0] =	vst.idx.msk $0xffff, v17  }
0x36d: {  	s19 =	simm.s32 $0x5;
	v18 =	vadd.s32 v10, v19;
	v17 =	vld [tilespmem:s17+$0x10]  }
0x36e: {  	v19 =	vmov s19  }
0x36f: {  	v19 =	vshrl.u32 v19, $0x3  }
0x370: {  	v19 =	vshll.u32 v19, v1  }
0x371: {  	v19 =	vbroadcast v19, $0x0  }
0x372: {  	[tilespmem:v18+s31+$0x0] =	vst.idx.msk $0xffff, v17  }
0x373: {  	v18 =	vadd.s32 v11, v19;
	v17 =	vld [tilespmem:s17+$0x20];
	_ =	sdelay $0x4  }
0x374: {  	[tilespmem:v18+s31+$0x0] =	vst.idx.msk $0xffff, v17  }
0x375: {  	s18 =	simm.s32 $0x6;
	v18 =	vadd.s32 v12, v19;
	v17 =	vld [tilespmem:s17+$0x30]  }
0x376: {  	v19 =	vmov s18  }
0x377: {  	v19 =	vshrl.u32 v19, $0x3  }
0x378: {  	v19 =	vshll.u32 v19, v1  }
0x379: {  	v19 =	vbroadcast v19, $0x0  }
0x37a: {  	[tilespmem:v18+s31+$0x0] =	vst.idx.msk $0xffff, v17  }
0x37b: {  	v18 =	vadd.s32 v13, v19;
	v17 =	vld [tilespmem:s17+$0x40];
	_ =	sdelay $0x4  }
0x37c: {  	[tilespmem:v18+s31+$0x0] =	vst.idx.msk $0xffff, v17  }
0x37d: {  	s19 =	simm.s32 $0x7;
	v18 =	vadd.s32 v14, v19;
	v17 =	vld [tilespmem:s17+$0x50]  }
0x37e: {  	v19 =	vmov s19  }
0x37f: {  	v19 =	vshrl.u32 v19, $0x3  }
0x380: {  	v19 =	vshll.u32 v19, v1  }
0x381: {  	v19 =	vbroadcast v19, $0x0  }
0x382: {  	[tilespmem:v18+s31+$0x0] =	vst.idx.msk $0xffff, v17  }
0x383: {  	v18 =	vadd.s32 v15, v19;
	v17 =	vld [tilespmem:s17+$0x60];
	_ =	sdelay $0x4  }
0x384: {  	[tilespmem:v18+s31+$0x0] =	vst.idx.msk $0xffff, v17  }
0x385: {  	s2 =	simm.s32 $0x8;
	s18 =	simm.s32 $0xF;
	s19 =	simm.s32 $0x17;
	v18 =	vadd.s32 v16, v19;
	v17 =	vld [tilespmem:s17+$0x70]  }
.LBB2_15:
0x386: {  	p1 =	sne.s32 s19, $0x7F;
	v19 =	vmov s2  }
0x387: {  	v19 =	vshrl.u32 v19, $0x3  }
0x388: {  	v19 =	vshll.u32 v19, v1  }
0x389: {  	v19 =	vbroadcast v19, $0x0  }
0x38a: {  	s17 =	sadd.s32 $0x100, s17;
	[tilespmem:v18+s31+$0x0] =	vst.idx.msk $0xffff, v17  }
0x38b: {  	v17 =	vld [tilespmem:s17+$0xFFFFFF80];
	v18 =	vor.u32 v0, v19;
	_ =	sdelay $0x4  }
0x38c: {  	[tilespmem:v18+s31+$0x0] =	vst.idx.msk $0xffff, v17  }
0x38d: {  	s2 =	sadd.s32 $0xFFFFFFFA, s18;
	v18 =	vor.u32 v2, v19;
	v17 =	vld [tilespmem:s17+$0xFFFFFF90]  }
0x38e: {  	v19 =	vmov s2  }
0x38f: {  	v19 =	vshrl.u32 v19, $0x3  }
0x390: {  	v19 =	vshll.u32 v19, v1  }
0x391: {  	v19 =	vbroadcast v19, $0x0  }
0x392: {  	[tilespmem:v18+s31+$0x0] =	vst.idx.msk $0xffff, v17  }
0x393: {  	v18 =	vadd.s32 v3, v19;
	v17 =	vld [tilespmem:s17+$0xFFFFFFA0];
	_ =	sdelay $0x4  }
0x394: {  	[tilespmem:v18+s31+$0x0] =	vst.idx.msk $0xffff, v17  }
0x395: {  	s2 =	sadd.s32 $0xFFFFFFFB, s18;
	v18 =	vadd.s32 v4, v19;
	v17 =	vld [tilespmem:s17+$0xFFFFFFB0]  }
0x396: {  	v19 =	vmov s2  }
0x397: {  	v19 =	vshrl.u32 v19, $0x3  }
0x398: {  	v19 =	vshll.u32 v19, v1  }
0x399: {  	v19 =	vbroadcast v19, $0x0  }
0x39a: {  	[tilespmem:v18+s31+$0x0] =	vst.idx.msk $0xffff, v17  }
0x39b: {  	v18 =	vadd.s32 v5, v19;
	v17 =	vld [tilespmem:s17+$0xFFFFFFC0];
	_ =	sdelay $0x4  }
0x39c: {  	[tilespmem:v18+s31+$0x0] =	vst.idx.msk $0xffff, v17  }
0x39d: {  	s2 =	sadd.s32 $0xFFFFFFFC, s18;
	v18 =	vadd.s32 v6, v19;
	v17 =	vld [tilespmem:s17+$0xFFFFFFD0]  }
0x39e: {  	v19 =	vmov s2  }
0x39f: {  	v19 =	vshrl.u32 v19, $0x3  }
0x3a0: {  	v19 =	vshll.u32 v19, v1  }
0x3a1: {  	v19 =	vbroadcast v19, $0x0  }
0x3a2: {  	[tilespmem:v18+s31+$0x0] =	vst.idx.msk $0xffff, v17  }
0x3a3: {  	v18 =	vadd.s32 v7, v19;
	v17 =	vld [tilespmem:s17+$0xFFFFFFE0];
	_ =	sdelay $0x4  }
0x3a4: {  	[tilespmem:v18+s31+$0x0] =	vst.idx.msk $0xffff, v17  }
0x3a5: {  	s2 =	sadd.s32 $0xFFFFFFFD, s18;
	v18 =	vadd.s32 v8, v19;
	v17 =	vld [tilespmem:s17+$0xFFFFFFF0]  }
0x3a6: {  	v19 =	vmov s2  }
0x3a7: {  	v19 =	vshrl.u32 v19, $0x3  }
0x3a8: {  	v19 =	vshll.u32 v19, v1  }
0x3a9: {  	v19 =	vbroadcast v19, $0x0  }
0x3aa: {  	[tilespmem:v18+s31+$0x0] =	vst.idx.msk $0xffff, v17  }
0x3ab: {  	v18 =	vadd.s32 v9, v19;
	v17 =	vld [tilespmem:s17+$0x0];
	_ =	sdelay $0x4  }
0x3ac: {  	[tilespmem:v18+s31+$0x0] =	vst.idx.msk $0xffff, v17  }
0x3ad: {  	s2 =	sadd.s32 $0xFFFFFFFE, s18;
	v18 =	vadd.s32 v10, v19;
	v17 =	vld [tilespmem:s17+$0x10]  }
0x3ae: {  	v19 =	vmov s2  }
0x3af: {  	v19 =	vshrl.u32 v19, $0x3  }
0x3b0: {  	v19 =	vshll.u32 v19, v1  }
0x3b1: {  	v19 =	vbroadcast v19, $0x0  }
0x3b2: {  	[tilespmem:v18+s31+$0x0] =	vst.idx.msk $0xffff, v17  }
0x3b3: {  	v18 =	vadd.s32 v11, v19;
	v17 =	vld [tilespmem:s17+$0x20];
	_ =	sdelay $0x4  }
0x3b4: {  	[tilespmem:v18+s31+$0x0] =	vst.idx.msk $0xffff, v17  }
0x3b5: {  	s2 =	sadd.s32 $0xFFFFFFFF, s18;
	v18 =	vadd.s32 v12, v19;
	v17 =	vld [tilespmem:s17+$0x30]  }
0x3b6: {  	v19 =	vmov s2  }
0x3b7: {  	v19 =	vshrl.u32 v19, $0x3  }
0x3b8: {  	v19 =	vshll.u32 v19, v1  }
0x3b9: {  	v19 =	vbroadcast v19, $0x0  }
0x3ba: {  	[tilespmem:v18+s31+$0x0] =	vst.idx.msk $0xffff, v17  }
0x3bb: {  	v18 =	vadd.s32 v13, v19;
	v17 =	vld [tilespmem:s17+$0x40];
	_ =	sdelay $0x4  }
0x3bc: {  	[tilespmem:v18+s31+$0x0] =	vst.idx.msk $0xffff, v17  }
0x3bd: {  	v18 =	vadd.s32 v14, v19;
	v17 =	vld [tilespmem:s17+$0x50]  }
0x3be: {  	v19 =	vmov s18;
	s18 =	smov.u32 s19  }
0x3bf: {  	v19 =	vshrl.u32 v19, $0x3  }
0x3c0: {  	v19 =	vshll.u32 v19, v1  }
0x3c1: {  	v19 =	vbroadcast v19, $0x0  }
0x3c2: {  	[tilespmem:v18+s31+$0x0] =	vst.idx.msk $0xffff, v17  }
0x3c3: {  	v18 =	vadd.s32 v15, v19;
	v17 =	vld [tilespmem:s17+$0x60];
	_ =	sdelay $0x1  }
.Ltmp7:
0x3c4: {  	(pc) =	sbr.rel @p1 .LBB2_15-.Ltmp7, $3  }
0x3c5: {  	_ =	sdelay $0x1  }
0x3c6: {  	[tilespmem:v18+s31+$0x0] =	vst.idx.msk $0xffff, v17  }
0x3c7: {  	s19 =	sadd.s32 $0x8, s19;
	s2 =	sadd.s32 $0xFFFFFFF9, s18;
	v18 =	vadd.s32 v16, v19;
	v17 =	vld [tilespmem:s17+$0x70]  }
0x3c8: {  	v19 =	vmov s2  }
0x3c9: {  	v19 =	vshrl.u32 v19, $0x3  }
0x3ca: {  	v19 =	vshll.u32 v19, v1  }
0x3cb: {  	v19 =	vbroadcast v19, $0x0  }
0x3cc: {  	s17 =	sadd.s32 $0x100, s17;
	[tilespmem:v18+s31+$0x0] =	vst.idx.msk $0xffff, v17  }
0x3cd: {  	v17 =	vld [tilespmem:s17+$0xFFFFFF80];
	v18 =	vor.u32 v0, v19;
	_ =	sdelay $0x4  }
0x3ce: {  	[tilespmem:v18+s31+$0x0] =	vst.idx.msk $0xffff, v17  }
0x3cf: {  	s19 =	sadd.s32 $0xFFFFFFFA, s18;
	v18 =	vor.u32 v2, v19;
	v17 =	vld [tilespmem:s17+$0xFFFFFF90]  }
0x3d0: {  	v19 =	vmov s19  }
0x3d1: {  	v19 =	vshrl.u32 v19, $0x3  }
0x3d2: {  	v19 =	vshll.u32 v19, v1  }
0x3d3: {  	v19 =	vbroadcast v19, $0x0  }
0x3d4: {  	[tilespmem:v18+s31+$0x0] =	vst.idx.msk $0xffff, v17  }
0x3d5: {  	v18 =	vadd.s32 v3, v19;
	v17 =	vld [tilespmem:s17+$0xFFFFFFA0];
	_ =	sdelay $0x4  }
0x3d6: {  	[tilespmem:v18+s31+$0x0] =	vst.idx.msk $0xffff, v17  }
0x3d7: {  	s19 =	sadd.s32 $0xFFFFFFFB, s18;
	v18 =	vadd.s32 v4, v19;
	v17 =	vld [tilespmem:s17+$0xFFFFFFB0]  }
0x3d8: {  	v19 =	vmov s19  }
0x3d9: {  	v19 =	vshrl.u32 v19, $0x3  }
0x3da: {  	v19 =	vshll.u32 v19, v1  }
0x3db: {  	v19 =	vbroadcast v19, $0x0  }
0x3dc: {  	[tilespmem:v18+s31+$0x0] =	vst.idx.msk $0xffff, v17  }
0x3dd: {  	v18 =	vadd.s32 v5, v19;
	v17 =	vld [tilespmem:s17+$0xFFFFFFC0];
	_ =	sdelay $0x4  }
0x3de: {  	[tilespmem:v18+s31+$0x0] =	vst.idx.msk $0xffff, v17  }
0x3df: {  	s19 =	sadd.s32 $0xFFFFFFFC, s18;
	v18 =	vadd.s32 v6, v19;
	v17 =	vld [tilespmem:s17+$0xFFFFFFD0]  }
0x3e0: {  	v19 =	vmov s19  }
0x3e1: {  	v19 =	vshrl.u32 v19, $0x3  }
0x3e2: {  	v19 =	vshll.u32 v19, v1  }
0x3e3: {  	v19 =	vbroadcast v19, $0x0  }
0x3e4: {  	[tilespmem:v18+s31+$0x0] =	vst.idx.msk $0xffff, v17  }
0x3e5: {  	v18 =	vadd.s32 v7, v19;
	v17 =	vld [tilespmem:s17+$0xFFFFFFE0];
	_ =	sdelay $0x4  }
0x3e6: {  	[tilespmem:v18+s31+$0x0] =	vst.idx.msk $0xffff, v17  }
0x3e7: {  	s19 =	sadd.s32 $0xFFFFFFFD, s18;
	v18 =	vadd.s32 v8, v19;
	v17 =	vld [tilespmem:s17+$0xFFFFFFF0]  }
0x3e8: {  	v19 =	vmov s19  }
0x3e9: {  	v19 =	vshrl.u32 v19, $0x3  }
0x3ea: {  	v19 =	vshll.u32 v19, v1  }
0x3eb: {  	v19 =	vbroadcast v19, $0x0  }
0x3ec: {  	[tilespmem:v18+s31+$0x0] =	vst.idx.msk $0xffff, v17  }
0x3ed: {  	v18 =	vadd.s32 v9, v19;
	v17 =	vld [tilespmem:s17+$0x0];
	_ =	sdelay $0x4  }
0x3ee: {  	[tilespmem:v18+s31+$0x0] =	vst.idx.msk $0xffff, v17  }
0x3ef: {  	s19 =	sadd.s32 $0xFFFFFFFE, s18;
	v18 =	vadd.s32 v10, v19;
	v17 =	vld [tilespmem:s17+$0x10]  }
0x3f0: {  	v19 =	vmov s19  }
0x3f1: {  	v19 =	vshrl.u32 v19, $0x3  }
0x3f2: {  	v19 =	vshll.u32 v19, v1  }
0x3f3: {  	v19 =	vbroadcast v19, $0x0  }
0x3f4: {  	[tilespmem:v18+s31+$0x0] =	vst.idx.msk $0xffff, v17  }
0x3f5: {  	v18 =	vadd.s32 v11, v19;
	v17 =	vld [tilespmem:s17+$0x20];
	_ =	sdelay $0x4  }
0x3f6: {  	[tilespmem:v18+s31+$0x0] =	vst.idx.msk $0xffff, v17  }
0x3f7: {  	s19 =	sadd.s32 $0xFFFFFFFF, s18;
	v18 =	vadd.s32 v12, v19;
	v17 =	vld [tilespmem:s17+$0x30]  }
0x3f8: {  	v19 =	vmov s19  }
0x3f9: {  	v19 =	vshrl.u32 v19, $0x3  }
0x3fa: {  	v19 =	vshll.u32 v19, v1  }
0x3fb: {  	v19 =	vbroadcast v19, $0x0  }
0x3fc: {  	[tilespmem:v18+s31+$0x0] =	vst.idx.msk $0xffff, v17  }
0x3fd: {  	v18 =	vadd.s32 v13, v19;
	v17 =	vld [tilespmem:s17+$0x40];
	_ =	sdelay $0x4  }
0x3fe: {  	[tilespmem:v18+s31+$0x0] =	vst.idx.msk $0xffff, v17  }
0x3ff: {  	v18 =	vadd.s32 v14, v19;
	v17 =	vld [tilespmem:s17+$0x50]  }
0x400: {  	v19 =	vmov s18  }
0x401: {  	v19 =	vshrl.u32 v19, $0x3  }
0x402: {  	v19 =	vshll.u32 v19, v1  }
0x403: {  	v19 =	vbroadcast v19, $0x0  }
0x404: {  	[tilespmem:v18+s31+$0x0] =	vst.idx.msk $0xffff, v17  }
0x405: {  	v18 =	vadd.s32 v15, v19;
	v17 =	vld [tilespmem:s17+$0x60];
	_ =	sdelay $0x4  }
0x406: {  	[tilespmem:v18+s31+$0x0] =	vst.idx.msk $0xffff, v17  }
0x407: {  	v18 =	vadd.s32 v16, v19;
	v17 =	vld [tilespmem:s17+$0x70];
	_ =	sdelay $0x2  }
0x408: {  	s18 =	simm.s32 $0x0  }
0x409: {  	v19 =	vmov s18  }
0x40a: {  	s2 =	sadd.s32 @!p0 $0x580, s15;
	s18 =	simm.s32 @!p0 $0x9400;
	s17 =	simm.s32 @!p0 $0x80;
	[tilespmem:v18+s31+$0x0] =	vst.idx.msk $0xffff, v17;
	v17 =	vadd.s32 $0x80, v19  }
0x40b: {  	[tilespmem:s18], [sflag:$0x4] =	stream.indirect.gather @!p0 [hbm4b:s3+s17], $0x20, s2, s17, $0xb8;
	v17 =	vshrl.u32 v17, $0x3;
	[tilespmem:$0x16400] =	vst v63  }
0x40c: {  	_ =	swait.ge [sflag:s0], $0x1000;
	v17 =	vshll.u32 v17, v1  }
0x40d: {  	[sflag:s0] =	ssyncset.done $0x0;
	v17 =	vbroadcast v17, $0x0  }
0x40e: {  	s17 =	simm.s32 $0xB480;
	[sflag:s0] =	ssyncadd.s32 $0xFFFFF000  }
0x40f: {  	v18 =	vld [tilespmem:s17+$0xFFFFFF80];
	v19 =	vadd.s32 v0, v17;
	_ =	sdelay $0x4  }
0x410: {  	s19 =	simm.s32 $0x1;
	[tilespmem:v19+s31+$0x0] =	vst.idx.msk $0xffff, v18  }
0x411: {  	v17 =	vadd.s32 v2, v17;
	v19 =	vmov s19;
	v18 =	vld [tilespmem:s17+$0xFFFFFF90]  }
0x412: {  	v19 =	vadd.s32 $0x80, v19  }
0x413: {  	v19 =	vshrl.u32 v19, $0x3  }
0x414: {  	v19 =	vshll.u32 v19, v1  }
0x415: {  	v19 =	vbroadcast v19, $0x0  }
0x416: {  	[tilespmem:v17+s31+$0x0] =	vst.idx.msk $0xffff, v18  }
0x417: {  	v18 =	vadd.s32 v3, v19;
	v17 =	vld [tilespmem:s17+$0xFFFFFFA0];
	_ =	sdelay $0x4  }
0x418: {  	s18 =	simm.s32 $0x2;
	[tilespmem:v18+s31+$0x0] =	vst.idx.msk $0xffff, v17  }
0x419: {  	v18 =	vadd.s32 v4, v19;
	v19 =	vmov s18;
	v17 =	vld [tilespmem:s17+$0xFFFFFFB0]  }
0x41a: {  	v19 =	vadd.s32 $0x80, v19  }
0x41b: {  	v19 =	vshrl.u32 v19, $0x3  }
0x41c: {  	v19 =	vshll.u32 v19, v1  }
0x41d: {  	v19 =	vbroadcast v19, $0x0  }
0x41e: {  	[tilespmem:v18+s31+$0x0] =	vst.idx.msk $0xffff, v17  }
0x41f: {  	v18 =	vadd.s32 v5, v19;
	v17 =	vld [tilespmem:s17+$0xFFFFFFC0];
	_ =	sdelay $0x4  }
0x420: {  	s19 =	simm.s32 $0x3;
	[tilespmem:v18+s31+$0x0] =	vst.idx.msk $0xffff, v17  }
0x421: {  	v18 =	vadd.s32 v6, v19;
	v19 =	vmov s19;
	v17 =	vld [tilespmem:s17+$0xFFFFFFD0]  }
0x422: {  	v19 =	vadd.s32 $0x80, v19  }
0x423: {  	v19 =	vshrl.u32 v19, $0x3  }
0x424: {  	v19 =	vshll.u32 v19, v1  }
0x425: {  	v19 =	vbroadcast v19, $0x0  }
0x426: {  	[tilespmem:v18+s31+$0x0] =	vst.idx.msk $0xffff, v17  }
0x427: {  	v18 =	vadd.s32 v7, v19;
	v17 =	vld [tilespmem:s17+$0xFFFFFFE0];
	_ =	sdelay $0x4  }
0x428: {  	s18 =	simm.s32 $0x4;
	[tilespmem:v18+s31+$0x0] =	vst.idx.msk $0xffff, v17  }
0x429: {  	v18 =	vadd.s32 v8, v19;
	v19 =	vmov s18;
	v17 =	vld [tilespmem:s17+$0xFFFFFFF0]  }
0x42a: {  	v19 =	vadd.s32 $0x80, v19  }
0x42b: {  	v19 =	vshrl.u32 v19, $0x3  }
0x42c: {  	v19 =	vshll.u32 v19, v1  }
0x42d: {  	v19 =	vbroadcast v19, $0x0  }
0x42e: {  	[tilespmem:v18+s31+$0x0] =	vst.idx.msk $0xffff, v17  }
0x42f: {  	v18 =	vadd.s32 v9, v19;
	v17 =	vld [tilespmem:s17+$0x0];
	_ =	sdelay $0x4  }
0x430: {  	s19 =	simm.s32 $0x5;
	[tilespmem:v18+s31+$0x0] =	vst.idx.msk $0xffff, v17  }
0x431: {  	v18 =	vadd.s32 v10, v19;
	v19 =	vmov s19;
	v17 =	vld [tilespmem:s17+$0x10]  }
0x432: {  	v19 =	vadd.s32 $0x80, v19  }
0x433: {  	v19 =	vshrl.u32 v19, $0x3  }
0x434: {  	v19 =	vshll.u32 v19, v1  }
0x435: {  	v19 =	vbroadcast v19, $0x0  }
0x436: {  	[tilespmem:v18+s31+$0x0] =	vst.idx.msk $0xffff, v17  }
0x437: {  	v18 =	vadd.s32 v11, v19;
	v17 =	vld [tilespmem:s17+$0x20];
	_ =	sdelay $0x4  }
0x438: {  	s18 =	simm.s32 $0x6;
	[tilespmem:v18+s31+$0x0] =	vst.idx.msk $0xffff, v17  }
0x439: {  	v18 =	vadd.s32 v12, v19;
	v19 =	vmov s18;
	v17 =	vld [tilespmem:s17+$0x30]  }
0x43a: {  	v19 =	vadd.s32 $0x80, v19  }
0x43b: {  	v19 =	vshrl.u32 v19, $0x3  }
0x43c: {  	v19 =	vshll.u32 v19, v1  }
0x43d: {  	v19 =	vbroadcast v19, $0x0  }
0x43e: {  	[tilespmem:v18+s31+$0x0] =	vst.idx.msk $0xffff, v17  }
0x43f: {  	v18 =	vadd.s32 v13, v19;
	v17 =	vld [tilespmem:s17+$0x40];
	_ =	sdelay $0x4  }
0x440: {  	s19 =	simm.s32 $0x7;
	[tilespmem:v18+s31+$0x0] =	vst.idx.msk $0xffff, v17  }
0x441: {  	v19 =	vadd.s32 v14, v19;
	v17 =	vmov s19;
	v18 =	vld [tilespmem:s17+$0x50]  }
0x442: {  	v17 =	vadd.s32 $0x80, v17  }
0x443: {  	v17 =	vshrl.u32 v17, $0x3  }
0x444: {  	v17 =	vshll.u32 v17, v1  }
0x445: {  	v17 =	vbroadcast v17, $0x0  }
0x446: {  	[tilespmem:v19+s31+$0x0] =	vst.idx.msk $0xffff, v18  }
0x447: {  	v19 =	vadd.s32 v15, v17;
	v18 =	vld [tilespmem:s17+$0x60];
	_ =	sdelay $0x4  }
0x448: {  	s2 =	simm.s32 $0x8;
	s18 =	simm.s32 $0xF;
	s19 =	simm.s32 $0x17;
	[tilespmem:v19+s31+$0x0] =	vst.idx.msk $0xffff, v18  }
.LBB2_17:
0x449: {  	p1 =	sne.s32 s19, $0x7F;
	v18 =	vmov s2;
	v19 =	vld [tilespmem:s17+$0x70];
	v17 =	vadd.s32 v16, v17  }
0x44a: {  	v18 =	vadd.s32 $0x80, v18  }
0x44b: {  	v18 =	vshrl.u32 v18, $0x3  }
0x44c: {  	v18 =	vshll.u32 v18, v1  }
0x44d: {  	v18 =	vbroadcast v18, $0x0  }
0x44e: {  	s17 =	sadd.s32 $0x100, s17;
	[tilespmem:v17+s31+$0x0] =	vst.idx.msk $0xffff, v19  }
0x44f: {  	v17 =	vld [tilespmem:s17+$0xFFFFFF80];
	v19 =	vadd.s32 v0, v18;
	_ =	sdelay $0x4  }
0x450: {  	s2 =	sadd.s32 $0xFFFFFFFA, s18;
	[tilespmem:v19+s31+$0x0] =	vst.idx.msk $0xffff, v17  }
0x451: {  	v18 =	vadd.s32 v2, v18;
	v19 =	vmov s2;
	v17 =	vld [tilespmem:s17+$0xFFFFFF90]  }
0x452: {  	v19 =	vadd.s32 $0x80, v19  }
0x453: {  	v19 =	vshrl.u32 v19, $0x3  }
0x454: {  	v19 =	vshll.u32 v19, v1  }
0x455: {  	v19 =	vbroadcast v19, $0x0  }
0x456: {  	[tilespmem:v18+s31+$0x0] =	vst.idx.msk $0xffff, v17  }
0x457: {  	v18 =	vadd.s32 v3, v19;
	v17 =	vld [tilespmem:s17+$0xFFFFFFA0];
	_ =	sdelay $0x4  }
0x458: {  	s2 =	sadd.s32 $0xFFFFFFFB, s18;
	[tilespmem:v18+s31+$0x0] =	vst.idx.msk $0xffff, v17  }
0x459: {  	v18 =	vadd.s32 v4, v19;
	v19 =	vmov s2;
	v17 =	vld [tilespmem:s17+$0xFFFFFFB0]  }
0x45a: {  	v19 =	vadd.s32 $0x80, v19  }
0x45b: {  	v19 =	vshrl.u32 v19, $0x3  }
0x45c: {  	v19 =	vshll.u32 v19, v1  }
0x45d: {  	v19 =	vbroadcast v19, $0x0  }
0x45e: {  	[tilespmem:v18+s31+$0x0] =	vst.idx.msk $0xffff, v17  }
0x45f: {  	v18 =	vadd.s32 v5, v19;
	v17 =	vld [tilespmem:s17+$0xFFFFFFC0];
	_ =	sdelay $0x4  }
0x460: {  	s2 =	sadd.s32 $0xFFFFFFFC, s18;
	[tilespmem:v18+s31+$0x0] =	vst.idx.msk $0xffff, v17  }
0x461: {  	v18 =	vadd.s32 v6, v19;
	v19 =	vmov s2;
	v17 =	vld [tilespmem:s17+$0xFFFFFFD0]  }
0x462: {  	v19 =	vadd.s32 $0x80, v19  }
0x463: {  	v19 =	vshrl.u32 v19, $0x3  }
0x464: {  	v19 =	vshll.u32 v19, v1  }
0x465: {  	v19 =	vbroadcast v19, $0x0  }
0x466: {  	[tilespmem:v18+s31+$0x0] =	vst.idx.msk $0xffff, v17  }
0x467: {  	v18 =	vadd.s32 v7, v19;
	v17 =	vld [tilespmem:s17+$0xFFFFFFE0];
	_ =	sdelay $0x4  }
0x468: {  	s2 =	sadd.s32 $0xFFFFFFFD, s18;
	[tilespmem:v18+s31+$0x0] =	vst.idx.msk $0xffff, v17  }
0x469: {  	v18 =	vadd.s32 v8, v19;
	v19 =	vmov s2;
	v17 =	vld [tilespmem:s17+$0xFFFFFFF0]  }
0x46a: {  	v19 =	vadd.s32 $0x80, v19  }
0x46b: {  	v19 =	vshrl.u32 v19, $0x3  }
0x46c: {  	v19 =	vshll.u32 v19, v1  }
0x46d: {  	v19 =	vbroadcast v19, $0x0  }
0x46e: {  	[tilespmem:v18+s31+$0x0] =	vst.idx.msk $0xffff, v17  }
0x46f: {  	v18 =	vadd.s32 v9, v19;
	v17 =	vld [tilespmem:s17+$0x0];
	_ =	sdelay $0x4  }
0x470: {  	s2 =	sadd.s32 $0xFFFFFFFE, s18;
	[tilespmem:v18+s31+$0x0] =	vst.idx.msk $0xffff, v17  }
0x471: {  	v18 =	vadd.s32 v10, v19;
	v19 =	vmov s2;
	v17 =	vld [tilespmem:s17+$0x10]  }
0x472: {  	v19 =	vadd.s32 $0x80, v19  }
0x473: {  	v19 =	vshrl.u32 v19, $0x3  }
0x474: {  	v19 =	vshll.u32 v19, v1  }
0x475: {  	v19 =	vbroadcast v19, $0x0  }
0x476: {  	[tilespmem:v18+s31+$0x0] =	vst.idx.msk $0xffff, v17  }
0x477: {  	v18 =	vadd.s32 v11, v19;
	v17 =	vld [tilespmem:s17+$0x20];
	_ =	sdelay $0x4  }
0x478: {  	s2 =	sadd.s32 $0xFFFFFFFF, s18;
	[tilespmem:v18+s31+$0x0] =	vst.idx.msk $0xffff, v17  }
0x479: {  	v18 =	vadd.s32 v12, v19;
	v19 =	vmov s2;
	v17 =	vld [tilespmem:s17+$0x30]  }
0x47a: {  	v19 =	vadd.s32 $0x80, v19  }
0x47b: {  	v19 =	vshrl.u32 v19, $0x3  }
0x47c: {  	v19 =	vshll.u32 v19, v1  }
0x47d: {  	v19 =	vbroadcast v19, $0x0  }
0x47e: {  	[tilespmem:v18+s31+$0x0] =	vst.idx.msk $0xffff, v17  }
0x47f: {  	v18 =	vadd.s32 v13, v19;
	v17 =	vld [tilespmem:s17+$0x40];
	_ =	sdelay $0x4  }
0x480: {  	[tilespmem:v18+s31+$0x0] =	vst.idx.msk $0xffff, v17  }
0x481: {  	v19 =	vadd.s32 v14, v19;
	v17 =	vmov s18;
	s18 =	smov.u32 s19;
	v18 =	vld [tilespmem:s17+$0x50]  }
0x482: {  	v17 =	vadd.s32 $0x80, v17  }
0x483: {  	v17 =	vshrl.u32 v17, $0x3  }
0x484: {  	v17 =	vshll.u32 v17, v1  }
0x485: {  	v17 =	vbroadcast v17, $0x0  }
0x486: {  	[tilespmem:v19+s31+$0x0] =	vst.idx.msk $0xffff, v18  }
0x487: {  	v19 =	vadd.s32 v15, v17;
	v18 =	vld [tilespmem:s17+$0x60]  }
.Ltmp8:
0x488: {  	(pc) =	sbr.rel @p1 .LBB2_17-.Ltmp8, $2  }
0x489: {  	_ =	sdelay $0x2  }
0x48a: {  	s19 =	sadd.s32 $0x8, s19;
	s2 =	sadd.s32 $0xFFFFFFF9, s18;
	[tilespmem:v19+s31+$0x0] =	vst.idx.msk $0xffff, v18  }
0x48b: {  	v18 =	vmov s2;
	v19 =	vld [tilespmem:s17+$0x70];
	v17 =	vadd.s32 v16, v17  }
0x48c: {  	v18 =	vadd.s32 $0x80, v18  }
0x48d: {  	v18 =	vshrl.u32 v18, $0x3  }
0x48e: {  	v18 =	vshll.u32 v18, v1  }
0x48f: {  	v18 =	vbroadcast v18, $0x0  }
0x490: {  	s17 =	sadd.s32 $0x100, s17;
	[tilespmem:v17+s31+$0x0] =	vst.idx.msk $0xffff, v19  }
0x491: {  	v17 =	vld [tilespmem:s17+$0xFFFFFF80];
	v19 =	vadd.s32 v0, v18;
	_ =	sdelay $0x4  }
0x492: {  	s19 =	sadd.s32 $0xFFFFFFFA, s18;
	[tilespmem:v19+s31+$0x0] =	vst.idx.msk $0xffff, v17  }
0x493: {  	v18 =	vadd.s32 v2, v18;
	v19 =	vmov s19;
	v17 =	vld [tilespmem:s17+$0xFFFFFF90]  }
0x494: {  	v19 =	vadd.s32 $0x80, v19  }
0x495: {  	v19 =	vshrl.u32 v19, $0x3  }
0x496: {  	v19 =	vshll.u32 v19, v1  }
0x497: {  	v19 =	vbroadcast v19, $0x0  }
0x498: {  	[tilespmem:v18+s31+$0x0] =	vst.idx.msk $0xffff, v17  }
0x499: {  	v18 =	vadd.s32 v3, v19;
	v17 =	vld [tilespmem:s17+$0xFFFFFFA0];
	_ =	sdelay $0x4  }
0x49a: {  	s19 =	sadd.s32 $0xFFFFFFFB, s18;
	[tilespmem:v18+s31+$0x0] =	vst.idx.msk $0xffff, v17  }
0x49b: {  	v18 =	vadd.s32 v4, v19;
	v19 =	vmov s19;
	v17 =	vld [tilespmem:s17+$0xFFFFFFB0]  }
0x49c: {  	v19 =	vadd.s32 $0x80, v19  }
0x49d: {  	v19 =	vshrl.u32 v19, $0x3  }
0x49e: {  	v19 =	vshll.u32 v19, v1  }
0x49f: {  	v19 =	vbroadcast v19, $0x0  }
0x4a0: {  	[tilespmem:v18+s31+$0x0] =	vst.idx.msk $0xffff, v17  }
0x4a1: {  	v18 =	vadd.s32 v5, v19;
	v17 =	vld [tilespmem:s17+$0xFFFFFFC0];
	_ =	sdelay $0x4  }
0x4a2: {  	s19 =	sadd.s32 $0xFFFFFFFC, s18;
	[tilespmem:v18+s31+$0x0] =	vst.idx.msk $0xffff, v17  }
0x4a3: {  	v18 =	vadd.s32 v6, v19;
	v19 =	vmov s19;
	v17 =	vld [tilespmem:s17+$0xFFFFFFD0]  }
0x4a4: {  	v19 =	vadd.s32 $0x80, v19  }
0x4a5: {  	v19 =	vshrl.u32 v19, $0x3  }
0x4a6: {  	v19 =	vshll.u32 v19, v1  }
0x4a7: {  	v19 =	vbroadcast v19, $0x0  }
0x4a8: {  	[tilespmem:v18+s31+$0x0] =	vst.idx.msk $0xffff, v17  }
0x4a9: {  	v18 =	vadd.s32 v7, v19;
	v17 =	vld [tilespmem:s17+$0xFFFFFFE0];
	_ =	sdelay $0x4  }
0x4aa: {  	s19 =	sadd.s32 $0xFFFFFFFD, s18;
	[tilespmem:v18+s31+$0x0] =	vst.idx.msk $0xffff, v17  }
0x4ab: {  	v18 =	vadd.s32 v8, v19;
	v19 =	vmov s19;
	v17 =	vld [tilespmem:s17+$0xFFFFFFF0]  }
0x4ac: {  	v19 =	vadd.s32 $0x80, v19  }
0x4ad: {  	v19 =	vshrl.u32 v19, $0x3  }
0x4ae: {  	v19 =	vshll.u32 v19, v1  }
0x4af: {  	v19 =	vbroadcast v19, $0x0  }
0x4b0: {  	[tilespmem:v18+s31+$0x0] =	vst.idx.msk $0xffff, v17  }
0x4b1: {  	v18 =	vadd.s32 v9, v19;
	v17 =	vld [tilespmem:s17+$0x0];
	_ =	sdelay $0x4  }
0x4b2: {  	s19 =	sadd.s32 $0xFFFFFFFE, s18;
	[tilespmem:v18+s31+$0x0] =	vst.idx.msk $0xffff, v17  }
0x4b3: {  	v18 =	vadd.s32 v10, v19;
	v19 =	vmov s19;
	v17 =	vld [tilespmem:s17+$0x10]  }
0x4b4: {  	v19 =	vadd.s32 $0x80, v19  }
0x4b5: {  	v19 =	vshrl.u32 v19, $0x3  }
0x4b6: {  	v19 =	vshll.u32 v19, v1  }
0x4b7: {  	v19 =	vbroadcast v19, $0x0  }
0x4b8: {  	[tilespmem:v18+s31+$0x0] =	vst.idx.msk $0xffff, v17  }
0x4b9: {  	v18 =	vadd.s32 v11, v19;
	v17 =	vld [tilespmem:s17+$0x20];
	_ =	sdelay $0x4  }
0x4ba: {  	s19 =	sadd.s32 $0xFFFFFFFF, s18;
	[tilespmem:v18+s31+$0x0] =	vst.idx.msk $0xffff, v17  }
0x4bb: {  	v18 =	vadd.s32 v12, v19;
	v19 =	vmov s19;
	v17 =	vld [tilespmem:s17+$0x30]  }
0x4bc: {  	v19 =	vadd.s32 $0x80, v19  }
0x4bd: {  	v19 =	vshrl.u32 v19, $0x3  }
0x4be: {  	v19 =	vshll.u32 v19, v1  }
0x4bf: {  	v19 =	vbroadcast v19, $0x0  }
0x4c0: {  	[tilespmem:v18+s31+$0x0] =	vst.idx.msk $0xffff, v17  }
0x4c1: {  	v18 =	vadd.s32 v13, v19;
	v17 =	vld [tilespmem:s17+$0x40];
	_ =	sdelay $0x4  }
0x4c2: {  	[tilespmem:v18+s31+$0x0] =	vst.idx.msk $0xffff, v17  }
0x4c3: {  	v18 =	vadd.s32 v14, v19;
	v19 =	vmov s18;
	v17 =	vld [tilespmem:s17+$0x50]  }
0x4c4: {  	v19 =	vadd.s32 $0x80, v19  }
0x4c5: {  	v19 =	vshrl.u32 v19, $0x3  }
0x4c6: {  	v19 =	vshll.u32 v19, v1  }
0x4c7: {  	v19 =	vbroadcast v19, $0x0  }
0x4c8: {  	[tilespmem:v18+s31+$0x0] =	vst.idx.msk $0xffff, v17  }
0x4c9: {  	v18 =	vadd.s32 v15, v19;
	v17 =	vld [tilespmem:s17+$0x60];
	_ =	sdelay $0x4  }
0x4ca: {  	[tilespmem:v18+s31+$0x0] =	vst.idx.msk $0xffff, v17  }
0x4cb: {  	v18 =	vadd.s32 v16, v19;
	v17 =	vld [tilespmem:s17+$0x70];
	_ =	sdelay $0x3  }
0x4cc: {  	s2 =	simm.s32 $0x0  }
0x4cd: {  	s19 =	simm.s32 @!p0 $0xA400;
	s18 =	simm.s32 @!p0 $0x80;
	s17 =	sadd.s32 @!p0 $0x600, s15;
	[tilespmem:v18+s31+$0x0] =	vst.idx.msk $0xffff, v17;
	v17 =	vmov s2  }
0x4ce: {  	[tilespmem:s19], [sflag:$0x5] =	stream.indirect.gather @!p0 [hbm4b:s3+s18], $0x20, s17, s18, $0xb8;
	v17 =	vadd.s32 $0x100, v17;
	[tilespmem:$0x16400] =	vst v63  }
0x4cf: {  	s18 =	simm.s32 $0x7;
	v17 =	vshrl.u32 v17, $0x3  }
0x4d0: {  	_ =	swait.ge [sflag:s18], $0x1000;
	v17 =	vshll.u32 v17, v1  }
0x4d1: {  	[sflag:s18] =	ssyncset.done $0x0;
	v17 =	vbroadcast v17, $0x0  }
0x4d2: {  	s17 =	simm.s32 $0xC480;
	[sflag:s18] =	ssyncadd.s32 $0xFFFFF000  }
0x4d3: {  	v18 =	vld [tilespmem:s17+$0xFFFFFF80];
	v19 =	vadd.s32 v0, v17;
	_ =	sdelay $0x4  }
0x4d4: {  	s19 =	simm.s32 $0x1;
	[tilespmem:v19+s31+$0x0] =	vst.idx.msk $0xffff, v18  }
0x4d5: {  	v17 =	vadd.s32 v2, v17;
	v19 =	vmov s19;
	v18 =	vld [tilespmem:s17+$0xFFFFFF90]  }
0x4d6: {  	v19 =	vadd.s32 $0x100, v19  }
0x4d7: {  	v19 =	vshrl.u32 v19, $0x3  }
0x4d8: {  	v19 =	vshll.u32 v19, v1  }
0x4d9: {  	v19 =	vbroadcast v19, $0x0  }
0x4da: {  	[tilespmem:v17+s31+$0x0] =	vst.idx.msk $0xffff, v18  }
0x4db: {  	v18 =	vadd.s32 v3, v19;
	v17 =	vld [tilespmem:s17+$0xFFFFFFA0];
	_ =	sdelay $0x4  }
0x4dc: {  	s19 =	simm.s32 $0x2;
	[tilespmem:v18+s31+$0x0] =	vst.idx.msk $0xffff, v17  }
0x4dd: {  	v18 =	vadd.s32 v4, v19;
	v19 =	vmov s19;
	v17 =	vld [tilespmem:s17+$0xFFFFFFB0]  }
0x4de: {  	v19 =	vadd.s32 $0x100, v19  }
0x4df: {  	v19 =	vshrl.u32 v19, $0x3  }
0x4e0: {  	v19 =	vshll.u32 v19, v1  }
0x4e1: {  	v19 =	vbroadcast v19, $0x0  }
0x4e2: {  	[tilespmem:v18+s31+$0x0] =	vst.idx.msk $0xffff, v17  }
0x4e3: {  	v18 =	vadd.s32 v5, v19;
	v17 =	vld [tilespmem:s17+$0xFFFFFFC0];
	_ =	sdelay $0x4  }
0x4e4: {  	s19 =	simm.s32 $0x3;
	[tilespmem:v18+s31+$0x0] =	vst.idx.msk $0xffff, v17  }
0x4e5: {  	v18 =	vadd.s32 v6, v19;
	v19 =	vmov s19;
	v17 =	vld [tilespmem:s17+$0xFFFFFFD0]  }
0x4e6: {  	v19 =	vadd.s32 $0x100, v19  }
0x4e7: {  	v19 =	vshrl.u32 v19, $0x3  }
0x4e8: {  	v19 =	vshll.u32 v19, v1  }
0x4e9: {  	v19 =	vbroadcast v19, $0x0  }
0x4ea: {  	[tilespmem:v18+s31+$0x0] =	vst.idx.msk $0xffff, v17  }
0x4eb: {  	v18 =	vadd.s32 v7, v19;
	v17 =	vld [tilespmem:s17+$0xFFFFFFE0];
	_ =	sdelay $0x4  }
0x4ec: {  	s19 =	simm.s32 $0x4;
	[tilespmem:v18+s31+$0x0] =	vst.idx.msk $0xffff, v17  }
0x4ed: {  	v18 =	vadd.s32 v8, v19;
	v19 =	vmov s19;
	v17 =	vld [tilespmem:s17+$0xFFFFFFF0]  }
0x4ee: {  	v19 =	vadd.s32 $0x100, v19  }
0x4ef: {  	v19 =	vshrl.u32 v19, $0x3  }
0x4f0: {  	v19 =	vshll.u32 v19, v1  }
0x4f1: {  	v19 =	vbroadcast v19, $0x0  }
0x4f2: {  	[tilespmem:v18+s31+$0x0] =	vst.idx.msk $0xffff, v17  }
0x4f3: {  	v18 =	vadd.s32 v9, v19;
	v17 =	vld [tilespmem:s17+$0x0];
	_ =	sdelay $0x4  }
0x4f4: {  	s19 =	simm.s32 $0x5;
	[tilespmem:v18+s31+$0x0] =	vst.idx.msk $0xffff, v17  }
0x4f5: {  	v18 =	vadd.s32 v10, v19;
	v19 =	vmov s19;
	v17 =	vld [tilespmem:s17+$0x10]  }
0x4f6: {  	v19 =	vadd.s32 $0x100, v19  }
0x4f7: {  	v19 =	vshrl.u32 v19, $0x3  }
0x4f8: {  	v19 =	vshll.u32 v19, v1  }
0x4f9: {  	v19 =	vbroadcast v19, $0x0  }
0x4fa: {  	[tilespmem:v18+s31+$0x0] =	vst.idx.msk $0xffff, v17  }
0x4fb: {  	v18 =	vadd.s32 v11, v19;
	v17 =	vld [tilespmem:s17+$0x20];
	_ =	sdelay $0x4  }
0x4fc: {  	s19 =	simm.s32 $0x6;
	[tilespmem:v18+s31+$0x0] =	vst.idx.msk $0xffff, v17  }
0x4fd: {  	v18 =	vadd.s32 v12, v19;
	v19 =	vmov s19;
	v17 =	vld [tilespmem:s17+$0x30]  }
0x4fe: {  	v19 =	vadd.s32 $0x100, v19  }
0x4ff: {  	v19 =	vshrl.u32 v19, $0x3  }
0x500: {  	v19 =	vshll.u32 v19, v1  }
0x501: {  	v19 =	vbroadcast v19, $0x0  }
0x502: {  	[tilespmem:v18+s31+$0x0] =	vst.idx.msk $0xffff, v17  }
0x503: {  	v18 =	vadd.s32 v13, v19;
	v17 =	vld [tilespmem:s17+$0x40];
	_ =	sdelay $0x4  }
0x504: {  	[tilespmem:v18+s31+$0x0] =	vst.idx.msk $0xffff, v17  }
0x505: {  	v19 =	vadd.s32 v14, v19;
	v17 =	vmov s18;
	v18 =	vld [tilespmem:s17+$0x50]  }
0x506: {  	v17 =	vadd.s32 $0x100, v17  }
0x507: {  	v17 =	vshrl.u32 v17, $0x3  }
0x508: {  	v17 =	vshll.u32 v17, v1  }
0x509: {  	v17 =	vbroadcast v17, $0x0  }
0x50a: {  	[tilespmem:v19+s31+$0x0] =	vst.idx.msk $0xffff, v18  }
0x50b: {  	v19 =	vadd.s32 v15, v17;
	v18 =	vld [tilespmem:s17+$0x60];
	_ =	sdelay $0x4  }
0x50c: {  	s2 =	simm.s32 $0x8;
	s19 =	simm.s32 $0x17;
	s18 =	simm.s32 $0xF;
	[tilespmem:v19+s31+$0x0] =	vst.idx.msk $0xffff, v18  }
.LBB2_19:
0x50d: {  	p1 =	sne.s32 s19, $0x7F;
	v18 =	vmov s2;
	v19 =	vld [tilespmem:s17+$0x70];
	v17 =	vadd.s32 v16, v17  }
0x50e: {  	v18 =	vadd.s32 $0x100, v18  }
0x50f: {  	v18 =	vshrl.u32 v18, $0x3  }
0x510: {  	v18 =	vshll.u32 v18, v1  }
0x511: {  	v18 =	vbroadcast v18, $0x0  }
0x512: {  	s17 =	sadd.s32 $0x100, s17;
	[tilespmem:v17+s31+$0x0] =	vst.idx.msk $0xffff, v19  }
0x513: {  	v17 =	vld [tilespmem:s17+$0xFFFFFF80];
	v19 =	vadd.s32 v0, v18;
	_ =	sdelay $0x4  }
0x514: {  	s2 =	sadd.s32 $0xFFFFFFFA, s18;
	[tilespmem:v19+s31+$0x0] =	vst.idx.msk $0xffff, v17  }
0x515: {  	v18 =	vadd.s32 v2, v18;
	v19 =	vmov s2;
	v17 =	vld [tilespmem:s17+$0xFFFFFF90]  }
0x516: {  	v19 =	vadd.s32 $0x100, v19  }
0x517: {  	v19 =	vshrl.u32 v19, $0x3  }
0x518: {  	v19 =	vshll.u32 v19, v1  }
0x519: {  	v19 =	vbroadcast v19, $0x0  }
0x51a: {  	[tilespmem:v18+s31+$0x0] =	vst.idx.msk $0xffff, v17  }
0x51b: {  	v18 =	vadd.s32 v3, v19;
	v17 =	vld [tilespmem:s17+$0xFFFFFFA0];
	_ =	sdelay $0x4  }
0x51c: {  	s2 =	sadd.s32 $0xFFFFFFFB, s18;
	[tilespmem:v18+s31+$0x0] =	vst.idx.msk $0xffff, v17  }
0x51d: {  	v18 =	vadd.s32 v4, v19;
	v19 =	vmov s2;
	v17 =	vld [tilespmem:s17+$0xFFFFFFB0]  }
0x51e: {  	v19 =	vadd.s32 $0x100, v19  }
0x51f: {  	v19 =	vshrl.u32 v19, $0x3  }
0x520: {  	v19 =	vshll.u32 v19, v1  }
0x521: {  	v19 =	vbroadcast v19, $0x0  }
0x522: {  	[tilespmem:v18+s31+$0x0] =	vst.idx.msk $0xffff, v17  }
0x523: {  	v18 =	vadd.s32 v5, v19;
	v17 =	vld [tilespmem:s17+$0xFFFFFFC0];
	_ =	sdelay $0x4  }
0x524: {  	s2 =	sadd.s32 $0xFFFFFFFC, s18;
	[tilespmem:v18+s31+$0x0] =	vst.idx.msk $0xffff, v17  }
0x525: {  	v18 =	vadd.s32 v6, v19;
	v19 =	vmov s2;
	v17 =	vld [tilespmem:s17+$0xFFFFFFD0]  }
0x526: {  	v19 =	vadd.s32 $0x100, v19  }
0x527: {  	v19 =	vshrl.u32 v19, $0x3  }
0x528: {  	v19 =	vshll.u32 v19, v1  }
0x529: {  	v19 =	vbroadcast v19, $0x0  }
0x52a: {  	[tilespmem:v18+s31+$0x0] =	vst.idx.msk $0xffff, v17  }
0x52b: {  	v18 =	vadd.s32 v7, v19;
	v17 =	vld [tilespmem:s17+$0xFFFFFFE0];
	_ =	sdelay $0x4  }
0x52c: {  	s2 =	sadd.s32 $0xFFFFFFFD, s18;
	[tilespmem:v18+s31+$0x0] =	vst.idx.msk $0xffff, v17  }
0x52d: {  	v18 =	vadd.s32 v8, v19;
	v19 =	vmov s2;
	v17 =	vld [tilespmem:s17+$0xFFFFFFF0]  }
0x52e: {  	v19 =	vadd.s32 $0x100, v19  }
0x52f: {  	v19 =	vshrl.u32 v19, $0x3  }
0x530: {  	v19 =	vshll.u32 v19, v1  }
0x531: {  	v19 =	vbroadcast v19, $0x0  }
0x532: {  	[tilespmem:v18+s31+$0x0] =	vst.idx.msk $0xffff, v17  }
0x533: {  	v18 =	vadd.s32 v9, v19;
	v17 =	vld [tilespmem:s17+$0x0];
	_ =	sdelay $0x4  }
0x534: {  	s2 =	sadd.s32 $0xFFFFFFFE, s18;
	[tilespmem:v18+s31+$0x0] =	vst.idx.msk $0xffff, v17  }
0x535: {  	v18 =	vadd.s32 v10, v19;
	v19 =	vmov s2;
	v17 =	vld [tilespmem:s17+$0x10]  }
0x536: {  	v19 =	vadd.s32 $0x100, v19  }
0x537: {  	v19 =	vshrl.u32 v19, $0x3  }
0x538: {  	v19 =	vshll.u32 v19, v1  }
0x539: {  	v19 =	vbroadcast v19, $0x0  }
0x53a: {  	[tilespmem:v18+s31+$0x0] =	vst.idx.msk $0xffff, v17  }
0x53b: {  	v18 =	vadd.s32 v11, v19;
	v17 =	vld [tilespmem:s17+$0x20];
	_ =	sdelay $0x4  }
0x53c: {  	s2 =	sadd.s32 $0xFFFFFFFF, s18;
	[tilespmem:v18+s31+$0x0] =	vst.idx.msk $0xffff, v17  }
0x53d: {  	v18 =	vadd.s32 v12, v19;
	v19 =	vmov s2;
	v17 =	vld [tilespmem:s17+$0x30]  }
0x53e: {  	v19 =	vadd.s32 $0x100, v19  }
0x53f: {  	v19 =	vshrl.u32 v19, $0x3  }
0x540: {  	v19 =	vshll.u32 v19, v1  }
0x541: {  	v19 =	vbroadcast v19, $0x0  }
0x542: {  	[tilespmem:v18+s31+$0x0] =	vst.idx.msk $0xffff, v17  }
0x543: {  	v18 =	vadd.s32 v13, v19;
	v17 =	vld [tilespmem:s17+$0x40];
	_ =	sdelay $0x4  }
0x544: {  	[tilespmem:v18+s31+$0x0] =	vst.idx.msk $0xffff, v17  }
0x545: {  	v19 =	vadd.s32 v14, v19;
	v17 =	vmov s18;
	s18 =	smov.u32 s19;
	v18 =	vld [tilespmem:s17+$0x50]  }
0x546: {  	v17 =	vadd.s32 $0x100, v17  }
0x547: {  	v17 =	vshrl.u32 v17, $0x3  }
0x548: {  	v17 =	vshll.u32 v17, v1  }
0x549: {  	v17 =	vbroadcast v17, $0x0  }
0x54a: {  	[tilespmem:v19+s31+$0x0] =	vst.idx.msk $0xffff, v18  }
0x54b: {  	v19 =	vadd.s32 v15, v17;
	v18 =	vld [tilespmem:s17+$0x60]  }
.Ltmp9:
0x54c: {  	(pc) =	sbr.rel @p1 .LBB2_19-.Ltmp9, $2  }
0x54d: {  	_ =	sdelay $0x2  }
0x54e: {  	s19 =	sadd.s32 $0x8, s19;
	s2 =	sadd.s32 $0xFFFFFFF9, s18;
	[tilespmem:v19+s31+$0x0] =	vst.idx.msk $0xffff, v18  }
0x54f: {  	v18 =	vmov s2;
	v19 =	vld [tilespmem:s17+$0x70];
	v17 =	vadd.s32 v16, v17  }
0x550: {  	v18 =	vadd.s32 $0x100, v18  }
0x551: {  	v18 =	vshrl.u32 v18, $0x3  }
0x552: {  	v18 =	vshll.u32 v18, v1  }
0x553: {  	v18 =	vbroadcast v18, $0x0  }
0x554: {  	s17 =	sadd.s32 $0x100, s17;
	[tilespmem:v17+s31+$0x0] =	vst.idx.msk $0xffff, v19  }
0x555: {  	v17 =	vld [tilespmem:s17+$0xFFFFFF80];
	v19 =	vadd.s32 v0, v18;
	_ =	sdelay $0x4  }
0x556: {  	s19 =	sadd.s32 $0xFFFFFFFA, s18;
	[tilespmem:v19+s31+$0x0] =	vst.idx.msk $0xffff, v17  }
0x557: {  	v18 =	vadd.s32 v2, v18;
	v19 =	vmov s19;
	v17 =	vld [tilespmem:s17+$0xFFFFFF90]  }
0x558: {  	v19 =	vadd.s32 $0x100, v19  }
0x559: {  	v19 =	vshrl.u32 v19, $0x3  }
0x55a: {  	v19 =	vshll.u32 v19, v1  }
0x55b: {  	v19 =	vbroadcast v19, $0x0  }
0x55c: {  	[tilespmem:v18+s31+$0x0] =	vst.idx.msk $0xffff, v17  }
0x55d: {  	v18 =	vadd.s32 v3, v19;
	v17 =	vld [tilespmem:s17+$0xFFFFFFA0];
	_ =	sdelay $0x4  }
0x55e: {  	s19 =	sadd.s32 $0xFFFFFFFB, s18;
	[tilespmem:v18+s31+$0x0] =	vst.idx.msk $0xffff, v17  }
0x55f: {  	v18 =	vadd.s32 v4, v19;
	v19 =	vmov s19;
	v17 =	vld [tilespmem:s17+$0xFFFFFFB0]  }
0x560: {  	v19 =	vadd.s32 $0x100, v19  }
0x561: {  	v19 =	vshrl.u32 v19, $0x3  }
0x562: {  	v19 =	vshll.u32 v19, v1  }
0x563: {  	v19 =	vbroadcast v19, $0x0  }
0x564: {  	[tilespmem:v18+s31+$0x0] =	vst.idx.msk $0xffff, v17  }
0x565: {  	v18 =	vadd.s32 v5, v19;
	v17 =	vld [tilespmem:s17+$0xFFFFFFC0];
	_ =	sdelay $0x4  }
0x566: {  	s19 =	sadd.s32 $0xFFFFFFFC, s18;
	[tilespmem:v18+s31+$0x0] =	vst.idx.msk $0xffff, v17  }
0x567: {  	v18 =	vadd.s32 v6, v19;
	v19 =	vmov s19;
	v17 =	vld [tilespmem:s17+$0xFFFFFFD0]  }
0x568: {  	v19 =	vadd.s32 $0x100, v19  }
0x569: {  	v19 =	vshrl.u32 v19, $0x3  }
0x56a: {  	v19 =	vshll.u32 v19, v1  }
0x56b: {  	v19 =	vbroadcast v19, $0x0  }
0x56c: {  	[tilespmem:v18+s31+$0x0] =	vst.idx.msk $0xffff, v17  }
0x56d: {  	v18 =	vadd.s32 v7, v19;
	v17 =	vld [tilespmem:s17+$0xFFFFFFE0];
	_ =	sdelay $0x4  }
0x56e: {  	s19 =	sadd.s32 $0xFFFFFFFD, s18;
	[tilespmem:v18+s31+$0x0] =	vst.idx.msk $0xffff, v17  }
0x56f: {  	v18 =	vadd.s32 v8, v19;
	v19 =	vmov s19;
	v17 =	vld [tilespmem:s17+$0xFFFFFFF0]  }
0x570: {  	v19 =	vadd.s32 $0x100, v19  }
0x571: {  	v19 =	vshrl.u32 v19, $0x3  }
0x572: {  	v19 =	vshll.u32 v19, v1  }
0x573: {  	v19 =	vbroadcast v19, $0x0  }
0x574: {  	[tilespmem:v18+s31+$0x0] =	vst.idx.msk $0xffff, v17  }
0x575: {  	v18 =	vadd.s32 v9, v19;
	v17 =	vld [tilespmem:s17+$0x0];
	_ =	sdelay $0x4  }
0x576: {  	s19 =	sadd.s32 $0xFFFFFFFE, s18;
	[tilespmem:v18+s31+$0x0] =	vst.idx.msk $0xffff, v17  }
0x577: {  	v18 =	vadd.s32 v10, v19;
	v19 =	vmov s19;
	v17 =	vld [tilespmem:s17+$0x10]  }
0x578: {  	v19 =	vadd.s32 $0x100, v19  }
0x579: {  	v19 =	vshrl.u32 v19, $0x3  }
0x57a: {  	v19 =	vshll.u32 v19, v1  }
0x57b: {  	v19 =	vbroadcast v19, $0x0  }
0x57c: {  	[tilespmem:v18+s31+$0x0] =	vst.idx.msk $0xffff, v17  }
0x57d: {  	v18 =	vadd.s32 v11, v19;
	v17 =	vld [tilespmem:s17+$0x20];
	_ =	sdelay $0x4  }
0x57e: {  	s19 =	sadd.s32 $0xFFFFFFFF, s18;
	[tilespmem:v18+s31+$0x0] =	vst.idx.msk $0xffff, v17  }
0x57f: {  	v18 =	vadd.s32 v12, v19;
	v19 =	vmov s19;
	v17 =	vld [tilespmem:s17+$0x30]  }
0x580: {  	v19 =	vadd.s32 $0x100, v19  }
0x581: {  	v19 =	vshrl.u32 v19, $0x3  }
0x582: {  	v19 =	vshll.u32 v19, v1  }
0x583: {  	v19 =	vbroadcast v19, $0x0  }
0x584: {  	[tilespmem:v18+s31+$0x0] =	vst.idx.msk $0xffff, v17  }
0x585: {  	v18 =	vadd.s32 v13, v19;
	v17 =	vld [tilespmem:s17+$0x40];
	_ =	sdelay $0x4  }
0x586: {  	[tilespmem:v18+s31+$0x0] =	vst.idx.msk $0xffff, v17  }
0x587: {  	v18 =	vadd.s32 v14, v19;
	v19 =	vmov s18;
	v17 =	vld [tilespmem:s17+$0x50]  }
0x588: {  	v19 =	vadd.s32 $0x100, v19  }
0x589: {  	v19 =	vshrl.u32 v19, $0x3  }
0x58a: {  	v19 =	vshll.u32 v19, v1  }
0x58b: {  	v19 =	vbroadcast v19, $0x0  }
0x58c: {  	[tilespmem:v18+s31+$0x0] =	vst.idx.msk $0xffff, v17  }
0x58d: {  	v18 =	vadd.s32 v15, v19;
	v17 =	vld [tilespmem:s17+$0x60];
	_ =	sdelay $0x4  }
0x58e: {  	[tilespmem:v18+s31+$0x0] =	vst.idx.msk $0xffff, v17  }
0x58f: {  	v18 =	vadd.s32 v16, v19;
	v17 =	vld [tilespmem:s17+$0x70];
	_ =	sdelay $0x2  }
0x590: {  	s18 =	simm.s32 $0x0  }
0x591: {  	v19 =	vmov s18  }
0x592: {  	s2 =	sadd.s32 @!p0 $0x680, s15;
	s15 =	simm.s32 @!p0 $0x80;
	s17 =	simm.s32 @!p0 $0xB400;
	[tilespmem:v18+s31+$0x0] =	vst.idx.msk $0xffff, v17;
	v17 =	vadd.s32 $0x180, v19  }
0x593: {  	[tilespmem:s17], [sflag:$0x6] =	stream.indirect.gather @!p0 [hbm4b:s3+s15], $0x20, s2, s15, $0xb8;
	v17 =	vshrl.u32 v17, $0x3;
	[tilespmem:$0x16400] =	vst v63  }
0x594: {  	_ =	swait.ge [sflag:s1], $0x1000;
	v17 =	vshll.u32 v17, v1  }
0x595: {  	[sflag:s1] =	ssyncset.done $0x0;
	v17 =	vbroadcast v17, $0x0  }
0x596: {  	s15 =	simm.s32 $0xD480;
	[sflag:s1] =	ssyncadd.s32 $0xFFFFF000  }
0x597: {  	v18 =	vld [tilespmem:s15+$0xFFFFFF80];
	v19 =	vadd.s32 v0, v17;
	_ =	sdelay $0x4  }
0x598: {  	s19 =	simm.s32 $0x1;
	[tilespmem:v19+s31+$0x0] =	vst.idx.msk $0xffff, v18  }
0x599: {  	v17 =	vadd.s32 v2, v17;
	v19 =	vmov s19;
	v18 =	vld [tilespmem:s15+$0xFFFFFF90]  }
0x59a: {  	v19 =	vadd.s32 $0x180, v19  }
0x59b: {  	v19 =	vshrl.u32 v19, $0x3  }
0x59c: {  	v19 =	vshll.u32 v19, v1  }
0x59d: {  	v19 =	vbroadcast v19, $0x0  }
0x59e: {  	[tilespmem:v17+s31+$0x0] =	vst.idx.msk $0xffff, v18  }
0x59f: {  	v18 =	vadd.s32 v3, v19;
	v17 =	vld [tilespmem:s15+$0xFFFFFFA0];
	_ =	sdelay $0x4  }
0x5a0: {  	s17 =	simm.s32 $0x2;
	[tilespmem:v18+s31+$0x0] =	vst.idx.msk $0xffff, v17  }
0x5a1: {  	v18 =	vadd.s32 v4, v19;
	v19 =	vmov s17;
	v17 =	vld [tilespmem:s15+$0xFFFFFFB0]  }
0x5a2: {  	v19 =	vadd.s32 $0x180, v19  }
0x5a3: {  	v19 =	vshrl.u32 v19, $0x3  }
0x5a4: {  	v19 =	vshll.u32 v19, v1  }
0x5a5: {  	v19 =	vbroadcast v19, $0x0  }
0x5a6: {  	[tilespmem:v18+s31+$0x0] =	vst.idx.msk $0xffff, v17  }
0x5a7: {  	v18 =	vadd.s32 v5, v19;
	v17 =	vld [tilespmem:s15+$0xFFFFFFC0];
	_ =	sdelay $0x4  }
0x5a8: {  	s18 =	simm.s32 $0x3;
	[tilespmem:v18+s31+$0x0] =	vst.idx.msk $0xffff, v17  }
0x5a9: {  	v18 =	vadd.s32 v6, v19;
	v19 =	vmov s18;
	v17 =	vld [tilespmem:s15+$0xFFFFFFD0]  }
0x5aa: {  	v19 =	vadd.s32 $0x180, v19  }
0x5ab: {  	v19 =	vshrl.u32 v19, $0x3  }
0x5ac: {  	v19 =	vshll.u32 v19, v1  }
0x5ad: {  	v19 =	vbroadcast v19, $0x0  }
0x5ae: {  	[tilespmem:v18+s31+$0x0] =	vst.idx.msk $0xffff, v17  }
0x5af: {  	v18 =	vadd.s32 v7, v19;
	v17 =	vld [tilespmem:s15+$0xFFFFFFE0];
	_ =	sdelay $0x4  }
0x5b0: {  	s19 =	simm.s32 $0x4;
	[tilespmem:v18+s31+$0x0] =	vst.idx.msk $0xffff, v17  }
0x5b1: {  	v18 =	vadd.s32 v8, v19;
	v19 =	vmov s19;
	v17 =	vld [tilespmem:s15+$0xFFFFFFF0]  }
0x5b2: {  	v19 =	vadd.s32 $0x180, v19  }
0x5b3: {  	v19 =	vshrl.u32 v19, $0x3  }
0x5b4: {  	v19 =	vshll.u32 v19, v1  }
0x5b5: {  	v19 =	vbroadcast v19, $0x0  }
0x5b6: {  	[tilespmem:v18+s31+$0x0] =	vst.idx.msk $0xffff, v17  }
0x5b7: {  	v18 =	vadd.s32 v9, v19;
	v17 =	vld [tilespmem:s15+$0x0];
	_ =	sdelay $0x4  }
0x5b8: {  	s17 =	simm.s32 $0x5;
	[tilespmem:v18+s31+$0x0] =	vst.idx.msk $0xffff, v17  }
0x5b9: {  	v18 =	vadd.s32 v10, v19;
	v19 =	vmov s17;
	v17 =	vld [tilespmem:s15+$0x10]  }
0x5ba: {  	v19 =	vadd.s32 $0x180, v19  }
0x5bb: {  	v19 =	vshrl.u32 v19, $0x3  }
0x5bc: {  	v19 =	vshll.u32 v19, v1  }
0x5bd: {  	v19 =	vbroadcast v19, $0x0  }
0x5be: {  	[tilespmem:v18+s31+$0x0] =	vst.idx.msk $0xffff, v17  }
0x5bf: {  	v18 =	vadd.s32 v11, v19;
	v17 =	vld [tilespmem:s15+$0x20];
	_ =	sdelay $0x4  }
0x5c0: {  	s18 =	simm.s32 $0x6;
	[tilespmem:v18+s31+$0x0] =	vst.idx.msk $0xffff, v17  }
0x5c1: {  	v18 =	vadd.s32 v12, v19;
	v19 =	vmov s18;
	v17 =	vld [tilespmem:s15+$0x30]  }
0x5c2: {  	v19 =	vadd.s32 $0x180, v19  }
0x5c3: {  	v19 =	vshrl.u32 v19, $0x3  }
0x5c4: {  	v19 =	vshll.u32 v19, v1  }
0x5c5: {  	v19 =	vbroadcast v19, $0x0  }
0x5c6: {  	[tilespmem:v18+s31+$0x0] =	vst.idx.msk $0xffff, v17  }
0x5c7: {  	v18 =	vadd.s32 v13, v19;
	v17 =	vld [tilespmem:s15+$0x40];
	_ =	sdelay $0x4  }
0x5c8: {  	s19 =	simm.s32 $0x7;
	[tilespmem:v18+s31+$0x0] =	vst.idx.msk $0xffff, v17  }
0x5c9: {  	v19 =	vadd.s32 v14, v19;
	v17 =	vmov s19;
	v18 =	vld [tilespmem:s15+$0x50]  }
0x5ca: {  	v17 =	vadd.s32 $0x180, v17  }
0x5cb: {  	v17 =	vshrl.u32 v17, $0x3  }
0x5cc: {  	v17 =	vshll.u32 v17, v1  }
0x5cd: {  	v17 =	vbroadcast v17, $0x0  }
0x5ce: {  	[tilespmem:v19+s31+$0x0] =	vst.idx.msk $0xffff, v18  }
0x5cf: {  	v19 =	vadd.s32 v15, v17;
	v18 =	vld [tilespmem:s15+$0x60];
	_ =	sdelay $0x4  }
0x5d0: {  	s2 =	simm.s32 $0x8;
	s17 =	simm.s32 $0xF;
	s18 =	simm.s32 $0x17;
	[tilespmem:v19+s31+$0x0] =	vst.idx.msk $0xffff, v18  }
.LBB2_21:
0x5d1: {  	p0 =	sne.s32 s18, $0x7F;
	v18 =	vmov s2;
	v19 =	vld [tilespmem:s15+$0x70];
	v17 =	vadd.s32 v16, v17  }
0x5d2: {  	v18 =	vadd.s32 $0x180, v18  }
0x5d3: {  	v18 =	vshrl.u32 v18, $0x3  }
0x5d4: {  	v18 =	vshll.u32 v18, v1  }
0x5d5: {  	v18 =	vbroadcast v18, $0x0  }
0x5d6: {  	s15 =	sadd.s32 $0x100, s15;
	[tilespmem:v17+s31+$0x0] =	vst.idx.msk $0xffff, v19  }
0x5d7: {  	v17 =	vld [tilespmem:s15+$0xFFFFFF80];
	v19 =	vadd.s32 v0, v18;
	_ =	sdelay $0x4  }
0x5d8: {  	s2 =	sadd.s32 $0xFFFFFFFA, s17;
	[tilespmem:v19+s31+$0x0] =	vst.idx.msk $0xffff, v17  }
0x5d9: {  	v18 =	vadd.s32 v2, v18;
	v19 =	vmov s2;
	v17 =	vld [tilespmem:s15+$0xFFFFFF90]  }
0x5da: {  	v19 =	vadd.s32 $0x180, v19  }
0x5db: {  	v19 =	vshrl.u32 v19, $0x3  }
0x5dc: {  	v19 =	vshll.u32 v19, v1  }
0x5dd: {  	v19 =	vbroadcast v19, $0x0  }
0x5de: {  	[tilespmem:v18+s31+$0x0] =	vst.idx.msk $0xffff, v17  }
0x5df: {  	v18 =	vadd.s32 v3, v19;
	v17 =	vld [tilespmem:s15+$0xFFFFFFA0];
	_ =	sdelay $0x4  }
0x5e0: {  	s2 =	sadd.s32 $0xFFFFFFFB, s17;
	[tilespmem:v18+s31+$0x0] =	vst.idx.msk $0xffff, v17  }
0x5e1: {  	v18 =	vadd.s32 v4, v19;
	v19 =	vmov s2;
	v17 =	vld [tilespmem:s15+$0xFFFFFFB0]  }
0x5e2: {  	v19 =	vadd.s32 $0x180, v19  }
0x5e3: {  	v19 =	vshrl.u32 v19, $0x3  }
0x5e4: {  	v19 =	vshll.u32 v19, v1  }
0x5e5: {  	v19 =	vbroadcast v19, $0x0  }
0x5e6: {  	[tilespmem:v18+s31+$0x0] =	vst.idx.msk $0xffff, v17  }
0x5e7: {  	v18 =	vadd.s32 v5, v19;
	v17 =	vld [tilespmem:s15+$0xFFFFFFC0];
	_ =	sdelay $0x4  }
0x5e8: {  	s2 =	sadd.s32 $0xFFFFFFFC, s17;
	[tilespmem:v18+s31+$0x0] =	vst.idx.msk $0xffff, v17  }
0x5e9: {  	v18 =	vadd.s32 v6, v19;
	v19 =	vmov s2;
	v17 =	vld [tilespmem:s15+$0xFFFFFFD0]  }
0x5ea: {  	v19 =	vadd.s32 $0x180, v19  }
0x5eb: {  	v19 =	vshrl.u32 v19, $0x3  }
0x5ec: {  	v19 =	vshll.u32 v19, v1  }
0x5ed: {  	v19 =	vbroadcast v19, $0x0  }
0x5ee: {  	[tilespmem:v18+s31+$0x0] =	vst.idx.msk $0xffff, v17  }
0x5ef: {  	v18 =	vadd.s32 v7, v19;
	v17 =	vld [tilespmem:s15+$0xFFFFFFE0];
	_ =	sdelay $0x4  }
0x5f0: {  	s2 =	sadd.s32 $0xFFFFFFFD, s17;
	[tilespmem:v18+s31+$0x0] =	vst.idx.msk $0xffff, v17  }
0x5f1: {  	v18 =	vadd.s32 v8, v19;
	v19 =	vmov s2;
	v17 =	vld [tilespmem:s15+$0xFFFFFFF0]  }
0x5f2: {  	v19 =	vadd.s32 $0x180, v19  }
0x5f3: {  	v19 =	vshrl.u32 v19, $0x3  }
0x5f4: {  	v19 =	vshll.u32 v19, v1  }
0x5f5: {  	v19 =	vbroadcast v19, $0x0  }
0x5f6: {  	[tilespmem:v18+s31+$0x0] =	vst.idx.msk $0xffff, v17  }
0x5f7: {  	v18 =	vadd.s32 v9, v19;
	v17 =	vld [tilespmem:s15+$0x0];
	_ =	sdelay $0x4  }
0x5f8: {  	s2 =	sadd.s32 $0xFFFFFFFE, s17;
	[tilespmem:v18+s31+$0x0] =	vst.idx.msk $0xffff, v17  }
0x5f9: {  	v18 =	vadd.s32 v10, v19;
	v19 =	vmov s2;
	v17 =	vld [tilespmem:s15+$0x10]  }
0x5fa: {  	v19 =	vadd.s32 $0x180, v19  }
0x5fb: {  	v19 =	vshrl.u32 v19, $0x3  }
0x5fc: {  	v19 =	vshll.u32 v19, v1  }
0x5fd: {  	v19 =	vbroadcast v19, $0x0  }
0x5fe: {  	[tilespmem:v18+s31+$0x0] =	vst.idx.msk $0xffff, v17  }
0x5ff: {  	v18 =	vadd.s32 v11, v19;
	v17 =	vld [tilespmem:s15+$0x20];
	_ =	sdelay $0x4  }
0x600: {  	s2 =	sadd.s32 $0xFFFFFFFF, s17;
	[tilespmem:v18+s31+$0x0] =	vst.idx.msk $0xffff, v17  }
0x601: {  	v18 =	vadd.s32 v12, v19;
	v19 =	vmov s2;
	v17 =	vld [tilespmem:s15+$0x30]  }
0x602: {  	v19 =	vadd.s32 $0x180, v19  }
0x603: {  	v19 =	vshrl.u32 v19, $0x3  }
0x604: {  	v19 =	vshll.u32 v19, v1  }
0x605: {  	v19 =	vbroadcast v19, $0x0  }
0x606: {  	[tilespmem:v18+s31+$0x0] =	vst.idx.msk $0xffff, v17  }
0x607: {  	v18 =	vadd.s32 v13, v19;
	v17 =	vld [tilespmem:s15+$0x40];
	_ =	sdelay $0x4  }
0x608: {  	[tilespmem:v18+s31+$0x0] =	vst.idx.msk $0xffff, v17  }
0x609: {  	v19 =	vadd.s32 v14, v19;
	v17 =	vmov s17;
	s17 =	smov.u32 s18;
	v18 =	vld [tilespmem:s15+$0x50]  }
0x60a: {  	v17 =	vadd.s32 $0x180, v17  }
0x60b: {  	v17 =	vshrl.u32 v17, $0x3  }
0x60c: {  	v17 =	vshll.u32 v17, v1  }
0x60d: {  	v17 =	vbroadcast v17, $0x0  }
0x60e: {  	[tilespmem:v19+s31+$0x0] =	vst.idx.msk $0xffff, v18  }
0x60f: {  	v19 =	vadd.s32 v15, v17;
	v18 =	vld [tilespmem:s15+$0x60]  }
.Ltmp10:
0x610: {  	(pc) =	sbr.rel @p0 .LBB2_21-.Ltmp10, $2  }
0x611: {  	_ =	sdelay $0x2  }
0x612: {  	s18 =	sadd.s32 $0x8, s18;
	s2 =	sadd.s32 $0xFFFFFFF9, s17;
	[tilespmem:v19+s31+$0x0] =	vst.idx.msk $0xffff, v18  }
0x613: {  	v18 =	vmov s2;
	v19 =	vld [tilespmem:s15+$0x70];
	v17 =	vadd.s32 v16, v17  }
0x614: {  	v18 =	vadd.s32 $0x180, v18  }
0x615: {  	v18 =	vshrl.u32 v18, $0x3  }
0x616: {  	v18 =	vshll.u32 v18, v1  }
0x617: {  	v18 =	vbroadcast v18, $0x0  }
0x618: {  	s15 =	sadd.s32 $0x100, s15;
	[tilespmem:v17+s31+$0x0] =	vst.idx.msk $0xffff, v19  }
0x619: {  	v17 =	vld [tilespmem:s15+$0xFFFFFF80];
	v19 =	vadd.s32 v0, v18;
	_ =	sdelay $0x4  }
0x61a: {  	s18 =	sadd.s32 $0xFFFFFFFA, s17;
	[tilespmem:v19+s31+$0x0] =	vst.idx.msk $0xffff, v17  }
0x61b: {  	v18 =	vadd.s32 v2, v18;
	v19 =	vmov s18;
	v17 =	vld [tilespmem:s15+$0xFFFFFF90]  }
0x61c: {  	v19 =	vadd.s32 $0x180, v19  }
0x61d: {  	v19 =	vshrl.u32 v19, $0x3  }
0x61e: {  	v19 =	vshll.u32 v19, v1  }
0x61f: {  	v19 =	vbroadcast v19, $0x0  }
0x620: {  	[tilespmem:v18+s31+$0x0] =	vst.idx.msk $0xffff, v17  }
0x621: {  	v18 =	vadd.s32 v3, v19;
	v17 =	vld [tilespmem:s15+$0xFFFFFFA0];
	_ =	sdelay $0x4  }
0x622: {  	s19 =	sadd.s32 $0xFFFFFFFB, s17;
	[tilespmem:v18+s31+$0x0] =	vst.idx.msk $0xffff, v17  }
0x623: {  	v18 =	vadd.s32 v4, v19;
	v19 =	vmov s19;
	v17 =	vld [tilespmem:s15+$0xFFFFFFB0]  }
0x624: {  	v19 =	vadd.s32 $0x180, v19  }
0x625: {  	v19 =	vshrl.u32 v19, $0x3  }
0x626: {  	v19 =	vshll.u32 v19, v1  }
0x627: {  	v19 =	vbroadcast v19, $0x0  }
0x628: {  	[tilespmem:v18+s31+$0x0] =	vst.idx.msk $0xffff, v17  }
0x629: {  	v18 =	vadd.s32 v5, v19;
	v17 =	vld [tilespmem:s15+$0xFFFFFFC0];
	_ =	sdelay $0x4  }
0x62a: {  	s18 =	sadd.s32 $0xFFFFFFFC, s17;
	[tilespmem:v18+s31+$0x0] =	vst.idx.msk $0xffff, v17  }
0x62b: {  	v18 =	vadd.s32 v6, v19;
	v19 =	vmov s18;
	v17 =	vld [tilespmem:s15+$0xFFFFFFD0]  }
0x62c: {  	v19 =	vadd.s32 $0x180, v19  }
0x62d: {  	v19 =	vshrl.u32 v19, $0x3  }
0x62e: {  	v19 =	vshll.u32 v19, v1  }
0x62f: {  	v19 =	vbroadcast v19, $0x0  }
0x630: {  	[tilespmem:v18+s31+$0x0] =	vst.idx.msk $0xffff, v17  }
0x631: {  	v18 =	vadd.s32 v7, v19;
	v17 =	vld [tilespmem:s15+$0xFFFFFFE0];
	_ =	sdelay $0x4  }
0x632: {  	s19 =	sadd.s32 $0xFFFFFFFD, s17;
	[tilespmem:v18+s31+$0x0] =	vst.idx.msk $0xffff, v17  }
0x633: {  	v18 =	vadd.s32 v8, v19;
	v19 =	vmov s19;
	v17 =	vld [tilespmem:s15+$0xFFFFFFF0]  }
0x634: {  	v19 =	vadd.s32 $0x180, v19  }
0x635: {  	v19 =	vshrl.u32 v19, $0x3  }
0x636: {  	v19 =	vshll.u32 v19, v1  }
0x637: {  	v19 =	vbroadcast v19, $0x0  }
0x638: {  	[tilespmem:v18+s31+$0x0] =	vst.idx.msk $0xffff, v17  }
0x639: {  	v18 =	vadd.s32 v9, v19;
	v17 =	vld [tilespmem:s15+$0x0];
	_ =	sdelay $0x4  }
0x63a: {  	s18 =	sadd.s32 $0xFFFFFFFE, s17;
	[tilespmem:v18+s31+$0x0] =	vst.idx.msk $0xffff, v17  }
0x63b: {  	v18 =	vadd.s32 v10, v19;
	v19 =	vmov s18;
	v17 =	vld [tilespmem:s15+$0x10]  }
0x63c: {  	v19 =	vadd.s32 $0x180, v19  }
0x63d: {  	v19 =	vshrl.u32 v19, $0x3  }
0x63e: {  	v19 =	vshll.u32 v19, v1  }
0x63f: {  	v19 =	vbroadcast v19, $0x0  }
0x640: {  	[tilespmem:v18+s31+$0x0] =	vst.idx.msk $0xffff, v17  }
0x641: {  	v18 =	vadd.s32 v11, v19;
	v17 =	vld [tilespmem:s15+$0x20];
	_ =	sdelay $0x4  }
0x642: {  	s19 =	sadd.s32 $0xFFFFFFFF, s17;
	[tilespmem:v18+s31+$0x0] =	vst.idx.msk $0xffff, v17  }
0x643: {  	v18 =	vadd.s32 v12, v19;
	v19 =	vmov s19;
	v17 =	vld [tilespmem:s15+$0x30]  }
0x644: {  	v19 =	vadd.s32 $0x180, v19  }
0x645: {  	v19 =	vshrl.u32 v19, $0x3  }
0x646: {  	v19 =	vshll.u32 v19, v1  }
0x647: {  	v19 =	vbroadcast v19, $0x0  }
0x648: {  	[tilespmem:v18+s31+$0x0] =	vst.idx.msk $0xffff, v17  }
0x649: {  	v18 =	vadd.s32 v13, v19;
	v17 =	vld [tilespmem:s15+$0x40];
	_ =	sdelay $0x4  }
0x64a: {  	[tilespmem:v18+s31+$0x0] =	vst.idx.msk $0xffff, v17  }
0x64b: {  	v18 =	vadd.s32 v14, v19;
	v19 =	vmov s17;
	v17 =	vld [tilespmem:s15+$0x50]  }
0x64c: {  	v19 =	vadd.s32 $0x180, v19  }
0x64d: {  	v19 =	vshrl.u32 v19, $0x3  }
0x64e: {  	v19 =	vshll.u32 v19, v1  }
0x64f: {  	v19 =	vbroadcast v19, $0x0  }
0x650: {  	[tilespmem:v18+s31+$0x0] =	vst.idx.msk $0xffff, v17  }
0x651: {  	v18 =	vadd.s32 v15, v19;
	v17 =	vld [tilespmem:s15+$0x60];
	_ =	sdelay $0x4  }
0x652: {  	[tilespmem:v18+s31+$0x0] =	vst.idx.msk $0xffff, v17  }
0x653: {  	s12 =	sadd.s32 $0x1, s12;
	s18 =	sadd.s32 s14, s5;
	v18 =	vadd.s32 v16, v19;
	v17 =	vld [tilespmem:s15+$0x70]  }
0x654: {  	p0 =	sne.s32 s12, $0x19;
	s2 =	sadd.s32 $0x4, s18  }
.Ltmp11:
0x655: {  	s19 =	sshll.u32 s2, $0x4;
	(pc) =	sbr.rel @p0 .LBB2_2-.Ltmp11, $4  }
0x656: {  	s2 =	sshll.u32 s2, $0x9;
	s14 =	sand.u32 $0x7C0, s19  }
0x657: {  	s2 =	sand.u32 $0xFFF0000, s2;
	s14 =	sadd.s32 s4, s14  }
0x658: {  	s2 =	sadd.s32 s2, s14;
	[tilespmem:v18+s31+$0x0] =	vst.idx.msk $0xffff, v17  }
0x659: {  	[hbm4b:s2+s16] =	stream.strided.scatter [tilespmem:s31], [sflag:$0xA], $0x4000, s28, s16, $0x38;
	[tilespmem:$0x16400] =	vst v63  }
0x65a: {  	s11 =	sadd.s32 $0x1, s11  }
0x65b: {  	_ =	swait.ge [sflag:s10], $0x4000;
	p0 =	sne.s32 s11, s7  }
.Ltmp12:
0x65c: {  	[sflag:s10] =	ssyncset.done $0x0;
	(pc) =	sbr.rel @p0 .LBB2_1-.Ltmp12, $4  }
0x65d: {  	[sflag:s10] =	ssyncadd.s32 $0xFFFFC000  }
0x65e: {  	_ =	swait.ge [sflag:s30], $0x4000  }
0x65f: {  	[sflag:s30] =	ssyncset.done $0x0  }
0x660: {  	[sflag:s30] =	ssyncadd.s32 $0xFFFFC000  }
0x661: {  	_ =	sfence.sel $0x180000  }
0x662: {  	[bflag:$0x0] =	sbarrier.arrive $0xFFFF  }
0x663: {  	_ =	strace $0x90000047  }
0x664: {  	s0 =	stileid.u32;
	[bflag:$0x2] =	sbarrier.arrive $0xFFFF  }
0x665: {  	p0 =	sne.s32 s0, $0x0;
	s0 =	rddreg [dreg:$0x2]  }
0x666: {  	s0 =	sadd.s32 @!p0 $0x100000, s0  }
0x667: {  	[sflag:s0] =	ssyncadd.tile.s32 @!p0 $0x1;
	_ =	shalt  }
.Lfunc_end2:
_tile_overlayer_lowered:
.L_overlay_start_2:
0x668: {  	(tag) =	ssettag $0x2  }
0x669: {  	s0 =	rddreg [dreg:$0x0];
	s2 =	stileid.u32  }
0x66a: {  	s1 =	rddreg [dreg:$0x1];
	p0 =	sne.s32 s2, $0x0  }
0x66b: {  	s3 =	rddreg [dreg:$0x2];
	[bflag:$0x3] =	sbarrier.arrive $0xFFFF;
	s2 =	simm.s32 @!p0 $0x1C0B  }
0x66c: {  	[timem:s3], [sflag:s2] =	dma.local @!p0 [hbm:s0], s1  }
0x66d: {  	s0 =	simm.s32 @!p0 $0xB  }
0x66e: {  	_ =	swait.ge @!p0 [sflag:s0], s1  }
0x66f: {  	s1 =	ssub.s32 @!p0 $0x0, s1;
	[sflag:s0] =	ssyncset.done @!p0 $0x0  }
0x670: {  	[sflag:s0] =	ssyncadd.s32 @!p0 s1  }
0x671: {  	[bflag:$0x3] =	sbarrier.arrive $0xFFFF  }
0x672: {  	_ =	shalt  }

</sc_bundles>
